<compile_context>
chip_gen: v7x
topology: tpu7x:2x2x1
jax: 0.10.2.dev20260603
libtpu: 0.0.44.dev20260713+nightly
codegen_flags: <defaults>
</compile_context>

<pallas_src>
import functools

import jax
import jax.numpy as jnp
from jax import lax
from jax.experimental import pallas as pl
from jax.experimental.pallas import tpu as pltpu
from jax.experimental.pallas import tpu_sc as plsc

_N = 10000
_ND = 112
_NR = _N + _ND
_E = 160000
_EPAD = 163840
_B = 128
_NBM = 40
_NBR = 80
_RPT = _NR // 16
_NB = 1000
_GN = _N // _NB
_EPS = 1e-5

_mesh = plsc.VectorSubcoreMesh(core_axis_name="c", subcore_axis_name="s")
_sc_params = pltpu.CompilerParams(needs_layout_passes=False)



def _sc_deg(keep_ext, src32, dst32, zeros_nr):

  @functools.partial(
      pl.kernel,
      out_type=jax.ShapeDtypeStruct((32, 1, _NR), jnp.float32),
      mesh=_mesh,
      compiler_params=_sc_params,
      scratch_types=[
          pltpu.VMEM((_NR,), jnp.float32),
          pltpu.VMEM((_NBM, _B), jnp.int32),
          pltpu.VMEM((_NBM, _B), jnp.int32),
          pltpu.VMEM((1, _NR), jnp.float32),
      ],
  )
  def body(keep_h, src_h, dst_h, z_h, deg_h, kbuf, sbuf, dbuf, degbuf):
    c = lax.axis_index("c")
    s = lax.axis_index("s")
    w = s * 2 + c
    pltpu.sync_copy(keep_h, kbuf)
    pltpu.sync_copy(src_h.at[w], sbuf)
    pltpu.sync_copy(dst_h.at[w], dbuf)
    pltpu.sync_copy(z_h, degbuf)
    zi = jnp.zeros((16,), jnp.int32)

    def batch(b, carry):
      for j in range(_B // 16):
        sv = sbuf[b, pl.ds(j * 16, 16)]
        dv = dbuf[b, pl.ds(j * 16, 16)]
        ks = plsc.load_gather(kbuf, [sv])
        kd = plsc.load_gather(kbuf, [dv])
        plsc.addupdate_scatter(degbuf, [zi, dv], ks * kd)
      return carry

    lax.fori_loop(0, _NBM, batch, 0)
    pltpu.sync_copy(degbuf, deg_h.at[w])

  return body(keep_ext, src32, dst32, zeros_nr)


def _sc_rows(y, src16, dst16, zeros128, nchunks):
  cp = nchunks // 2

  @functools.partial(
      pl.kernel,
      out_type=jax.ShapeDtypeStruct((nchunks, _NR, _B), jnp.float32),
      mesh=_mesh,
      compiler_params=_sc_params,
      scratch_types=[
          pltpu.VMEM((_NBR, _B), jnp.int32),
          pltpu.VMEM((_NBR, _B), jnp.int32),
          pltpu.VMEM((_B, _B), jnp.float32),
          pltpu.VMEM_SHARED((_NR, _B), jnp.float32),
          pltpu.SemaphoreType.DMA,
      ],
  )
  def body(y_h, src_h, dst_h, z_h, out_h, sbuf, dbuf, rbuf, acc, sem):
    c = lax.axis_index("c")
    s = lax.axis_index("s")
    pltpu.sync_copy(src_h.at[s], sbuf)
    pltpu.sync_copy(dst_h.at[s], dbuf)
    for ci in range(cp):
      ch = c * cp + ci
      pltpu.sync_copy(z_h, acc.at[pl.ds(s * _RPT, _RPT)])
      plsc.subcore_barrier()

      def batch(b, carry):
        pltpu.async_copy(y_h.at[ch].at[sbuf.at[b]], rbuf, sem).wait()
        pltpu.sync_copy(rbuf, acc.at[dbuf.at[b]], add=True)
        return carry

      lax.fori_loop(0, _NBR, batch, 0)
      plsc.subcore_barrier()
      pltpu.sync_copy(acc.at[pl.ds(s * _RPT, _RPT)],
                      out_h.at[ch, pl.ds(s * _RPT, _RPT)])
      plsc.subcore_barrier()

  return body(y, src16, dst16, zeros128)



def _deg_to_dinv(deg_blk):
  d = jnp.sum(deg_blk, axis=1) + 1.0
  return lax.rsqrt(d)


def _t1_scale(x, deg):

  def body(deg_ref, x_ref, y_ref):
    dinv = _deg_to_dinv(deg_ref[...])
    y_ref[0] = x_ref[...] * dinv[:, None]

  return pl.pallas_call(
      body,
      grid=(2, _GN),
      in_specs=[
          pl.BlockSpec((_NB, 32), lambda c, i: (i, 0)),
          pl.BlockSpec((_NB, 128), lambda c, i: (i, c)),
      ],
      out_specs=pl.BlockSpec((1, _NB, 128), lambda c, i: (c, i, 0)),
      out_shape=jax.ShapeDtypeStruct((2, _N, 128), jnp.float32),
  )(deg, x)


def _t2_conv1(x, s1, deg, w1, b1):

  def body(x_ref, s_ref, deg_ref, w_ref, b_ref, h_ref, st_ref):
    i = pl.program_id(0)
    dinv = _deg_to_dinv(deg_ref[...])
    di = dinv[:, None]
    di2 = (dinv * dinv)[:, None]
    u = jnp.concatenate(
        [s_ref[c] * di + x_ref[:, c * 128:(c + 1) * 128] * di2
         for c in range(2)], axis=1)
    h = jnp.dot(u, w_ref[...], preferred_element_type=jnp.float32) + b_ref[...]
    h_ref[...] = h

    @pl.when(i == 0)
    def _():
      st_ref[...] = jnp.zeros_like(st_ref)

    st_ref[...] += jnp.stack([h.sum(0), (h * h).sum(0)])

  return pl.pallas_call(
      body,
      grid=(_GN,),
      in_specs=[
          pl.BlockSpec((_NB, 256), lambda i: (i, 0)),
          pl.BlockSpec((2, _NB, 128), lambda i: (0, i, 0)),
          pl.BlockSpec((_NB, 32), lambda i: (i, 0)),
          pl.BlockSpec((256, 1024), lambda i: (0, 0)),
          pl.BlockSpec((1, 1024), lambda i: (0, 0)),
      ],
      out_specs=[
          pl.BlockSpec((_NB, 1024), lambda i: (i, 0)),
          pl.BlockSpec((2, 1024), lambda i: (0, 0)),
      ],
      out_shape=[
          jax.ShapeDtypeStruct((_N, 1024), jnp.float32),
          jax.ShapeDtypeStruct((2, 1024), jnp.float32),
      ],
  )(x, s1, deg, w1, b1)


def _bn_relu_score(h, stats, gamma, beta, pw, divisor):

  def body(h_ref, st_ref, g_ref, b_ref, p_ref, out_ref, sc_ref):
    mu = st_ref[0] * (1.0 / divisor)
    var = st_ref[1] * (1.0 / divisor) - mu * mu
    sc = lax.rsqrt(var + _EPS) * g_ref[0]
    sh = b_ref[0] - mu * sc
    g = jnp.maximum(h_ref[...] * sc[None, :] + sh[None, :], 0.0)
    out_ref[...] = g
    pwv = p_ref[...]
    nrm = jnp.sqrt(jnp.sum(pwv * pwv))
    sc_ref[...] = jnp.dot(g, pwv, preferred_element_type=jnp.float32) / nrm

  return pl.pallas_call(
      body,
      grid=(_GN,),
      in_specs=[
          pl.BlockSpec((_NB, 1024), lambda i: (i, 0)),
          pl.BlockSpec((2, 1024), lambda i: (0, 0)),
          pl.BlockSpec((1, 1024), lambda i: (0, 0)),
          pl.BlockSpec((1, 1024), lambda i: (0, 0)),
          pl.BlockSpec((1024, 1), lambda i: (0, 0)),
      ],
      out_specs=[
          pl.BlockSpec((_NB, 1024), lambda i: (i, 0)),
          pl.BlockSpec((_NB, 1), lambda i: (i, 0)),
      ],
      out_shape=[
          jax.ShapeDtypeStruct((_N, 1024), jnp.float32),
          jax.ShapeDtypeStruct((_N, 1), jnp.float32),
      ],
  )(h, stats, gamma, beta, pw)


def _topk_mask(score, elig, k):

  def body(s_ref, e_ref, keep_ref, w_ref):
    s = s_ref[...]
    e = e_ref[...] > 0.5
    bu = lax.bitcast_convert_type(s, jnp.uint32)
    neg = (bu >> jnp.uint32(31)) == jnp.uint32(1)
    key = bu ^ jnp.where(neg, jnp.uint32(0xFFFFFFFF), jnp.uint32(0x80000000))
    key = jnp.where(e, key, jnp.uint32(0))
    idx = lax.broadcasted_iota(jnp.int32, s.shape, 0)

    def bit_step(i, t):
      cand = t | (jnp.uint32(1) << (jnp.uint32(31) - i.astype(jnp.uint32)))
      cnt = jnp.sum((key >= cand).astype(jnp.int32))
      return jnp.where(cnt >= k, cand, t)

    thr = lax.fori_loop(0, 32, bit_step, jnp.uint32(0))
    ties = key == thr
    r = k - jnp.sum((key > thr).astype(jnp.int32))

    def j_step(i, jv):
      cand = jv | (jnp.int32(1) << (jnp.int32(13) - i))
      f = jnp.sum((ties & (idx < cand)).astype(jnp.int32))
      return jnp.where(f <= r, cand, jv)

    jcut = lax.fori_loop(0, 14, j_step, jnp.int32(0))
    keep = (key > thr) | (ties & (idx < jcut))
    keep_ref[...] = keep.astype(jnp.float32)
    w_ref[...] = jnp.where(keep, jnp.tanh(s), 0.0)

  return pl.pallas_call(
      body,
      out_shape=[
          jax.ShapeDtypeStruct((_N, 1), jnp.float32),
          jax.ShapeDtypeStruct((_N, 1), jnp.float32),
      ],
  )(score, elig)


def _t5_prep2(g1o, w1, deg2, k1):

  def body(g_ref, w_ref, deg_ref, y_ref, x1_ref):
    i = pl.program_id(1)
    dinv = _deg_to_dinv(deg_ref[...])
    wv = w_ref[:, 0]
    p = g_ref[...] * wv[:, None]

    @pl.when(i == 0)
    def _():
      x1_ref[...] = jnp.zeros_like(x1_ref)

    x1_ref[...] += p.sum(0, keepdims=True) * (1.0 / k1)
    y_ref[0] = p * dinv[:, None]

  return pl.pallas_call(
      body,
      grid=(8, _GN),
      in_specs=[
          pl.BlockSpec((_NB, 128), lambda c, i: (i, c)),
          pl.BlockSpec((_NB, 1), lambda c, i: (i, 0)),
          pl.BlockSpec((_NB, 32), lambda c, i: (i, 0)),
      ],
      out_specs=[
          pl.BlockSpec((1, _NB, 128), lambda c, i: (c, i, 0)),
          pl.BlockSpec((1, 128), lambda c, i: (0, c)),
      ],
      out_shape=[
          jax.ShapeDtypeStruct((8, _N, 128), jnp.float32),
          jax.ShapeDtypeStruct((1, 1024), jnp.float32),
      ],
  )(g1o, w1, deg2)


def _t6_conv2(s2, y2, deg2, keep1, w2, b2):

  def body(s_ref, y_ref, deg_ref, k_ref, w_ref, b_ref, h_ref, st_ref):
    i = pl.program_id(0)
    dinv = _deg_to_dinv(deg_ref[...])[:, None]
    u = jnp.concatenate(
        [(s_ref[c] + y_ref[c]) * dinv for c in range(8)], axis=1)
    h = jnp.dot(u, w_ref[...], preferred_element_type=jnp.float32) + b_ref[...]
    h_ref[...] = h
    hm = h * k_ref[...]

    @pl.when(i == 0)
    def _():
      st_ref[...] = jnp.zeros_like(st_ref)

    st_ref[...] += jnp.stack([hm.sum(0), (h * hm).sum(0)])

  return pl.pallas_call(
      body,
      grid=(_GN,),
      in_specs=[
          pl.BlockSpec((8, _NB, 128), lambda i: (0, i, 0)),
          pl.BlockSpec((8, _NB, 128), lambda i: (0, i, 0)),
          pl.BlockSpec((_NB, 32), lambda i: (i, 0)),
          pl.BlockSpec((_NB, 1), lambda i: (i, 0)),
          pl.BlockSpec((1024, 1024), lambda i: (0, 0)),
          pl.BlockSpec((1, 1024), lambda i: (0, 0)),
      ],
      out_specs=[
          pl.BlockSpec((_NB, 1024), lambda i: (i, 0)),
          pl.BlockSpec((2, 1024), lambda i: (0, 0)),
      ],
      out_shape=[
          jax.ShapeDtypeStruct((_N, 1024), jnp.float32),
          jax.ShapeDtypeStruct((2, 1024), jnp.float32),
      ],
  )(s2, y2, deg2, keep1, w2, b2)


def _t9_final(g2o, w2, x1, wf, bf, wo, bo, k2):

  def body(g_ref, w_ref, x1_ref, wf_ref, bf_ref, wo_ref, bo_ref,
           out_ref, acc):
    i = pl.program_id(0)

    @pl.when(i == 0)
    def _():
      acc[...] = jnp.zeros_like(acc)

    wv = w_ref[:, 0]
    acc[...] += (g_ref[...] * wv[:, None]).sum(0, keepdims=True) * (1.0 / k2)

    @pl.when(i == _GN - 1)
    def _():
      z = x1_ref[...] + acc[...]
      zf = jnp.maximum(
          jnp.dot(z, wf_ref[...], preferred_element_type=jnp.float32)
          + bf_ref[...], 0.0)
      out_ref[...] = (
          jnp.dot(zf, wo_ref[...], preferred_element_type=jnp.float32)
          + bo_ref[...])

  return pl.pallas_call(
      body,
      grid=(_GN,),
      in_specs=[
          pl.BlockSpec((_NB, 1024), lambda i: (i, 0)),
          pl.BlockSpec((_NB, 1), lambda i: (i, 0)),
          pl.BlockSpec((1, 1024), lambda i: (0, 0)),
          pl.BlockSpec((1024, 512), lambda i: (0, 0)),
          pl.BlockSpec((1, 512), lambda i: (0, 0)),
          pl.BlockSpec((512, 128), lambda i: (0, 0)),
          pl.BlockSpec((1, 128), lambda i: (0, 0)),
      ],
      out_specs=pl.BlockSpec((1, 128), lambda i: (0, 0)),
      out_shape=jax.ShapeDtypeStruct((1, 128), jnp.float32),
      scratch_shapes=[pltpu.VMEM((1, 1024), jnp.float32)],
  )(g2o, w2, x1, wf, bf, wo, bo)



def kernel(x, edge_index, batch, W1, b1, g1, bt1, pw1, W2, b2, g2, bt2, pw2,
           Wf, bf, Wo, bo):
  f32 = jnp.float32
  src = edge_index[0]
  dst = edge_index[1]
  npad = _EPAD - _E
  pad_dump = _N + (jnp.arange(npad, dtype=jnp.int32) % 16)
  src_p = jnp.concatenate(
      [src, jnp.zeros((npad,), jnp.int32)]).reshape(32, _NBM, _B)
  dst_p = jnp.concatenate([dst, pad_dump]).reshape(32, _NBM, _B)
  src16 = src_p.reshape(16, _NBR, _B)
  dst16 = dst_p.reshape(16, _NBR, _B)
  zeros_nr = jnp.zeros((1, _NR), f32)
  zeros128 = jnp.zeros((_RPT, _B), f32)
  ones_keep = jnp.ones((_NR,), f32)

  deg1 = _sc_deg(ones_keep, src_p, dst_p, zeros_nr)[:, 0, :].T
  y1 = _t1_scale(x, deg1)
  s1 = _sc_rows(y1, src16, dst16, zeros128, 2)
  h1, st1 = _t2_conv1(x, s1, deg1, W1, b1.reshape(1, -1))
  g1o, sc1 = _bn_relu_score(h1, st1, g1.reshape(1, -1), bt1.reshape(1, -1),
                            pw1.reshape(-1, 1), float(_N))
  keep1, w1 = _topk_mask(sc1, jnp.ones((_N, 1), f32), 5000)

  keep_ext = jnp.concatenate([keep1.reshape(-1), jnp.ones((_ND,), f32)])
  deg2 = _sc_deg(keep_ext, src_p, dst_p, zeros_nr)[:, 0, :].T
  y2, x1 = _t5_prep2(g1o, w1, deg2, 5000.0)
  s2 = _sc_rows(y2, src16, dst16, zeros128, 8)
  h2, st2 = _t6_conv2(s2, y2, deg2, keep1, W2, b2.reshape(1, -1))
  g2o, sc2 = _bn_relu_score(h2, st2, g2.reshape(1, -1), bt2.reshape(1, -1),
                            pw2.reshape(-1, 1), 5000.0)
  _, w2 = _topk_mask(sc2, keep1, 2500)

  return _t9_final(g2o, w2, x1, Wf, bf.reshape(1, -1), Wo, bo.reshape(1, -1),
                   2500.0)

# --- scband reference (transcript-rebuilt; emitter-appended) ---
"""Pipeline reference for scband-gcn-12189117186674 (READ-ONLY COPY).

The authoritative reference and input builder live on the scoring server;
editing this copy changes nothing except your own understanding.
"""

import jax, jax.numpy as jnp
import numpy as np

N = 10000
E = 160000
F_IN = 256
H = 1024
OUT = 128
RATIO = 0.5

def _gcn_conv(x, src, dst, emask, W, b, n):
    # GCNConv with added self-loops and symmetric normalization.
    xw = x @ W
    deg = jnp.zeros((n,), x.dtype).at[dst].add(emask) + 1.0  # +1 for self loop
    dinv = jax.lax.rsqrt(deg)
    norm = dinv[src] * dinv[dst] * emask
    agg = jnp.zeros((n, W.shape[1]), x.dtype).at[dst].add(xw[src] * norm[:, None])
    agg = agg + xw * (dinv * dinv)[:, None]  # self-loop messages
    return agg + b

def _bn(x, g, b, eps=1e-5):
    # BatchNorm over node dim, training-mode statistics
    mu = x.mean(0)
    var = x.var(0)
    return (x - mu) * jax.lax.rsqrt(var + eps) * g + b

def _topk_pool(x, src, dst, emask, pw, n):
    # TopKPooling(ratio=0.5), single graph (batch all zeros)
    k = int(np.ceil(n * RATIO))
    score = (x @ pw) / jnp.linalg.norm(pw)
    vals, perm = jax.lax.top_k(score, k)
    x_new = x[perm] * jnp.tanh(vals)[:, None]
    new_idx = jnp.full((n,), -1, dtype=jnp.int32).at[perm].set(jnp.arange(k, dtype=jnp.int32))
    ns = new_idx[src]
    nd = new_idx[dst]
    new_mask = emask * (ns >= 0) * (nd >= 0)
    return x_new, jnp.maximum(ns, 0), jnp.maximum(nd, 0), new_mask.astype(x.dtype), k

def _forward(x, W1, b1, g1, bt1, pw1, W2, b2, g2, bt2, pw2, Wf, bf, Wo, bo, edge_index):
    src = edge_index[0]
    dst = edge_index[1]
    emask = jnp.ones((src.shape[0],), x.dtype)
    h = _gcn_conv(x, src, dst, emask, W1, b1, N)
    h = jax.nn.relu(_bn(h, g1, bt1))
    h, src, dst, emask, n1 = _topk_pool(h, src, dst, emask, pw1, N)
    x1 = h.mean(0, keepdims=True)  # global_mean_pool, single graph
    h = _gcn_conv(h, src, dst, emask, W2, b2, n1)
    h = jax.nn.relu(_bn(h, g2, bt2))
    h, src, dst, emask, n2 = _topk_pool(h, src, dst, emask, pw2, n1)
    x2 = h.mean(0, keepdims=True)
    z = x1 + x2
    z = jax.nn.relu(z @ Wf + bf)
    # dropout is identity in eval
    return z @ Wo + bo

def setup_inputs(seed: int = 0):
    key = jax.random.key(seed)
    ks = jax.random.split(key, 12)
    inp = {}
    inp["x"] = jax.random.normal(ks[0], (N, F_IN), dtype=jnp.float32)
    inp["edge_index"] = jax.random.randint(ks[1], (2, E), 0, N, dtype=jnp.int32)
    inp["batch"] = jnp.zeros((N,), dtype=jnp.int32)
    inp["W1"] = jax.random.normal(ks[2], (F_IN, H), dtype=jnp.float32) / np.sqrt(F_IN)
    inp["b1"] = jnp.zeros((H,), jnp.float32)
    inp["g1"] = jnp.ones((H,), jnp.float32)
    inp["bt1"] = jnp.zeros((H,), jnp.float32)
    inp["pw1"] = jax.random.normal(ks[3], (H,), dtype=jnp.float32) / np.sqrt(H)
    inp["W2"] = jax.random.normal(ks[4], (H, H), dtype=jnp.float32) / np.sqrt(H)
    inp["b2"] = jnp.zeros((H,), jnp.float32)
    inp["g2"] = jnp.ones((H,), jnp.float32)
    inp["bt2"] = jnp.zeros((H,), jnp.float32)
    inp["pw2"] = jax.random.normal(ks[5], (H,), dtype=jnp.float32) / np.sqrt(H)
    inp["Wf"] = jax.random.normal(ks[6], (H, 512), dtype=jnp.float32) / np.sqrt(H)
    inp["bf"] = jnp.zeros((512,), jnp.float32)
    inp["Wo"] = jax.random.normal(ks[7], (512, OUT), dtype=jnp.float32) / np.sqrt(512)
    inp["bo"] = jnp.zeros((OUT,), jnp.float32)
    return inp

def reference(x, edge_index, batch, W1, b1, g1, bt1, pw1, W2, b2, g2, bt2, pw2, Wf, bf, Wo, bo):
    return _forward(x, W1, b1, g1, bt1, pw1, W2, b2, g2, bt2, pw2, Wf, bf, Wo, bo, edge_index)

if __name__ == "__main__":
    import jax
    _d = setup_inputs()
    print(jax.jit(kernel)(*tuple(_d.values())))

</pallas_src>

<mosaic_0001>
#map = affine_map<(d0, d1) -> (0)>
#map1 = affine_map<(d0, d1) -> (0, 0, 0)>
#map2 = affine_map<(d0, d1) -> (0, 0)>
module attributes {stable_mosaic.version = 14 : i64} {
  func.func @body(%arg0: i32, %arg1: i32, %arg2: memref<10112xf32, #tpu.memory_space<hbm>>, %arg3: memref<32x40x128xi32, #tpu.memory_space<hbm>>, %arg4: memref<32x40x128xi32, #tpu.memory_space<hbm>>, %arg5: memref<1x10112xf32, #tpu.memory_space<hbm>>, %arg6: memref<32x1x10112xf32, #tpu.memory_space<hbm>>, %arg7: memref<10112xf32, #tpu.memory_space<vmem>>, %arg8: memref<40x128xi32, #tpu.memory_space<vmem>>, %arg9: memref<40x128xi32, #tpu.memory_space<vmem>>, %arg10: memref<1x10112xf32, #tpu.memory_space<vmem>>) attributes {dimension_semantics = [#tpu.dimension_semantics<core_parallel>, #tpu.dimension_semantics<subcore_parallel>], iteration_bounds = array<i64: 2, 16>, scalar_prefetch = 0 : i64, scratch_operands = 4 : i64, tpu.core_type = #tpu.core_type<sc_vector_subcore>, window_params = [{transform_indices = #map}, {transform_indices = #map1}, {transform_indices = #map1}, {transform_indices = #map2}, {transform_indices = #map1}]} {
    %mul3A = arith.constant 2 : i32
    %mul3A_0 = arith.muli %arg1, %mul3A : i32
    %add3A = arith.addi %mul3A_0, %arg0 : i32
    "tpu.region"() ({
      %run_scoped3A = tpu.sem_alloc : memref<!tpu.dma_semaphore, #tpu.memory_space<semaphore_mem>>
      tpu.enqueue_dma source(%arg2 : memref<10112xf32, #tpu.memory_space<hbm>>) target(%arg7 : memref<10112xf32, #tpu.memory_space<vmem>>) target_semaphore(%run_scoped3A : memref<!tpu.dma_semaphore, #tpu.memory_space<semaphore_mem>>)
      tpu.wait_dma2 semaphore(%run_scoped3A : memref<!tpu.dma_semaphore, #tpu.memory_space<semaphore_mem>>) src(%arg2 : memref<10112xf32, #tpu.memory_space<hbm>>) dst(%arg7 : memref<10112xf32, #tpu.memory_space<vmem>>)
      tpu.yield
    }) : () -> ()
    "tpu.region"() ({
      %run_scoped3A = tpu.sem_alloc : memref<!tpu.dma_semaphore, #tpu.memory_space<semaphore_mem>>
      %dma_start3A = arith.constant 0 : i32
      %dma_start3A_7 = arith.constant 0 : i32
      %dma_start3A_8 = tpu.memref_slice %arg3[%add3A, %dma_start3A, %dma_start3A_7] : memref<32x40x128xi32, #tpu.memory_space<hbm>> -> memref<1x40x128xi32, #tpu.memory_space<hbm>>
      %dma_start3A_9 = tpu.memref_squeeze %dma_start3A_8 : memref<1x40x128xi32, #tpu.memory_space<hbm>> -> memref<40x128xi32, #tpu.memory_space<hbm>>
      %dma_start3A_10 = arith.constant 0 : i32
      %dma_start3A_11 = arith.constant 0 : i32
      %dma_start3A_12 = tpu.memref_slice %arg3[%add3A, %dma_start3A_10, %dma_start3A_11] : memref<32x40x128xi32, #tpu.memory_space<hbm>> -> memref<1x40x128xi32, #tpu.memory_space<hbm>>
      %dma_start3A_13 = tpu.memref_squeeze %dma_start3A_12 : memref<1x40x128xi32, #tpu.memory_space<hbm>> -> memref<40x128xi32, #tpu.memory_space<hbm>>
      tpu.enqueue_dma source(%dma_start3A_13 : memref<40x128xi32, #tpu.memory_space<hbm>>) target(%arg8 : memref<40x128xi32, #tpu.memory_space<vmem>>) target_semaphore(%run_scoped3A : memref<!tpu.dma_semaphore, #tpu.memory_space<semaphore_mem>>)
      %dma_wait3A = arith.constant 0 : i32
      %dma_wait3A_14 = arith.constant 0 : i32
      %dma_wait3A_15 = tpu.memref_slice %arg3[%add3A, %dma_wait3A, %dma_wait3A_14] : memref<32x40x128xi32, #tpu.memory_space<hbm>> -> memref<1x40x128xi32, #tpu.memory_space<hbm>>
      %dma_wait3A_16 = tpu.memref_squeeze %dma_wait3A_15 : memref<1x40x128xi32, #tpu.memory_space<hbm>> -> memref<40x128xi32, #tpu.memory_space<hbm>>
      %dma_wait3A_17 = arith.constant 0 : i32
      %dma_wait3A_18 = arith.constant 0 : i32
      %dma_wait3A_19 = tpu.memref_slice %arg3[%add3A, %dma_wait3A_17, %dma_wait3A_18] : memref<32x40x128xi32, #tpu.memory_space<hbm>> -> memref<1x40x128xi32, #tpu.memory_space<hbm>>
      %dma_wait3A_20 = tpu.memref_squeeze %dma_wait3A_19 : memref<1x40x128xi32, #tpu.memory_space<hbm>> -> memref<40x128xi32, #tpu.memory_space<hbm>>
      tpu.wait_dma2 semaphore(%run_scoped3A : memref<!tpu.dma_semaphore, #tpu.memory_space<semaphore_mem>>) src(%dma_wait3A_20 : memref<40x128xi32, #tpu.memory_space<hbm>>) dst(%arg8 : memref<40x128xi32, #tpu.memory_space<vmem>>)
      tpu.yield
    }) : () -> ()
    "tpu.region"() ({
      %run_scoped3A = tpu.sem_alloc : memref<!tpu.dma_semaphore, #tpu.memory_space<semaphore_mem>>
      %dma_start3A = arith.constant 0 : i32
      %dma_start3A_7 = arith.constant 0 : i32
      %dma_start3A_8 = tpu.memref_slice %arg4[%add3A, %dma_start3A, %dma_start3A_7] : memref<32x40x128xi32, #tpu.memory_space<hbm>> -> memref<1x40x128xi32, #tpu.memory_space<hbm>>
      %dma_start3A_9 = tpu.memref_squeeze %dma_start3A_8 : memref<1x40x128xi32, #tpu.memory_space<hbm>> -> memref<40x128xi32, #tpu.memory_space<hbm>>
      %dma_start3A_10 = arith.constant 0 : i32
      %dma_start3A_11 = arith.constant 0 : i32
      %dma_start3A_12 = tpu.memref_slice %arg4[%add3A, %dma_start3A_10, %dma_start3A_11] : memref<32x40x128xi32, #tpu.memory_space<hbm>> -> memref<1x40x128xi32, #tpu.memory_space<hbm>>
      %dma_start3A_13 = tpu.memref_squeeze %dma_start3A_12 : memref<1x40x128xi32, #tpu.memory_space<hbm>> -> memref<40x128xi32, #tpu.memory_space<hbm>>
      tpu.enqueue_dma source(%dma_start3A_13 : memref<40x128xi32, #tpu.memory_space<hbm>>) target(%arg9 : memref<40x128xi32, #tpu.memory_space<vmem>>) target_semaphore(%run_scoped3A : memref<!tpu.dma_semaphore, #tpu.memory_space<semaphore_mem>>)
      %dma_wait3A = arith.constant 0 : i32
      %dma_wait3A_14 = arith.constant 0 : i32
      %dma_wait3A_15 = tpu.memref_slice %arg4[%add3A, %dma_wait3A, %dma_wait3A_14] : memref<32x40x128xi32, #tpu.memory_space<hbm>> -> memref<1x40x128xi32, #tpu.memory_space<hbm>>
      %dma_wait3A_16 = tpu.memref_squeeze %dma_wait3A_15 : memref<1x40x128xi32, #tpu.memory_space<hbm>> -> memref<40x128xi32, #tpu.memory_space<hbm>>
      %dma_wait3A_17 = arith.constant 0 : i32
      %dma_wait3A_18 = arith.constant 0 : i32
      %dma_wait3A_19 = tpu.memref_slice %arg4[%add3A, %dma_wait3A_17, %dma_wait3A_18] : memref<32x40x128xi32, #tpu.memory_space<hbm>> -> memref<1x40x128xi32, #tpu.memory_space<hbm>>
      %dma_wait3A_20 = tpu.memref_squeeze %dma_wait3A_19 : memref<1x40x128xi32, #tpu.memory_space<hbm>> -> memref<40x128xi32, #tpu.memory_space<hbm>>
      tpu.wait_dma2 semaphore(%run_scoped3A : memref<!tpu.dma_semaphore, #tpu.memory_space<semaphore_mem>>) src(%dma_wait3A_20 : memref<40x128xi32, #tpu.memory_space<hbm>>) dst(%arg9 : memref<40x128xi32, #tpu.memory_space<vmem>>)
      tpu.yield
    }) : () -> ()
    "tpu.region"() ({
      %run_scoped3A = tpu.sem_alloc : memref<!tpu.dma_semaphore, #tpu.memory_space<semaphore_mem>>
      tpu.enqueue_dma source(%arg5 : memref<1x10112xf32, #tpu.memory_space<hbm>>) target(%arg10 : memref<1x10112xf32, #tpu.memory_space<vmem>>) target_semaphore(%run_scoped3A : memref<!tpu.dma_semaphore, #tpu.memory_space<semaphore_mem>>)
      tpu.wait_dma2 semaphore(%run_scoped3A : memref<!tpu.dma_semaphore, #tpu.memory_space<semaphore_mem>>) src(%arg5 : memref<1x10112xf32, #tpu.memory_space<hbm>>) dst(%arg10 : memref<1x10112xf32, #tpu.memory_space<vmem>>)
      tpu.yield
    }) : () -> ()
    %broadcast_in_dim3A = arith.constant 0 : i32
    %broadcast_in_dim3A_1 = vector.broadcast %broadcast_in_dim3A : i32 to vector<16xi32>
    %scan3A = arith.constant 0 : i32
    %scan3A_2 = arith.constant 0 : i32
    %scan3A_3 = arith.constant 40 : i32
    %scan3A_4 = arith.addi %scan3A_2, %scan3A_3 : i32
    %scan3A_5 = arith.constant 1 : i32
    scf.for %scan3A_7 = %scan3A_2 to %scan3A_4 step %scan3A_5  : i32 {
      %get3A = arith.index_cast %scan3A_7 : i32 to index
      %get3A_8 = arith.constant 0 : index
      %get3A_9 = tpu.vector_load %arg8[%get3A, %get3A_8] {strides = array<i32>} : memref<40x128xi32, #tpu.memory_space<vmem>>, vector<16xi32>,
      %get3A_10 = arith.index_cast %scan3A_7 : i32 to index
      %get3A_11 = arith.constant 0 : index
      %get3A_12 = tpu.vector_load %arg9[%get3A_10, %get3A_11] {strides = array<i32>} : memref<40x128xi32, #tpu.memory_space<vmem>>, vector<16xi32>,
      %gather3A = tpu.vector_load_idx %arg7[%get3A_9] : memref<10112xf32, #tpu.memory_space<vmem>>[vector<16xi32>], vector<16xf32>,
      %gather3A_13 = tpu.vector_load_idx %arg7[%get3A_12] : memref<10112xf32, #tpu.memory_space<vmem>>[vector<16xi32>], vector<16xf32>,
      %mul3A_14 = arith.mulf %gather3A, %gather3A_13 : vector<16xf32>
      tpu.vector_store_idx %arg10[%broadcast_in_dim3A_1, %get3A_12], %mul3A_14 {add = true} : memref<1x10112xf32, #tpu.memory_space<vmem>>[vector<16xi32>, vector<16xi32>], vector<16xf32>,
      %get3A_15 = arith.index_cast %scan3A_7 : i32 to index
      %get3A_16 = arith.constant 16 : index
      %get3A_17 = tpu.vector_load %arg8[%get3A_15, %get3A_16] {strides = array<i32>} : memref<40x128xi32, #tpu.memory_space<vmem>>, vector<16xi32>,
      %get3A_18 = arith.index_cast %scan3A_7 : i32 to index
      %get3A_19 = arith.constant 16 : index
      %get3A_20 = tpu.vector_load %arg9[%get3A_18, %get3A_19] {strides = array<i32>} : memref<40x128xi32, #tpu.memory_space<vmem>>, vector<16xi32>,
      %gather3A_21 = tpu.vector_load_idx %arg7[%get3A_17] : memref<10112xf32, #tpu.memory_space<vmem>>[vector<16xi32>], vector<16xf32>,
      %gather3A_22 = tpu.vector_load_idx %arg7[%get3A_20] : memref<10112xf32, #tpu.memory_space<vmem>>[vector<16xi32>], vector<16xf32>,
      %mul3A_23 = arith.mulf %gather3A_21, %gather3A_22 : vector<16xf32>
      tpu.vector_store_idx %arg10[%broadcast_in_dim3A_1, %get3A_20], %mul3A_23 {add = true} : memref<1x10112xf32, #tpu.memory_space<vmem>>[vector<16xi32>, vector<16xi32>], vector<16xf32>,
      %get3A_24 = arith.index_cast %scan3A_7 : i32 to index
      %get3A_25 = arith.constant 32 : index
      %get3A_26 = tpu.vector_load %arg8[%get3A_24, %get3A_25] {strides = array<i32>} : memref<40x128xi32, #tpu.memory_space<vmem>>, vector<16xi32>,
      %get3A_27 = arith.index_cast %scan3A_7 : i32 to index
      %get3A_28 = arith.constant 32 : index
      %get3A_29 = tpu.vector_load %arg9[%get3A_27, %get3A_28] {strides = array<i32>} : memref<40x128xi32, #tpu.memory_space<vmem>>, vector<16xi32>,
      %gather3A_30 = tpu.vector_load_idx %arg7[%get3A_26] : memref<10112xf32, #tpu.memory_space<vmem>>[vector<16xi32>], vector<16xf32>,
      %gather3A_31 = tpu.vector_load_idx %arg7[%get3A_29] : memref<10112xf32, #tpu.memory_space<vmem>>[vector<16xi32>], vector<16xf32>,
      %mul3A_32 = arith.mulf %gather3A_30, %gather3A_31 : vector<16xf32>
      tpu.vector_store_idx %arg10[%broadcast_in_dim3A_1, %get3A_29], %mul3A_32 {add = true} : memref<1x10112xf32, #tpu.memory_space<vmem>>[vector<16xi32>, vector<16xi32>], vector<16xf32>,
      %get3A_33 = arith.index_cast %scan3A_7 : i32 to index
      %get3A_34 = arith.constant 48 : index
      %get3A_35 = tpu.vector_load %arg8[%get3A_33, %get3A_34] {strides = array<i32>} : memref<40x128xi32, #tpu.memory_space<vmem>>, vector<16xi32>,
      %get3A_36 = arith.index_cast %scan3A_7 : i32 to index
      %get3A_37 = arith.constant 48 : index
      %get3A_38 = tpu.vector_load %arg9[%get3A_36, %get3A_37] {strides = array<i32>} : memref<40x128xi32, #tpu.memory_space<vmem>>, vector<16xi32>,
      %gather3A_39 = tpu.vector_load_idx %arg7[%get3A_35] : memref<10112xf32, #tpu.memory_space<vmem>>[vector<16xi32>], vector<16xf32>,
      %gather3A_40 = tpu.vector_load_idx %arg7[%get3A_38] : memref<10112xf32, #tpu.memory_space<vmem>>[vector<16xi32>], vector<16xf32>,
      %mul3A_41 = arith.mulf %gather3A_39, %gather3A_40 : vector<16xf32>
      tpu.vector_store_idx %arg10[%broadcast_in_dim3A_1, %get3A_38], %mul3A_41 {add = true} : memref<1x10112xf32, #tpu.memory_space<vmem>>[vector<16xi32>, vector<16xi32>], vector<16xf32>,
      %get3A_42 = arith.index_cast %scan3A_7 : i32 to index
      %get3A_43 = arith.constant 64 : index
      %get3A_44 = tpu.vector_load %arg8[%get3A_42, %get3A_43] {strides = array<i32>} : memref<40x128xi32, #tpu.memory_space<vmem>>, vector<16xi32>,
      %get3A_45 = arith.index_cast %scan3A_7 : i32 to index
      %get3A_46 = arith.constant 64 : index
      %get3A_47 = tpu.vector_load %arg9[%get3A_45, %get3A_46] {strides = array<i32>} : memref<40x128xi32, #tpu.memory_space<vmem>>, vector<16xi32>,
      %gather3A_48 = tpu.vector_load_idx %arg7[%get3A_44] : memref<10112xf32, #tpu.memory_space<vmem>>[vector<16xi32>], vector<16xf32>,
      %gather3A_49 = tpu.vector_load_idx %arg7[%get3A_47] : memref<10112xf32, #tpu.memory_space<vmem>>[vector<16xi32>], vector<16xf32>,
      %mul3A_50 = arith.mulf %gather3A_48, %gather3A_49 : vector<16xf32>
      tpu.vector_store_idx %arg10[%broadcast_in_dim3A_1, %get3A_47], %mul3A_50 {add = true} : memref<1x10112xf32, #tpu.memory_space<vmem>>[vector<16xi32>, vector<16xi32>], vector<16xf32>,
      %get3A_51 = arith.index_cast %scan3A_7 : i32 to index
      %get3A_52 = arith.constant 80 : index
      %get3A_53 = tpu.vector_load %arg8[%get3A_51, %get3A_52] {strides = array<i32>} : memref<40x128xi32, #tpu.memory_space<vmem>>, vector<16xi32>,
      %get3A_54 = arith.index_cast %scan3A_7 : i32 to index
      %get3A_55 = arith.constant 80 : index
      %get3A_56 = tpu.vector_load %arg9[%get3A_54, %get3A_55] {strides = array<i32>} : memref<40x128xi32, #tpu.memory_space<vmem>>, vector<16xi32>,
      %gather3A_57 = tpu.vector_load_idx %arg7[%get3A_53] : memref<10112xf32, #tpu.memory_space<vmem>>[vector<16xi32>], vector<16xf32>,
      %gather3A_58 = tpu.vector_load_idx %arg7[%get3A_56] : memref<10112xf32, #tpu.memory_space<vmem>>[vector<16xi32>], vector<16xf32>,
      %mul3A_59 = arith.mulf %gather3A_57, %gather3A_58 : vector<16xf32>
      tpu.vector_store_idx %arg10[%broadcast_in_dim3A_1, %get3A_56], %mul3A_59 {add = true} : memref<1x10112xf32, #tpu.memory_space<vmem>>[vector<16xi32>, vector<16xi32>], vector<16xf32>,
      %get3A_60 = arith.index_cast %scan3A_7 : i32 to index
      %get3A_61 = arith.constant 96 : index
      %get3A_62 = tpu.vector_load %arg8[%get3A_60, %get3A_61] {strides = array<i32>} : memref<40x128xi32, #tpu.memory_space<vmem>>, vector<16xi32>,
      %get3A_63 = arith.index_cast %scan3A_7 : i32 to index
      %get3A_64 = arith.constant 96 : index
      %get3A_65 = tpu.vector_load %arg9[%get3A_63, %get3A_64] {strides = array<i32>} : memref<40x128xi32, #tpu.memory_space<vmem>>, vector<16xi32>,
      %gather3A_66 = tpu.vector_load_idx %arg7[%get3A_62] : memref<10112xf32, #tpu.memory_space<vmem>>[vector<16xi32>], vector<16xf32>,
      %gather3A_67 = tpu.vector_load_idx %arg7[%get3A_65] : memref<10112xf32, #tpu.memory_space<vmem>>[vector<16xi32>], vector<16xf32>,
      %mul3A_68 = arith.mulf %gather3A_66, %gather3A_67 : vector<16xf32>
      tpu.vector_store_idx %arg10[%broadcast_in_dim3A_1, %get3A_65], %mul3A_68 {add = true} : memref<1x10112xf32, #tpu.memory_space<vmem>>[vector<16xi32>, vector<16xi32>], vector<16xf32>,
      %get3A_69 = arith.index_cast %scan3A_7 : i32 to index
      %get3A_70 = arith.constant 112 : index
      %get3A_71 = tpu.vector_load %arg8[%get3A_69, %get3A_70] {strides = array<i32>} : memref<40x128xi32, #tpu.memory_space<vmem>>, vector<16xi32>,
      %get3A_72 = arith.index_cast %scan3A_7 : i32 to index
      %get3A_73 = arith.constant 112 : index
      %get3A_74 = tpu.vector_load %arg9[%get3A_72, %get3A_73] {strides = array<i32>} : memref<40x128xi32, #tpu.memory_space<vmem>>, vector<16xi32>,
      %gather3A_75 = tpu.vector_load_idx %arg7[%get3A_71] : memref<10112xf32, #tpu.memory_space<vmem>>[vector<16xi32>], vector<16xf32>,
      %gather3A_76 = tpu.vector_load_idx %arg7[%get3A_74] : memref<10112xf32, #tpu.memory_space<vmem>>[vector<16xi32>], vector<16xf32>,
      %mul3A_77 = arith.mulf %gather3A_75, %gather3A_76 : vector<16xf32>
      tpu.vector_store_idx %arg10[%broadcast_in_dim3A_1, %get3A_74], %mul3A_77 {add = true} : memref<1x10112xf32, #tpu.memory_space<vmem>>[vector<16xi32>, vector<16xi32>], vector<16xf32>,
    }
    %scan3A_6 = arith.constant 40 : i32
    "tpu.region"() ({
      %run_scoped3A = tpu.sem_alloc : memref<!tpu.dma_semaphore, #tpu.memory_space<semaphore_mem>>
      %dma_start3A = arith.constant 0 : i32
      %dma_start3A_7 = arith.constant 0 : i32
      %dma_start3A_8 = tpu.memref_slice %arg6[%add3A, %dma_start3A, %dma_start3A_7] : memref<32x1x10112xf32, #tpu.memory_space<hbm>> -> memref<1x1x10112xf32, #tpu.memory_space<hbm>>
      %dma_start3A_9 = tpu.memref_squeeze %dma_start3A_8 : memref<1x1x10112xf32, #tpu.memory_space<hbm>> -> memref<1x10112xf32, #tpu.memory_space<hbm>>
      %dma_start3A_10 = arith.constant 0 : i32
      %dma_start3A_11 = arith.constant 0 : i32
      %dma_start3A_12 = tpu.memref_slice %arg6[%add3A, %dma_start3A_10, %dma_start3A_11] : memref<32x1x10112xf32, #tpu.memory_space<hbm>> -> memref<1x1x10112xf32, #tpu.memory_space<hbm>>
      %dma_start3A_13 = tpu.memref_squeeze %dma_start3A_12 : memref<1x1x10112xf32, #tpu.memory_space<hbm>> -> memref<1x10112xf32, #tpu.memory_space<hbm>>
      tpu.enqueue_dma source(%arg10 : memref<1x10112xf32, #tpu.memory_space<vmem>>) target(%dma_start3A_13 : memref<1x10112xf32, #tpu.memory_space<hbm>>) target_semaphore(%run_scoped3A : memref<!tpu.dma_semaphore, #tpu.memory_space<semaphore_mem>>)
      %dma_wait3A = arith.constant 0 : i32
      %dma_wait3A_14 = arith.constant 0 : i32
      %dma_wait3A_15 = tpu.memref_slice %arg6[%add3A, %dma_wait3A, %dma_wait3A_14] : memref<32x1x10112xf32, #tpu.memory_space<hbm>> -> memref<1x1x10112xf32, #tpu.memory_space<hbm>>
      %dma_wait3A_16 = tpu.memref_squeeze %dma_wait3A_15 : memref<1x1x10112xf32, #tpu.memory_space<hbm>> -> memref<1x10112xf32, #tpu.memory_space<hbm>>
      %dma_wait3A_17 = arith.constant 0 : i32
      %dma_wait3A_18 = arith.constant 0 : i32
      %dma_wait3A_19 = tpu.memref_slice %arg6[%add3A, %dma_wait3A_17, %dma_wait3A_18] : memref<32x1x10112xf32, #tpu.memory_space<hbm>> -> memref<1x1x10112xf32, #tpu.memory_space<hbm>>
      %dma_wait3A_20 = tpu.memref_squeeze %dma_wait3A_19 : memref<1x1x10112xf32, #tpu.memory_space<hbm>> -> memref<1x10112xf32, #tpu.memory_space<hbm>>
      tpu.wait_dma2 semaphore(%run_scoped3A : memref<!tpu.dma_semaphore, #tpu.memory_space<semaphore_mem>>) src(%arg10 : memref<1x10112xf32, #tpu.memory_space<vmem>>) dst(%dma_wait3A_20 : memref<1x10112xf32, #tpu.memory_space<hbm>>)
      tpu.yield
    }) : () -> ()
    return
  }
}

#map = affine_map<(d0, d1) -> (0, 0, 0)>
#map1 = affine_map<(d0, d1) -> (0, 0)>
module attributes {stable_mosaic.version = 14 : i64} {
  func.func @body(%arg0: i32, %arg1: i32, %arg2: memref<8x10000x128xf32, #tpu.memory_space<hbm>>, %arg3: memref<16x80x128xi32, #tpu.memory_space<hbm>>, %arg4: memref<16x80x128xi32, #tpu.memory_space<hbm>>, %arg5: memref<632x128xf32, #tpu.memory_space<hbm>>, %arg6: memref<8x10112x128xf32, #tpu.memory_space<hbm>>, %arg7: memref<80x128xi32, #tpu.memory_space<vmem>>, %arg8: memref<80x128xi32, #tpu.memory_space<vmem>>, %arg9: memref<128x128xf32, #tpu.memory_space<vmem>>, %arg10: memref<10112x128xf32, #tpu.memory_space<vmem_shared>>, %arg11: memref<!tpu.dma_semaphore, #tpu.memory_space<semaphore_mem>>) attributes {dimension_semantics = [#tpu.dimension_semantics<core_parallel>, #tpu.dimension_semantics<subcore_parallel>], iteration_bounds = array<i64: 2, 16>, scalar_prefetch = 0 : i64, scratch_operands = 5 : i64, tpu.core_type = #tpu.core_type<sc_vector_subcore>, window_params = [{transform_indices = #map}, {transform_indices = #map}, {transform_indices = #map}, {transform_indices = #map1}, {transform_indices = #map}]} {
    "tpu.region"() ({
      %run_scoped3A = tpu.sem_alloc : memref<!tpu.dma_semaphore, #tpu.memory_space<semaphore_mem>>
      %dma_start3A = arith.constant 0 : i32
      %dma_start3A_72 = arith.constant 0 : i32
      %dma_start3A_73 = tpu.memref_slice %arg3[%arg1, %dma_start3A, %dma_start3A_72] : memref<16x80x128xi32, #tpu.memory_space<hbm>> -> memref<1x80x128xi32, #tpu.memory_space<hbm>>
      %dma_start3A_74 = tpu.memref_squeeze %dma_start3A_73 : memref<1x80x128xi32, #tpu.memory_space<hbm>> -> memref<80x128xi32, #tpu.memory_space<hbm>>
      %dma_start3A_75 = arith.constant 0 : i32
      %dma_start3A_76 = arith.constant 0 : i32
      %dma_start3A_77 = tpu.memref_slice %arg3[%arg1, %dma_start3A_75, %dma_start3A_76] : memref<16x80x128xi32, #tpu.memory_space<hbm>> -> memref<1x80x128xi32, #tpu.memory_space<hbm>>
      %dma_start3A_78 = tpu.memref_squeeze %dma_start3A_77 : memref<1x80x128xi32, #tpu.memory_space<hbm>> -> memref<80x128xi32, #tpu.memory_space<hbm>>
      tpu.enqueue_dma source(%dma_start3A_78 : memref<80x128xi32, #tpu.memory_space<hbm>>) target(%arg7 : memref<80x128xi32, #tpu.memory_space<vmem>>) target_semaphore(%run_scoped3A : memref<!tpu.dma_semaphore, #tpu.memory_space<semaphore_mem>>)
      %dma_wait3A = arith.constant 0 : i32
      %dma_wait3A_79 = arith.constant 0 : i32
      %dma_wait3A_80 = tpu.memref_slice %arg3[%arg1, %dma_wait3A, %dma_wait3A_79] : memref<16x80x128xi32, #tpu.memory_space<hbm>> -> memref<1x80x128xi32, #tpu.memory_space<hbm>>
      %dma_wait3A_81 = tpu.memref_squeeze %dma_wait3A_80 : memref<1x80x128xi32, #tpu.memory_space<hbm>> -> memref<80x128xi32, #tpu.memory_space<hbm>>
      %dma_wait3A_82 = arith.constant 0 : i32
      %dma_wait3A_83 = arith.constant 0 : i32
      %dma_wait3A_84 = tpu.memref_slice %arg3[%arg1, %dma_wait3A_82, %dma_wait3A_83] : memref<16x80x128xi32, #tpu.memory_space<hbm>> -> memref<1x80x128xi32, #tpu.memory_space<hbm>>
      %dma_wait3A_85 = tpu.memref_squeeze %dma_wait3A_84 : memref<1x80x128xi32, #tpu.memory_space<hbm>> -> memref<80x128xi32, #tpu.memory_space<hbm>>
      tpu.wait_dma2 semaphore(%run_scoped3A : memref<!tpu.dma_semaphore, #tpu.memory_space<semaphore_mem>>) src(%dma_wait3A_85 : memref<80x128xi32, #tpu.memory_space<hbm>>) dst(%arg7 : memref<80x128xi32, #tpu.memory_space<vmem>>)
      tpu.yield
    }) : () -> ()
    "tpu.region"() ({
      %run_scoped3A = tpu.sem_alloc : memref<!tpu.dma_semaphore, #tpu.memory_space<semaphore_mem>>
      %dma_start3A = arith.constant 0 : i32
      %dma_start3A_72 = arith.constant 0 : i32
      %dma_start3A_73 = tpu.memref_slice %arg4[%arg1, %dma_start3A, %dma_start3A_72] : memref<16x80x128xi32, #tpu.memory_space<hbm>> -> memref<1x80x128xi32, #tpu.memory_space<hbm>>
      %dma_start3A_74 = tpu.memref_squeeze %dma_start3A_73 : memref<1x80x128xi32, #tpu.memory_space<hbm>> -> memref<80x128xi32, #tpu.memory_space<hbm>>
      %dma_start3A_75 = arith.constant 0 : i32
      %dma_start3A_76 = arith.constant 0 : i32
      %dma_start3A_77 = tpu.memref_slice %arg4[%arg1, %dma_start3A_75, %dma_start3A_76] : memref<16x80x128xi32, #tpu.memory_space<hbm>> -> memref<1x80x128xi32, #tpu.memory_space<hbm>>
      %dma_start3A_78 = tpu.memref_squeeze %dma_start3A_77 : memref<1x80x128xi32, #tpu.memory_space<hbm>> -> memref<80x128xi32, #tpu.memory_space<hbm>>
      tpu.enqueue_dma source(%dma_start3A_78 : memref<80x128xi32, #tpu.memory_space<hbm>>) target(%arg8 : memref<80x128xi32, #tpu.memory_space<vmem>>) target_semaphore(%run_scoped3A : memref<!tpu.dma_semaphore, #tpu.memory_space<semaphore_mem>>)
      %dma_wait3A = arith.constant 0 : i32
      %dma_wait3A_79 = arith.constant 0 : i32
      %dma_wait3A_80 = tpu.memref_slice %arg4[%arg1, %dma_wait3A, %dma_wait3A_79] : memref<16x80x128xi32, #tpu.memory_space<hbm>> -> memref<1x80x128xi32, #tpu.memory_space<hbm>>
      %dma_wait3A_81 = tpu.memref_squeeze %dma_wait3A_80 : memref<1x80x128xi32, #tpu.memory_space<hbm>> -> memref<80x128xi32, #tpu.memory_space<hbm>>
      %dma_wait3A_82 = arith.constant 0 : i32
      %dma_wait3A_83 = arith.constant 0 : i32
      %dma_wait3A_84 = tpu.memref_slice %arg4[%arg1, %dma_wait3A_82, %dma_wait3A_83] : memref<16x80x128xi32, #tpu.memory_space<hbm>> -> memref<1x80x128xi32, #tpu.memory_space<hbm>>
      %dma_wait3A_85 = tpu.memref_squeeze %dma_wait3A_84 : memref<1x80x128xi32, #tpu.memory_space<hbm>> -> memref<80x128xi32, #tpu.memory_space<hbm>>
      tpu.wait_dma2 semaphore(%run_scoped3A : memref<!tpu.dma_semaphore, #tpu.memory_space<semaphore_mem>>) src(%dma_wait3A_85 : memref<80x128xi32, #tpu.memory_space<hbm>>) dst(%arg8 : memref<80x128xi32, #tpu.memory_space<vmem>>)
      tpu.yield
    }) : () -> ()
    %mul3A = arith.constant 4 : i32
    %mul3A_0 = arith.muli %arg0, %mul3A : i32
    %add3A = arith.constant 0 : i32
    %add3A_1 = arith.addi %mul3A_0, %add3A : i32
    %mul3A_2 = arith.constant 632 : i32
    %mul3A_3 = arith.muli %arg1, %mul3A_2 : i32
    "tpu.region"() ({
      %run_scoped3A = tpu.sem_alloc : memref<!tpu.dma_semaphore, #tpu.memory_space<semaphore_mem>>
      %dma_start3A = arith.constant 0 : i32
      %dma_start3A_72 = tpu.memref_slice %arg10[%mul3A_3, %dma_start3A] : memref<10112x128xf32, #tpu.memory_space<vmem_shared>> -> memref<632x128xf32, #tpu.memory_space<vmem_shared>>
      tpu.enqueue_dma source(%arg5 : memref<632x128xf32, #tpu.memory_space<hbm>>) target(%dma_start3A_72 : memref<632x128xf32, #tpu.memory_space<vmem_shared>>) target_semaphore(%run_scoped3A : memref<!tpu.dma_semaphore, #tpu.memory_space<semaphore_mem>>)
      %dma_wait3A = arith.constant 0 : i32
      %dma_wait3A_73 = tpu.memref_slice %arg10[%mul3A_3, %dma_wait3A] : memref<10112x128xf32, #tpu.memory_space<vmem_shared>> -> memref<632x128xf32, #tpu.memory_space<vmem_shared>>
      tpu.wait_dma2 semaphore(%run_scoped3A : memref<!tpu.dma_semaphore, #tpu.memory_space<semaphore_mem>>) src(%arg5 : memref<632x128xf32, #tpu.memory_space<hbm>>) dst(%dma_wait3A_73 : memref<632x128xf32, #tpu.memory_space<vmem_shared>>)
      tpu.yield
    }) : () -> ()
    %barrier3A = arith.constant 0 : index
    tpu.barrier barrier_id(%barrier3A)
    %scan3A = arith.constant 0 : i32
    %scan3A_4 = arith.constant 0 : i32
    %scan3A_5 = arith.constant 80 : i32
    %scan3A_6 = arith.addi %scan3A_4, %scan3A_5 : i32
    %scan3A_7 = arith.constant 1 : i32
    scf.for %scan3A_72 = %scan3A_4 to %scan3A_6 step %scan3A_7  : i32 {
      %dma_start3A = arith.constant 0 : i32
      %dma_start3A_73 = tpu.memref_slice %arg7[%scan3A_72, %dma_start3A] : memref<80x128xi32, #tpu.memory_space<vmem>> -> memref<1x128xi32, #tpu.memory_space<vmem>>
      %dma_start3A_74 = tpu.memref_squeeze %dma_start3A_73 : memref<1x128xi32, #tpu.memory_space<vmem>> -> memref<128xi32, #tpu.memory_space<vmem>>
      %dma_start3A_75 = arith.constant 0 : i32
      %dma_start3A_76 = arith.constant 0 : i32
      %dma_start3A_77 = tpu.memref_slice %arg2[%add3A_1, %dma_start3A_75, %dma_start3A_76] : memref<8x10000x128xf32, #tpu.memory_space<hbm>> -> memref<1x10000x128xf32, #tpu.memory_space<hbm>>
      %dma_start3A_78 = tpu.memref_squeeze %dma_start3A_77 : memref<1x10000x128xf32, #tpu.memory_space<hbm>> -> memref<10000x128xf32, #tpu.memory_space<hbm>>
      %dma_start3A_79 = arith.constant 0 : i32
      %dma_start3A_80 = arith.constant 0 : i32
      %dma_start3A_81 = tpu.memref_slice %dma_start3A_78[%dma_start3A_79, %dma_start3A_80] : memref<10000x128xf32, #tpu.memory_space<hbm>> -> memref<10000x128xf32, #tpu.memory_space<hbm>>
      tpu.enqueue_indirect_dma source(%dma_start3A_81 : memref<10000x128xf32, #tpu.memory_space<hbm>>) target(%arg9 : memref<128x128xf32, #tpu.memory_space<vmem>>) offsets(%dma_start3A_74 : memref<128xi32, #tpu.memory_space<vmem>>) semaphore(%arg11 : memref<!tpu.dma_semaphore, #tpu.memory_space<semaphore_mem>>)
      %dma_wait3A = arith.constant 0 : i32
      %dma_wait3A_82 = tpu.memref_slice %arg7[%scan3A_72, %dma_wait3A] : memref<80x128xi32, #tpu.memory_space<vmem>> -> memref<1x128xi32, #tpu.memory_space<vmem>>
      %dma_wait3A_83 = tpu.memref_squeeze %dma_wait3A_82 : memref<1x128xi32, #tpu.memory_space<vmem>> -> memref<128xi32, #tpu.memory_space<vmem>>
      %dma_wait3A_84 = arith.constant 0 : i32
      %dma_wait3A_85 = arith.constant 0 : i32
      %dma_wait3A_86 = tpu.memref_slice %arg2[%add3A_1, %dma_wait3A_84, %dma_wait3A_85] : memref<8x10000x128xf32, #tpu.memory_space<hbm>> -> memref<1x10000x128xf32, #tpu.memory_space<hbm>>
      %dma_wait3A_87 = tpu.memref_squeeze %dma_wait3A_86 : memref<1x10000x128xf32, #tpu.memory_space<hbm>> -> memref<10000x128xf32, #tpu.memory_space<hbm>>
      %dma_wait3A_88 = arith.constant 0 : i32
      %dma_wait3A_89 = arith.constant 0 : i32
      %dma_wait3A_90 = tpu.memref_slice %dma_wait3A_87[%dma_wait3A_88, %dma_wait3A_89] : memref<10000x128xf32, #tpu.memory_space<hbm>> -> memref<10000x128xf32, #tpu.memory_space<hbm>>
      tpu.wait_indirect_dma semaphore(%arg11 : memref<!tpu.dma_semaphore, #tpu.memory_space<semaphore_mem>>) src(%dma_wait3A_90 : memref<10000x128xf32, #tpu.memory_space<hbm>>) dst(%arg9 : memref<128x128xf32, #tpu.memory_space<vmem>>)
      "tpu.region"() ({
        %run_scoped3A = tpu.sem_alloc : memref<!tpu.dma_semaphore, #tpu.memory_space<semaphore_mem>>
        %dma_start3A_91 = arith.constant 0 : i32
        %dma_start3A_92 = tpu.memref_slice %arg8[%scan3A_72, %dma_start3A_91] : memref<80x128xi32, #tpu.memory_space<vmem>> -> memref<1x128xi32, #tpu.memory_space<vmem>>
        %dma_start3A_93 = tpu.memref_squeeze %dma_start3A_92 : memref<1x128xi32, #tpu.memory_space<vmem>> -> memref<128xi32, #tpu.memory_space<vmem>>
        %dma_start3A_94 = arith.constant 0 : i32
        %dma_start3A_95 = arith.constant 0 : i32
        %dma_start3A_96 = tpu.memref_slice %arg10[%dma_start3A_94, %dma_start3A_95] : memref<10112x128xf32, #tpu.memory_space<vmem_shared>> -> memref<10112x128xf32, #tpu.memory_space<vmem_shared>>
        tpu.enqueue_indirect_dma source(%arg9 : memref<128x128xf32, #tpu.memory_space<vmem>>) target(%dma_start3A_96 : memref<10112x128xf32, #tpu.memory_space<vmem_shared>>) offsets(%dma_start3A_93 : memref<128xi32, #tpu.memory_space<vmem>>) semaphore(%run_scoped3A : memref<!tpu.dma_semaphore, #tpu.memory_space<semaphore_mem>>) {add = true}
        %dma_wait3A_97 = arith.constant 0 : i32
        %dma_wait3A_98 = tpu.memref_slice %arg8[%scan3A_72, %dma_wait3A_97] : memref<80x128xi32, #tpu.memory_space<vmem>> -> memref<1x128xi32, #tpu.memory_space<vmem>>
        %dma_wait3A_99 = tpu.memref_squeeze %dma_wait3A_98 : memref<1x128xi32, #tpu.memory_space<vmem>> -> memref<128xi32, #tpu.memory_space<vmem>>
        %dma_wait3A_100 = arith.constant 0 : i32
        %dma_wait3A_101 = arith.constant 0 : i32
        %dma_wait3A_102 = tpu.memref_slice %arg10[%dma_wait3A_100, %dma_wait3A_101] : memref<10112x128xf32, #tpu.memory_space<vmem_shared>> -> memref<10112x128xf32, #tpu.memory_space<vmem_shared>>
        tpu.wait_indirect_dma semaphore(%run_scoped3A : memref<!tpu.dma_semaphore, #tpu.memory_space<semaphore_mem>>) src(%arg9 : memref<128x128xf32, #tpu.memory_space<vmem>>) dst(%dma_wait3A_102 : memref<10112x128xf32, #tpu.memory_space<vmem_shared>>)
        tpu.yield
      }) : () -> ()
    }
    %scan3A_8 = arith.constant 80 : i32
    %barrier3A_9 = arith.constant 0 : index
    tpu.barrier barrier_id(%barrier3A_9)
    %mul3A_10 = arith.constant 632 : i32
    %mul3A_11 = arith.muli %arg1, %mul3A_10 : i32
    %mul3A_12 = arith.constant 632 : i32
    %mul3A_13 = arith.muli %arg1, %mul3A_12 : i32
    "tpu.region"() ({
      %run_scoped3A = tpu.sem_alloc : memref<!tpu.dma_semaphore, #tpu.memory_space<semaphore_mem>>
      %dma_start3A = arith.constant 0 : i32
      %dma_start3A_72 = tpu.memref_slice %arg6[%add3A_1, %mul3A_13, %dma_start3A] : memref<8x10112x128xf32, #tpu.memory_space<hbm>> -> memref<1x632x128xf32, #tpu.memory_space<hbm>>
      %dma_start3A_73 = tpu.memref_squeeze %dma_start3A_72 : memref<1x632x128xf32, #tpu.memory_space<hbm>> -> memref<632x128xf32, #tpu.memory_space<hbm>>
      %dma_start3A_74 = arith.constant 0 : i32
      %dma_start3A_75 = tpu.memref_slice %arg10[%mul3A_11, %dma_start3A_74] : memref<10112x128xf32, #tpu.memory_space<vmem_shared>> -> memref<632x128xf32, #tpu.memory_space<vmem_shared>>
      tpu.enqueue_dma source(%dma_start3A_75 : memref<632x128xf32, #tpu.memory_space<vmem_shared>>) target(%dma_start3A_73 : memref<632x128xf32, #tpu.memory_space<hbm>>) target_semaphore(%run_scoped3A : memref<!tpu.dma_semaphore, #tpu.memory_space<semaphore_mem>>)
      %dma_wait3A = arith.constant 0 : i32
      %dma_wait3A_76 = tpu.memref_slice %arg6[%add3A_1, %mul3A_13, %dma_wait3A] : memref<8x10112x128xf32, #tpu.memory_space<hbm>> -> memref<1x632x128xf32, #tpu.memory_space<hbm>>
      %dma_wait3A_77 = tpu.memref_squeeze %dma_wait3A_76 : memref<1x632x128xf32, #tpu.memory_space<hbm>> -> memref<632x128xf32, #tpu.memory_space<hbm>>
      %dma_wait3A_78 = arith.constant 0 : i32
      %dma_wait3A_79 = tpu.memref_slice %arg10[%mul3A_11, %dma_wait3A_78] : memref<10112x128xf32, #tpu.memory_space<vmem_shared>> -> memref<632x128xf32, #tpu.memory_space<vmem_shared>>
      tpu.wait_dma2 semaphore(%run_scoped3A : memref<!tpu.dma_semaphore, #tpu.memory_space<semaphore_mem>>) src(%dma_wait3A_79 : memref<632x128xf32, #tpu.memory_space<vmem_shared>>) dst(%dma_wait3A_77 : memref<632x128xf32, #tpu.memory_space<hbm>>)
      tpu.yield
    }) : () -> ()
    %barrier3A_14 = arith.constant 0 : index
    tpu.barrier barrier_id(%barrier3A_14)
    %mul3A_15 = arith.constant 4 : i32
    %mul3A_16 = arith.muli %arg0, %mul3A_15 : i32
    %add3A_17 = arith.constant 1 : i32
    %add3A_18 = arith.addi %mul3A_16, %add3A_17 : i32
    %mul3A_19 = arith.constant 632 : i32
    %mul3A_20 = arith.muli %arg1, %mul3A_19 : i32
    "tpu.region"() ({
      %run_scoped3A = tpu.sem_alloc : memref<!tpu.dma_semaphore, #tpu.memory_space<semaphore_mem>>
      %dma_start3A = arith.constant 0 : i32
      %dma_start3A_72 = tpu.memref_slice %arg10[%mul3A_20, %dma_start3A] : memref<10112x128xf32, #tpu.memory_space<vmem_shared>> -> memref<632x128xf32, #tpu.memory_space<vmem_shared>>
      tpu.enqueue_dma source(%arg5 : memref<632x128xf32, #tpu.memory_space<hbm>>) target(%dma_start3A_72 : memref<632x128xf32, #tpu.memory_space<vmem_shared>>) target_semaphore(%run_scoped3A : memref<!tpu.dma_semaphore, #tpu.memory_space<semaphore_mem>>)
      %dma_wait3A = arith.constant 0 : i32
      %dma_wait3A_73 = tpu.memref_slice %arg10[%mul3A_20, %dma_wait3A] : memref<10112x128xf32, #tpu.memory_space<vmem_shared>> -> memref<632x128xf32, #tpu.memory_space<vmem_shared>>
      tpu.wait_dma2 semaphore(%run_scoped3A : memref<!tpu.dma_semaphore, #tpu.memory_space<semaphore_mem>>) src(%arg5 : memref<632x128xf32, #tpu.memory_space<hbm>>) dst(%dma_wait3A_73 : memref<632x128xf32, #tpu.memory_space<vmem_shared>>)
      tpu.yield
    }) : () -> ()
    %barrier3A_21 = arith.constant 0 : index
    tpu.barrier barrier_id(%barrier3A_21)
    %scan3A_22 = arith.constant 0 : i32
    %scan3A_23 = arith.constant 0 : i32
    %scan3A_24 = arith.constant 80 : i32
    %scan3A_25 = arith.addi %scan3A_23, %scan3A_24 : i32
    %scan3A_26 = arith.constant 1 : i32
    scf.for %scan3A_72 = %scan3A_23 to %scan3A_25 step %scan3A_26  : i32 {
      %dma_start3A = arith.constant 0 : i32
      %dma_start3A_73 = tpu.memref_slice %arg7[%scan3A_72, %dma_start3A] : memref<80x128xi32, #tpu.memory_space<vmem>> -> memref<1x128xi32, #tpu.memory_space<vmem>>
      %dma_start3A_74 = tpu.memref_squeeze %dma_start3A_73 : memref<1x128xi32, #tpu.memory_space<vmem>> -> memref<128xi32, #tpu.memory_space<vmem>>
      %dma_start3A_75 = arith.constant 0 : i32
      %dma_start3A_76 = arith.constant 0 : i32
      %dma_start3A_77 = tpu.memref_slice %arg2[%add3A_18, %dma_start3A_75, %dma_start3A_76] : memref<8x10000x128xf32, #tpu.memory_space<hbm>> -> memref<1x10000x128xf32, #tpu.memory_space<hbm>>
      %dma_start3A_78 = tpu.memref_squeeze %dma_start3A_77 : memref<1x10000x128xf32, #tpu.memory_space<hbm>> -> memref<10000x128xf32, #tpu.memory_space<hbm>>
      %dma_start3A_79 = arith.constant 0 : i32
      %dma_start3A_80 = arith.constant 0 : i32
      %dma_start3A_81 = tpu.memref_slice %dma_start3A_78[%dma_start3A_79, %dma_start3A_80] : memref<10000x128xf32, #tpu.memory_space<hbm>> -> memref<10000x128xf32, #tpu.memory_space<hbm>>
      tpu.enqueue_indirect_dma source(%dma_start3A_81 : memref<10000x128xf32, #tpu.memory_space<hbm>>) target(%arg9 : memref<128x128xf32, #tpu.memory_space<vmem>>) offsets(%dma_start3A_74 : memref<128xi32, #tpu.memory_space<vmem>>) semaphore(%arg11 : memref<!tpu.dma_semaphore, #tpu.memory_space<semaphore_mem>>)
      %dma_wait3A = arith.constant 0 : i32
      %dma_wait3A_82 = tpu.memref_slice %arg7[%scan3A_72, %dma_wait3A] : memref<80x128xi32, #tpu.memory_space<vmem>> -> memref<1x128xi32, #tpu.memory_space<vmem>>
      %dma_wait3A_83 = tpu.memref_squeeze %dma_wait3A_82 : memref<1x128xi32, #tpu.memory_space<vmem>> -> memref<128xi32, #tpu.memory_space<vmem>>
      %dma_wait3A_84 = arith.constant 0 : i32
      %dma_wait3A_85 = arith.constant 0 : i32
      %dma_wait3A_86 = tpu.memref_slice %arg2[%add3A_18, %dma_wait3A_84, %dma_wait3A_85] : memref<8x10000x128xf32, #tpu.memory_space<hbm>> -> memref<1x10000x128xf32, #tpu.memory_space<hbm>>
      %dma_wait3A_87 = tpu.memref_squeeze %dma_wait3A_86 : memref<1x10000x128xf32, #tpu.memory_space<hbm>> -> memref<10000x128xf32, #tpu.memory_space<hbm>>
      %dma_wait3A_88 = arith.constant 0 : i32
      %dma_wait3A_89 = arith.constant 0 : i32
      %dma_wait3A_90 = tpu.memref_slice %dma_wait3A_87[%dma_wait3A_88, %dma_wait3A_89] : memref<10000x128xf32, #tpu.memory_space<hbm>> -> memref<10000x128xf32, #tpu.memory_space<hbm>>
      tpu.wait_indirect_dma semaphore(%arg11 : memref<!tpu.dma_semaphore, #tpu.memory_space<semaphore_mem>>) src(%dma_wait3A_90 : memref<10000x128xf32, #tpu.memory_space<hbm>>) dst(%arg9 : memref<128x128xf32, #tpu.memory_space<vmem>>)
      "tpu.region"() ({
        %run_scoped3A = tpu.sem_alloc : memref<!tpu.dma_semaphore, #tpu.memory_space<semaphore_mem>>
        %dma_start3A_91 = arith.constant 0 : i32
        %dma_start3A_92 = tpu.memref_slice %arg8[%scan3A_72, %dma_start3A_91] : memref<80x128xi32, #tpu.memory_space<vmem>> -> memref<1x128xi32, #tpu.memory_space<vmem>>
        %dma_start3A_93 = tpu.memref_squeeze %dma_start3A_92 : memref<1x128xi32, #tpu.memory_space<vmem>> -> memref<128xi32, #tpu.memory_space<vmem>>
        %dma_start3A_94 = arith.constant 0 : i32
        %dma_start3A_95 = arith.constant 0 : i32
        %dma_start3A_96 = tpu.memref_slice %arg10[%dma_start3A_94, %dma_start3A_95] : memref<10112x128xf32, #tpu.memory_space<vmem_shared>> -> memref<10112x128xf32, #tpu.memory_space<vmem_shared>>
        tpu.enqueue_indirect_dma source(%arg9 : memref<128x128xf32, #tpu.memory_space<vmem>>) target(%dma_start3A_96 : memref<10112x128xf32, #tpu.memory_space<vmem_shared>>) offsets(%dma_start3A_93 : memref<128xi32, #tpu.memory_space<vmem>>) semaphore(%run_scoped3A : memref<!tpu.dma_semaphore, #tpu.memory_space<semaphore_mem>>) {add = true}
        %dma_wait3A_97 = arith.constant 0 : i32
        %dma_wait3A_98 = tpu.memref_slice %arg8[%scan3A_72, %dma_wait3A_97] : memref<80x128xi32, #tpu.memory_space<vmem>> -> memref<1x128xi32, #tpu.memory_space<vmem>>
        %dma_wait3A_99 = tpu.memref_squeeze %dma_wait3A_98 : memref<1x128xi32, #tpu.memory_space<vmem>> -> memref<128xi32, #tpu.memory_space<vmem>>
        %dma_wait3A_100 = arith.constant 0 : i32
        %dma_wait3A_101 = arith.constant 0 : i32
        %dma_wait3A_102 = tpu.memref_slice %arg10[%dma_wait3A_100, %dma_wait3A_101] : memref<10112x128xf32, #tpu.memory_space<vmem_shared>> -> memref<10112x128xf32, #tpu.memory_space<vmem_shared>>
        tpu.wait_indirect_dma semaphore(%run_scoped3A : memref<!tpu.dma_semaphore, #tpu.memory_space<semaphore_mem>>) src(%arg9 : memref<128x128xf32, #tpu.memory_space<vmem>>) dst(%dma_wait3A_102 : memref<10112x128xf32, #tpu.memory_space<vmem_shared>>)
        tpu.yield
      }) : () -> ()
    }
    %scan3A_27 = arith.constant 80 : i32
    %barrier3A_28 = arith.constant 0 : index
    tpu.barrier barrier_id(%barrier3A_28)
    %mul3A_29 = arith.constant 632 : i32
    %mul3A_30 = arith.muli %arg1, %mul3A_29 : i32
    %mul3A_31 = arith.constant 632 : i32
    %mul3A_32 = arith.muli %arg1, %mul3A_31 : i32
    "tpu.region"() ({
      %run_scoped3A = tpu.sem_alloc : memref<!tpu.dma_semaphore, #tpu.memory_space<semaphore_mem>>
      %dma_start3A = arith.constant 0 : i32
      %dma_start3A_72 = tpu.memref_slice %arg6[%add3A_18, %mul3A_32, %dma_start3A] : memref<8x10112x128xf32, #tpu.memory_space<hbm>> -> memref<1x632x128xf32, #tpu.memory_space<hbm>>
      %dma_start3A_73 = tpu.memref_squeeze %dma_start3A_72 : memref<1x632x128xf32, #tpu.memory_space<hbm>> -> memref<632x128xf32, #tpu.memory_space<hbm>>
      %dma_start3A_74 = arith.constant 0 : i32
      %dma_start3A_75 = tpu.memref_slice %arg10[%mul3A_30, %dma_start3A_74] : memref<10112x128xf32, #tpu.memory_space<vmem_shared>> -> memref<632x128xf32, #tpu.memory_space<vmem_shared>>
      tpu.enqueue_dma source(%dma_start3A_75 : memref<632x128xf32, #tpu.memory_space<vmem_shared>>) target(%dma_start3A_73 : memref<632x128xf32, #tpu.memory_space<hbm>>) target_semaphore(%run_scoped3A : memref<!tpu.dma_semaphore, #tpu.memory_space<semaphore_mem>>)
      %dma_wait3A = arith.constant 0 : i32
      %dma_wait3A_76 = tpu.memref_slice %arg6[%add3A_18, %mul3A_32, %dma_wait3A] : memref<8x10112x128xf32, #tpu.memory_space<hbm>> -> memref<1x632x128xf32, #tpu.memory_space<hbm>>
      %dma_wait3A_77 = tpu.memref_squeeze %dma_wait3A_76 : memref<1x632x128xf32, #tpu.memory_space<hbm>> -> memref<632x128xf32, #tpu.memory_space<hbm>>
      %dma_wait3A_78 = arith.constant 0 : i32
      %dma_wait3A_79 = tpu.memref_slice %arg10[%mul3A_30, %dma_wait3A_78] : memref<10112x128xf32, #tpu.memory_space<vmem_shared>> -> memref<632x128xf32, #tpu.memory_space<vmem_shared>>
      tpu.wait_dma2 semaphore(%run_scoped3A : memref<!tpu.dma_semaphore, #tpu.memory_space<semaphore_mem>>) src(%dma_wait3A_79 : memref<632x128xf32, #tpu.memory_space<vmem_shared>>) dst(%dma_wait3A_77 : memref<632x128xf32, #tpu.memory_space<hbm>>)
      tpu.yield
    }) : () -> ()
    %barrier3A_33 = arith.constant 0 : index
    tpu.barrier barrier_id(%barrier3A_33)
    %mul3A_34 = arith.constant 4 : i32
    %mul3A_35 = arith.muli %arg0, %mul3A_34 : i32
    %add3A_36 = arith.constant 2 : i32
    %add3A_37 = arith.addi %mul3A_35, %add3A_36 : i32
    %mul3A_38 = arith.constant 632 : i32
    %mul3A_39 = arith.muli %arg1, %mul3A_38 : i32
    "tpu.region"() ({
      %run_scoped3A = tpu.sem_alloc : memref<!tpu.dma_semaphore, #tpu.memory_space<semaphore_mem>>
      %dma_start3A = arith.constant 0 : i32
      %dma_start3A_72 = tpu.memref_slice %arg10[%mul3A_39, %dma_start3A] : memref<10112x128xf32, #tpu.memory_space<vmem_shared>> -> memref<632x128xf32, #tpu.memory_space<vmem_shared>>
      tpu.enqueue_dma source(%arg5 : memref<632x128xf32, #tpu.memory_space<hbm>>) target(%dma_start3A_72 : memref<632x128xf32, #tpu.memory_space<vmem_shared>>) target_semaphore(%run_scoped3A : memref<!tpu.dma_semaphore, #tpu.memory_space<semaphore_mem>>)
      %dma_wait3A = arith.constant 0 : i32
      %dma_wait3A_73 = tpu.memref_slice %arg10[%mul3A_39, %dma_wait3A] : memref<10112x128xf32, #tpu.memory_space<vmem_shared>> -> memref<632x128xf32, #tpu.memory_space<vmem_shared>>
      tpu.wait_dma2 semaphore(%run_scoped3A : memref<!tpu.dma_semaphore, #tpu.memory_space<semaphore_mem>>) src(%arg5 : memref<632x128xf32, #tpu.memory_space<hbm>>) dst(%dma_wait3A_73 : memref<632x128xf32, #tpu.memory_space<vmem_shared>>)
      tpu.yield
    }) : () -> ()
    %barrier3A_40 = arith.constant 0 : index
    tpu.barrier barrier_id(%barrier3A_40)
    %scan3A_41 = arith.constant 0 : i32
    %scan3A_42 = arith.constant 0 : i32
    %scan3A_43 = arith.constant 80 : i32
    %scan3A_44 = arith.addi %scan3A_42, %scan3A_43 : i32
    %scan3A_45 = arith.constant 1 : i32
    scf.for %scan3A_72 = %scan3A_42 to %scan3A_44 step %scan3A_45  : i32 {
      %dma_start3A = arith.constant 0 : i32
      %dma_start3A_73 = tpu.memref_slice %arg7[%scan3A_72, %dma_start3A] : memref<80x128xi32, #tpu.memory_space<vmem>> -> memref<1x128xi32, #tpu.memory_space<vmem>>
      %dma_start3A_74 = tpu.memref_squeeze %dma_start3A_73 : memref<1x128xi32, #tpu.memory_space<vmem>> -> memref<128xi32, #tpu.memory_space<vmem>>
      %dma_start3A_75 = arith.constant 0 : i32
      %dma_start3A_76 = arith.constant 0 : i32
      %dma_start3A_77 = tpu.memref_slice %arg2[%add3A_37, %dma_start3A_75, %dma_start3A_76] : memref<8x10000x128xf32, #tpu.memory_space<hbm>> -> memref<1x10000x128xf32, #tpu.memory_space<hbm>>
      %dma_start3A_78 = tpu.memref_squeeze %dma_start3A_77 : memref<1x10000x128xf32, #tpu.memory_space<hbm>> -> memref<10000x128xf32, #tpu.memory_space<hbm>>
      %dma_start3A_79 = arith.constant 0 : i32
      %dma_start3A_80 = arith.constant 0 : i32
      %dma_start3A_81 = tpu.memref_slice %dma_start3A_78[%dma_start3A_79, %dma_start3A_80] : memref<10000x128xf32, #tpu.memory_space<hbm>> -> memref<10000x128xf32, #tpu.memory_space<hbm>>
      tpu.enqueue_indirect_dma source(%dma_start3A_81 : memref<10000x128xf32, #tpu.memory_space<hbm>>) target(%arg9 : memref<128x128xf32, #tpu.memory_space<vmem>>) offsets(%dma_start3A_74 : memref<128xi32, #tpu.memory_space<vmem>>) semaphore(%arg11 : memref<!tpu.dma_semaphore, #tpu.memory_space<semaphore_mem>>)
      %dma_wait3A = arith.constant 0 : i32
      %dma_wait3A_82 = tpu.memref_slice %arg7[%scan3A_72, %dma_wait3A] : memref<80x128xi32, #tpu.memory_space<vmem>> -> memref<1x128xi32, #tpu.memory_space<vmem>>
      %dma_wait3A_83 = tpu.memref_squeeze %dma_wait3A_82 : memref<1x128xi32, #tpu.memory_space<vmem>> -> memref<128xi32, #tpu.memory_space<vmem>>
      %dma_wait3A_84 = arith.constant 0 : i32
      %dma_wait3A_85 = arith.constant 0 : i32
      %dma_wait3A_86 = tpu.memref_slice %arg2[%add3A_37, %dma_wait3A_84, %dma_wait3A_85] : memref<8x10000x128xf32, #tpu.memory_space<hbm>> -> memref<1x10000x128xf32, #tpu.memory_space<hbm>>
      %dma_wait3A_87 = tpu.memref_squeeze %dma_wait3A_86 : memref<1x10000x128xf32, #tpu.memory_space<hbm>> -> memref<10000x128xf32, #tpu.memory_space<hbm>>
      %dma_wait3A_88 = arith.constant 0 : i32
      %dma_wait3A_89 = arith.constant 0 : i32
      %dma_wait3A_90 = tpu.memref_slice %dma_wait3A_87[%dma_wait3A_88, %dma_wait3A_89] : memref<10000x128xf32, #tpu.memory_space<hbm>> -> memref<10000x128xf32, #tpu.memory_space<hbm>>
      tpu.wait_indirect_dma semaphore(%arg11 : memref<!tpu.dma_semaphore, #tpu.memory_space<semaphore_mem>>) src(%dma_wait3A_90 : memref<10000x128xf32, #tpu.memory_space<hbm>>) dst(%arg9 : memref<128x128xf32, #tpu.memory_space<vmem>>)
      "tpu.region"() ({
        %run_scoped3A = tpu.sem_alloc : memref<!tpu.dma_semaphore, #tpu.memory_space<semaphore_mem>>
        %dma_start3A_91 = arith.constant 0 : i32
        %dma_start3A_92 = tpu.memref_slice %arg8[%scan3A_72, %dma_start3A_91] : memref<80x128xi32, #tpu.memory_space<vmem>> -> memref<1x128xi32, #tpu.memory_space<vmem>>
        %dma_start3A_93 = tpu.memref_squeeze %dma_start3A_92 : memref<1x128xi32, #tpu.memory_space<vmem>> -> memref<128xi32, #tpu.memory_space<vmem>>
        %dma_start3A_94 = arith.constant 0 : i32
        %dma_start3A_95 = arith.constant 0 : i32
        %dma_start3A_96 = tpu.memref_slice %arg10[%dma_start3A_94, %dma_start3A_95] : memref<10112x128xf32, #tpu.memory_space<vmem_shared>> -> memref<10112x128xf32, #tpu.memory_space<vmem_shared>>
        tpu.enqueue_indirect_dma source(%arg9 : memref<128x128xf32, #tpu.memory_space<vmem>>) target(%dma_start3A_96 : memref<10112x128xf32, #tpu.memory_space<vmem_shared>>) offsets(%dma_start3A_93 : memref<128xi32, #tpu.memory_space<vmem>>) semaphore(%run_scoped3A : memref<!tpu.dma_semaphore, #tpu.memory_space<semaphore_mem>>) {add = true}
        %dma_wait3A_97 = arith.constant 0 : i32
        %dma_wait3A_98 = tpu.memref_slice %arg8[%scan3A_72, %dma_wait3A_97] : memref<80x128xi32, #tpu.memory_space<vmem>> -> memref<1x128xi32, #tpu.memory_space<vmem>>
        %dma_wait3A_99 = tpu.memref_squeeze %dma_wait3A_98 : memref<1x128xi32, #tpu.memory_space<vmem>> -> memref<128xi32, #tpu.memory_space<vmem>>
        %dma_wait3A_100 = arith.constant 0 : i32
        %dma_wait3A_101 = arith.constant 0 : i32
        %dma_wait3A_102 = tpu.memref_slice %arg10[%dma_wait3A_100, %dma_wait3A_101] : memref<10112x128xf32, #tpu.memory_space<vmem_shared>> -> memref<10112x128xf32, #tpu.memory_space<vmem_shared>>
        tpu.wait_indirect_dma semaphore(%run_scoped3A : memref<!tpu.dma_semaphore, #tpu.memory_space<semaphore_mem>>) src(%arg9 : memref<128x128xf32, #tpu.memory_space<vmem>>) dst(%dma_wait3A_102 : memref<10112x128xf32, #tpu.memory_space<vmem_shared>>)
        tpu.yield
      }) : () -> ()
    }
    %scan3A_46 = arith.constant 80 : i32
    %barrier3A_47 = arith.constant 0 : index
    tpu.barrier barrier_id(%barrier3A_47)
    %mul3A_48 = arith.constant 632 : i32
    %mul3A_49 = arith.muli %arg1, %mul3A_48 : i32
    %mul3A_50 = arith.constant 632 : i32
    %mul3A_51 = arith.muli %arg1, %mul3A_50 : i32
    "tpu.region"() ({
      %run_scoped3A = tpu.sem_alloc : memref<!tpu.dma_semaphore, #tpu.memory_space<semaphore_mem>>
      %dma_start3A = arith.constant 0 : i32
      %dma_start3A_72 = tpu.memref_slice %arg6[%add3A_37, %mul3A_51, %dma_start3A] : memref<8x10112x128xf32, #tpu.memory_space<hbm>> -> memref<1x632x128xf32, #tpu.memory_space<hbm>>
      %dma_start3A_73 = tpu.memref_squeeze %dma_start3A_72 : memref<1x632x128xf32, #tpu.memory_space<hbm>> -> memref<632x128xf32, #tpu.memory_space<hbm>>
      %dma_start3A_74 = arith.constant 0 : i32
      %dma_start3A_75 = tpu.memref_slice %arg10[%mul3A_49, %dma_start3A_74] : memref<10112x128xf32, #tpu.memory_space<vmem_shared>> -> memref<632x128xf32, #tpu.memory_space<vmem_shared>>
      tpu.enqueue_dma source(%dma_start3A_75 : memref<632x128xf32, #tpu.memory_space<vmem_shared>>) target(%dma_start3A_73 : memref<632x128xf32, #tpu.memory_space<hbm>>) target_semaphore(%run_scoped3A : memref<!tpu.dma_semaphore, #tpu.memory_space<semaphore_mem>>)
      %dma_wait3A = arith.constant 0 : i32
      %dma_wait3A_76 = tpu.memref_slice %arg6[%add3A_37, %mul3A_51, %dma_wait3A] : memref<8x10112x128xf32, #tpu.memory_space<hbm>> -> memref<1x632x128xf32, #tpu.memory_space<hbm>>
      %dma_wait3A_77 = tpu.memref_squeeze %dma_wait3A_76 : memref<1x632x128xf32, #tpu.memory_space<hbm>> -> memref<632x128xf32, #tpu.memory_space<hbm>>
      %dma_wait3A_78 = arith.constant 0 : i32
      %dma_wait3A_79 = tpu.memref_slice %arg10[%mul3A_49, %dma_wait3A_78] : memref<10112x128xf32, #tpu.memory_space<vmem_shared>> -> memref<632x128xf32, #tpu.memory_space<vmem_shared>>
      tpu.wait_dma2 semaphore(%run_scoped3A : memref<!tpu.dma_semaphore, #tpu.memory_space<semaphore_mem>>) src(%dma_wait3A_79 : memref<632x128xf32, #tpu.memory_space<vmem_shared>>) dst(%dma_wait3A_77 : memref<632x128xf32, #tpu.memory_space<hbm>>)
      tpu.yield
    }) : () -> ()
    %barrier3A_52 = arith.constant 0 : index
    tpu.barrier barrier_id(%barrier3A_52)
    %mul3A_53 = arith.constant 4 : i32
    %mul3A_54 = arith.muli %arg0, %mul3A_53 : i32
    %add3A_55 = arith.constant 3 : i32
    %add3A_56 = arith.addi %mul3A_54, %add3A_55 : i32
    %mul3A_57 = arith.constant 632 : i32
    %mul3A_58 = arith.muli %arg1, %mul3A_57 : i32
    "tpu.region"() ({
      %run_scoped3A = tpu.sem_alloc : memref<!tpu.dma_semaphore, #tpu.memory_space<semaphore_mem>>
      %dma_start3A = arith.constant 0 : i32
      %dma_start3A_72 = tpu.memref_slice %arg10[%mul3A_58, %dma_start3A] : memref<10112x128xf32, #tpu.memory_space<vmem_shared>> -> memref<632x128xf32, #tpu.memory_space<vmem_shared>>
      tpu.enqueue_dma source(%arg5 : memref<632x128xf32, #tpu.memory_space<hbm>>) target(%dma_start3A_72 : memref<632x128xf32, #tpu.memory_space<vmem_shared>>) target_semaphore(%run_scoped3A : memref<!tpu.dma_semaphore, #tpu.memory_space<semaphore_mem>>)
      %dma_wait3A = arith.constant 0 : i32
      %dma_wait3A_73 = tpu.memref_slice %arg10[%mul3A_58, %dma_wait3A] : memref<10112x128xf32, #tpu.memory_space<vmem_shared>> -> memref<632x128xf32, #tpu.memory_space<vmem_shared>>
      tpu.wait_dma2 semaphore(%run_scoped3A : memref<!tpu.dma_semaphore, #tpu.memory_space<semaphore_mem>>) src(%arg5 : memref<632x128xf32, #tpu.memory_space<hbm>>) dst(%dma_wait3A_73 : memref<632x128xf32, #tpu.memory_space<vmem_shared>>)
      tpu.yield
    }) : () -> ()
    %barrier3A_59 = arith.constant 0 : index
    tpu.barrier barrier_id(%barrier3A_59)
    %scan3A_60 = arith.constant 0 : i32
    %scan3A_61 = arith.constant 0 : i32
    %scan3A_62 = arith.constant 80 : i32
    %scan3A_63 = arith.addi %scan3A_61, %scan3A_62 : i32
    %scan3A_64 = arith.constant 1 : i32
    scf.for %scan3A_72 = %scan3A_61 to %scan3A_63 step %scan3A_64  : i32 {
      %dma_start3A = arith.constant 0 : i32
      %dma_start3A_73 = tpu.memref_slice %arg7[%scan3A_72, %dma_start3A] : memref<80x128xi32, #tpu.memory_space<vmem>> -> memref<1x128xi32, #tpu.memory_space<vmem>>
      %dma_start3A_74 = tpu.memref_squeeze %dma_start3A_73 : memref<1x128xi32, #tpu.memory_space<vmem>> -> memref<128xi32, #tpu.memory_space<vmem>>
      %dma_start3A_75 = arith.constant 0 : i32
      %dma_start3A_76 = arith.constant 0 : i32
      %dma_start3A_77 = tpu.memref_slice %arg2[%add3A_56, %dma_start3A_75, %dma_start3A_76] : memref<8x10000x128xf32, #tpu.memory_space<hbm>> -> memref<1x10000x128xf32, #tpu.memory_space<hbm>>
      %dma_start3A_78 = tpu.memref_squeeze %dma_start3A_77 : memref<1x10000x128xf32, #tpu.memory_space<hbm>> -> memref<10000x128xf32, #tpu.memory_space<hbm>>
      %dma_start3A_79 = arith.constant 0 : i32
      %dma_start3A_80 = arith.constant 0 : i32
      %dma_start3A_81 = tpu.memref_slice %dma_start3A_78[%dma_start3A_79, %dma_start3A_80] : memref<10000x128xf32, #tpu.memory_space<hbm>> -> memref<10000x128xf32, #tpu.memory_space<hbm>>
      tpu.enqueue_indirect_dma source(%dma_start3A_81 : memref<10000x128xf32, #tpu.memory_space<hbm>>) target(%arg9 : memref<128x128xf32, #tpu.memory_space<vmem>>) offsets(%dma_start3A_74 : memref<128xi32, #tpu.memory_space<vmem>>) semaphore(%arg11 : memref<!tpu.dma_semaphore, #tpu.memory_space<semaphore_mem>>)
      %dma_wait3A = arith.constant 0 : i32
      %dma_wait3A_82 = tpu.memref_slice %arg7[%scan3A_72, %dma_wait3A] : memref<80x128xi32, #tpu.memory_space<vmem>> -> memref<1x128xi32, #tpu.memory_space<vmem>>
      %dma_wait3A_83 = tpu.memref_squeeze %dma_wait3A_82 : memref<1x128xi32, #tpu.memory_space<vmem>> -> memref<128xi32, #tpu.memory_space<vmem>>
      %dma_wait3A_84 = arith.constant 0 : i32
      %dma_wait3A_85 = arith.constant 0 : i32
      %dma_wait3A_86 = tpu.memref_slice %arg2[%add3A_56, %dma_wait3A_84, %dma_wait3A_85] : memref<8x10000x128xf32, #tpu.memory_space<hbm>> -> memref<1x10000x128xf32, #tpu.memory_space<hbm>>
      %dma_wait3A_87 = tpu.memref_squeeze %dma_wait3A_86 : memref<1x10000x128xf32, #tpu.memory_space<hbm>> -> memref<10000x128xf32, #tpu.memory_space<hbm>>
      %dma_wait3A_88 = arith.constant 0 : i32
      %dma_wait3A_89 = arith.constant 0 : i32
      %dma_wait3A_90 = tpu.memref_slice %dma_wait3A_87[%dma_wait3A_88, %dma_wait3A_89] : memref<10000x128xf32, #tpu.memory_space<hbm>> -> memref<10000x128xf32, #tpu.memory_space<hbm>>
      tpu.wait_indirect_dma semaphore(%arg11 : memref<!tpu.dma_semaphore, #tpu.memory_space<semaphore_mem>>) src(%dma_wait3A_90 : memref<10000x128xf32, #tpu.memory_space<hbm>>) dst(%arg9 : memref<128x128xf32, #tpu.memory_space<vmem>>)
      "tpu.region"() ({
        %run_scoped3A = tpu.sem_alloc : memref<!tpu.dma_semaphore, #tpu.memory_space<semaphore_mem>>
        %dma_start3A_91 = arith.constant 0 : i32
        %dma_start3A_92 = tpu.memref_slice %arg8[%scan3A_72, %dma_start3A_91] : memref<80x128xi32, #tpu.memory_space<vmem>> -> memref<1x128xi32, #tpu.memory_space<vmem>>
        %dma_start3A_93 = tpu.memref_squeeze %dma_start3A_92 : memref<1x128xi32, #tpu.memory_space<vmem>> -> memref<128xi32, #tpu.memory_space<vmem>>
        %dma_start3A_94 = arith.constant 0 : i32
        %dma_start3A_95 = arith.constant 0 : i32
        %dma_start3A_96 = tpu.memref_slice %arg10[%dma_start3A_94, %dma_start3A_95] : memref<10112x128xf32, #tpu.memory_space<vmem_shared>> -> memref<10112x128xf32, #tpu.memory_space<vmem_shared>>
        tpu.enqueue_indirect_dma source(%arg9 : memref<128x128xf32, #tpu.memory_space<vmem>>) target(%dma_start3A_96 : memref<10112x128xf32, #tpu.memory_space<vmem_shared>>) offsets(%dma_start3A_93 : memref<128xi32, #tpu.memory_space<vmem>>) semaphore(%run_scoped3A : memref<!tpu.dma_semaphore, #tpu.memory_space<semaphore_mem>>) {add = true}
        %dma_wait3A_97 = arith.constant 0 : i32
        %dma_wait3A_98 = tpu.memref_slice %arg8[%scan3A_72, %dma_wait3A_97] : memref<80x128xi32, #tpu.memory_space<vmem>> -> memref<1x128xi32, #tpu.memory_space<vmem>>
        %dma_wait3A_99 = tpu.memref_squeeze %dma_wait3A_98 : memref<1x128xi32, #tpu.memory_space<vmem>> -> memref<128xi32, #tpu.memory_space<vmem>>
        %dma_wait3A_100 = arith.constant 0 : i32
        %dma_wait3A_101 = arith.constant 0 : i32
        %dma_wait3A_102 = tpu.memref_slice %arg10[%dma_wait3A_100, %dma_wait3A_101] : memref<10112x128xf32, #tpu.memory_space<vmem_shared>> -> memref<10112x128xf32, #tpu.memory_space<vmem_shared>>
        tpu.wait_indirect_dma semaphore(%run_scoped3A : memref<!tpu.dma_semaphore, #tpu.memory_space<semaphore_mem>>) src(%arg9 : memref<128x128xf32, #tpu.memory_space<vmem>>) dst(%dma_wait3A_102 : memref<10112x128xf32, #tpu.memory_space<vmem_shared>>)
        tpu.yield
      }) : () -> ()
    }
    %scan3A_65 = arith.constant 80 : i32
    %barrier3A_66 = arith.constant 0 : index
    tpu.barrier barrier_id(%barrier3A_66)
    %mul3A_67 = arith.constant 632 : i32
    %mul3A_68 = arith.muli %arg1, %mul3A_67 : i32
    %mul3A_69 = arith.constant 632 : i32
    %mul3A_70 = arith.muli %arg1, %mul3A_69 : i32
    "tpu.region"() ({
      %run_scoped3A = tpu.sem_alloc : memref<!tpu.dma_semaphore, #tpu.memory_space<semaphore_mem>>
      %dma_start3A = arith.constant 0 : i32
      %dma_start3A_72 = tpu.memref_slice %arg6[%add3A_56, %mul3A_70, %dma_start3A] : memref<8x10112x128xf32, #tpu.memory_space<hbm>> -> memref<1x632x128xf32, #tpu.memory_space<hbm>>
      %dma_start3A_73 = tpu.memref_squeeze %dma_start3A_72 : memref<1x632x128xf32, #tpu.memory_space<hbm>> -> memref<632x128xf32, #tpu.memory_space<hbm>>
      %dma_start3A_74 = arith.constant 0 : i32
      %dma_start3A_75 = tpu.memref_slice %arg10[%mul3A_68, %dma_start3A_74] : memref<10112x128xf32, #tpu.memory_space<vmem_shared>> -> memref<632x128xf32, #tpu.memory_space<vmem_shared>>
      tpu.enqueue_dma source(%dma_start3A_75 : memref<632x128xf32, #tpu.memory_space<vmem_shared>>) target(%dma_start3A_73 : memref<632x128xf32, #tpu.memory_space<hbm>>) target_semaphore(%run_scoped3A : memref<!tpu.dma_semaphore, #tpu.memory_space<semaphore_mem>>)
      %dma_wait3A = arith.constant 0 : i32
      %dma_wait3A_76 = tpu.memref_slice %arg6[%add3A_56, %mul3A_70, %dma_wait3A] : memref<8x10112x128xf32, #tpu.memory_space<hbm>> -> memref<1x632x128xf32, #tpu.memory_space<hbm>>
      %dma_wait3A_77 = tpu.memref_squeeze %dma_wait3A_76 : memref<1x632x128xf32, #tpu.memory_space<hbm>> -> memref<632x128xf32, #tpu.memory_space<hbm>>
      %dma_wait3A_78 = arith.constant 0 : i32
      %dma_wait3A_79 = tpu.memref_slice %arg10[%mul3A_68, %dma_wait3A_78] : memref<10112x128xf32, #tpu.memory_space<vmem_shared>> -> memref<632x128xf32, #tpu.memory_space<vmem_shared>>
      tpu.wait_dma2 semaphore(%run_scoped3A : memref<!tpu.dma_semaphore, #tpu.memory_space<semaphore_mem>>) src(%dma_wait3A_79 : memref<632x128xf32, #tpu.memory_space<vmem_shared>>) dst(%dma_wait3A_77 : memref<632x128xf32, #tpu.memory_space<hbm>>)
      tpu.yield
    }) : () -> ()
    %barrier3A_71 = arith.constant 0 : index
    tpu.barrier barrier_id(%barrier3A_71)
    return
  }
}

#map = affine_map<(d0, d1) -> (0, 0, 0)>
#map1 = affine_map<(d0, d1) -> (0, 0)>
module attributes {stable_mosaic.version = 14 : i64} {
  func.func @body(%arg0: i32, %arg1: i32, %arg2: memref<2x10000x128xf32, #tpu.memory_space<hbm>>, %arg3: memref<16x80x128xi32, #tpu.memory_space<hbm>>, %arg4: memref<16x80x128xi32, #tpu.memory_space<hbm>>, %arg5: memref<632x128xf32, #tpu.memory_space<hbm>>, %arg6: memref<2x10112x128xf32, #tpu.memory_space<hbm>>, %arg7: memref<80x128xi32, #tpu.memory_space<vmem>>, %arg8: memref<80x128xi32, #tpu.memory_space<vmem>>, %arg9: memref<128x128xf32, #tpu.memory_space<vmem>>, %arg10: memref<10112x128xf32, #tpu.memory_space<vmem_shared>>, %arg11: memref<!tpu.dma_semaphore, #tpu.memory_space<semaphore_mem>>) attributes {dimension_semantics = [#tpu.dimension_semantics<core_parallel>, #tpu.dimension_semantics<subcore_parallel>], iteration_bounds = array<i64: 2, 16>, scalar_prefetch = 0 : i64, scratch_operands = 5 : i64, tpu.core_type = #tpu.core_type<sc_vector_subcore>, window_params = [{transform_indices = #map}, {transform_indices = #map}, {transform_indices = #map}, {transform_indices = #map1}, {transform_indices = #map}]} {
    "tpu.region"() ({
      %run_scoped3A = tpu.sem_alloc : memref<!tpu.dma_semaphore, #tpu.memory_space<semaphore_mem>>
      %dma_start3A = arith.constant 0 : i32
      %dma_start3A_15 = arith.constant 0 : i32
      %dma_start3A_16 = tpu.memref_slice %arg3[%arg1, %dma_start3A, %dma_start3A_15] : memref<16x80x128xi32, #tpu.memory_space<hbm>> -> memref<1x80x128xi32, #tpu.memory_space<hbm>>
      %dma_start3A_17 = tpu.memref_squeeze %dma_start3A_16 : memref<1x80x128xi32, #tpu.memory_space<hbm>> -> memref<80x128xi32, #tpu.memory_space<hbm>>
      %dma_start3A_18 = arith.constant 0 : i32
      %dma_start3A_19 = arith.constant 0 : i32
      %dma_start3A_20 = tpu.memref_slice %arg3[%arg1, %dma_start3A_18, %dma_start3A_19] : memref<16x80x128xi32, #tpu.memory_space<hbm>> -> memref<1x80x128xi32, #tpu.memory_space<hbm>>
      %dma_start3A_21 = tpu.memref_squeeze %dma_start3A_20 : memref<1x80x128xi32, #tpu.memory_space<hbm>> -> memref<80x128xi32, #tpu.memory_space<hbm>>
      tpu.enqueue_dma source(%dma_start3A_21 : memref<80x128xi32, #tpu.memory_space<hbm>>) target(%arg7 : memref<80x128xi32, #tpu.memory_space<vmem>>) target_semaphore(%run_scoped3A : memref<!tpu.dma_semaphore, #tpu.memory_space<semaphore_mem>>)
      %dma_wait3A = arith.constant 0 : i32
      %dma_wait3A_22 = arith.constant 0 : i32
      %dma_wait3A_23 = tpu.memref_slice %arg3[%arg1, %dma_wait3A, %dma_wait3A_22] : memref<16x80x128xi32, #tpu.memory_space<hbm>> -> memref<1x80x128xi32, #tpu.memory_space<hbm>>
      %dma_wait3A_24 = tpu.memref_squeeze %dma_wait3A_23 : memref<1x80x128xi32, #tpu.memory_space<hbm>> -> memref<80x128xi32, #tpu.memory_space<hbm>>
      %dma_wait3A_25 = arith.constant 0 : i32
      %dma_wait3A_26 = arith.constant 0 : i32
      %dma_wait3A_27 = tpu.memref_slice %arg3[%arg1, %dma_wait3A_25, %dma_wait3A_26] : memref<16x80x128xi32, #tpu.memory_space<hbm>> -> memref<1x80x128xi32, #tpu.memory_space<hbm>>
      %dma_wait3A_28 = tpu.memref_squeeze %dma_wait3A_27 : memref<1x80x128xi32, #tpu.memory_space<hbm>> -> memref<80x128xi32, #tpu.memory_space<hbm>>
      tpu.wait_dma2 semaphore(%run_scoped3A : memref<!tpu.dma_semaphore, #tpu.memory_space<semaphore_mem>>) src(%dma_wait3A_28 : memref<80x128xi32, #tpu.memory_space<hbm>>) dst(%arg7 : memref<80x128xi32, #tpu.memory_space<vmem>>)
      tpu.yield
    }) : () -> ()
    "tpu.region"() ({
      %run_scoped3A = tpu.sem_alloc : memref<!tpu.dma_semaphore, #tpu.memory_space<semaphore_mem>>
      %dma_start3A = arith.constant 0 : i32
      %dma_start3A_15 = arith.constant 0 : i32
      %dma_start3A_16 = tpu.memref_slice %arg4[%arg1, %dma_start3A, %dma_start3A_15] : memref<16x80x128xi32, #tpu.memory_space<hbm>> -> memref<1x80x128xi32, #tpu.memory_space<hbm>>
      %dma_start3A_17 = tpu.memref_squeeze %dma_start3A_16 : memref<1x80x128xi32, #tpu.memory_space<hbm>> -> memref<80x128xi32, #tpu.memory_space<hbm>>
      %dma_start3A_18 = arith.constant 0 : i32
      %dma_start3A_19 = arith.constant 0 : i32
      %dma_start3A_20 = tpu.memref_slice %arg4[%arg1, %dma_start3A_18, %dma_start3A_19] : memref<16x80x128xi32, #tpu.memory_space<hbm>> -> memref<1x80x128xi32, #tpu.memory_space<hbm>>
      %dma_start3A_21 = tpu.memref_squeeze %dma_start3A_20 : memref<1x80x128xi32, #tpu.memory_space<hbm>> -> memref<80x128xi32, #tpu.memory_space<hbm>>
      tpu.enqueue_dma source(%dma_start3A_21 : memref<80x128xi32, #tpu.memory_space<hbm>>) target(%arg8 : memref<80x128xi32, #tpu.memory_space<vmem>>) target_semaphore(%run_scoped3A : memref<!tpu.dma_semaphore, #tpu.memory_space<semaphore_mem>>)
      %dma_wait3A = arith.constant 0 : i32
      %dma_wait3A_22 = arith.constant 0 : i32
      %dma_wait3A_23 = tpu.memref_slice %arg4[%arg1, %dma_wait3A, %dma_wait3A_22] : memref<16x80x128xi32, #tpu.memory_space<hbm>> -> memref<1x80x128xi32, #tpu.memory_space<hbm>>
      %dma_wait3A_24 = tpu.memref_squeeze %dma_wait3A_23 : memref<1x80x128xi32, #tpu.memory_space<hbm>> -> memref<80x128xi32, #tpu.memory_space<hbm>>
      %dma_wait3A_25 = arith.constant 0 : i32
      %dma_wait3A_26 = arith.constant 0 : i32
      %dma_wait3A_27 = tpu.memref_slice %arg4[%arg1, %dma_wait3A_25, %dma_wait3A_26] : memref<16x80x128xi32, #tpu.memory_space<hbm>> -> memref<1x80x128xi32, #tpu.memory_space<hbm>>
      %dma_wait3A_28 = tpu.memref_squeeze %dma_wait3A_27 : memref<1x80x128xi32, #tpu.memory_space<hbm>> -> memref<80x128xi32, #tpu.memory_space<hbm>>
      tpu.wait_dma2 semaphore(%run_scoped3A : memref<!tpu.dma_semaphore, #tpu.memory_space<semaphore_mem>>) src(%dma_wait3A_28 : memref<80x128xi32, #tpu.memory_space<hbm>>) dst(%arg8 : memref<80x128xi32, #tpu.memory_space<vmem>>)
      tpu.yield
    }) : () -> ()
    %mul3A = arith.constant 1 : i32
    %mul3A_0 = arith.muli %arg0, %mul3A : i32
    %add3A = arith.constant 0 : i32
    %add3A_1 = arith.addi %mul3A_0, %add3A : i32
    %mul3A_2 = arith.constant 632 : i32
    %mul3A_3 = arith.muli %arg1, %mul3A_2 : i32
    "tpu.region"() ({
      %run_scoped3A = tpu.sem_alloc : memref<!tpu.dma_semaphore, #tpu.memory_space<semaphore_mem>>
      %dma_start3A = arith.constant 0 : i32
      %dma_start3A_15 = tpu.memref_slice %arg10[%mul3A_3, %dma_start3A] : memref<10112x128xf32, #tpu.memory_space<vmem_shared>> -> memref<632x128xf32, #tpu.memory_space<vmem_shared>>
      tpu.enqueue_dma source(%arg5 : memref<632x128xf32, #tpu.memory_space<hbm>>) target(%dma_start3A_15 : memref<632x128xf32, #tpu.memory_space<vmem_shared>>) target_semaphore(%run_scoped3A : memref<!tpu.dma_semaphore, #tpu.memory_space<semaphore_mem>>)
      %dma_wait3A = arith.constant 0 : i32
      %dma_wait3A_16 = tpu.memref_slice %arg10[%mul3A_3, %dma_wait3A] : memref<10112x128xf32, #tpu.memory_space<vmem_shared>> -> memref<632x128xf32, #tpu.memory_space<vmem_shared>>
      tpu.wait_dma2 semaphore(%run_scoped3A : memref<!tpu.dma_semaphore, #tpu.memory_space<semaphore_mem>>) src(%arg5 : memref<632x128xf32, #tpu.memory_space<hbm>>) dst(%dma_wait3A_16 : memref<632x128xf32, #tpu.memory_space<vmem_shared>>)
      tpu.yield
    }) : () -> ()
    %barrier3A = arith.constant 0 : index
    tpu.barrier barrier_id(%barrier3A)
    %scan3A = arith.constant 0 : i32
    %scan3A_4 = arith.constant 0 : i32
    %scan3A_5 = arith.constant 80 : i32
    %scan3A_6 = arith.addi %scan3A_4, %scan3A_5 : i32
    %scan3A_7 = arith.constant 1 : i32
    scf.for %scan3A_15 = %scan3A_4 to %scan3A_6 step %scan3A_7  : i32 {
      %dma_start3A = arith.constant 0 : i32
      %dma_start3A_16 = tpu.memref_slice %arg7[%scan3A_15, %dma_start3A] : memref<80x128xi32, #tpu.memory_space<vmem>> -> memref<1x128xi32, #tpu.memory_space<vmem>>
      %dma_start3A_17 = tpu.memref_squeeze %dma_start3A_16 : memref<1x128xi32, #tpu.memory_space<vmem>> -> memref<128xi32, #tpu.memory_space<vmem>>
      %dma_start3A_18 = arith.constant 0 : i32
      %dma_start3A_19 = arith.constant 0 : i32
      %dma_start3A_20 = tpu.memref_slice %arg2[%add3A_1, %dma_start3A_18, %dma_start3A_19] : memref<2x10000x128xf32, #tpu.memory_space<hbm>> -> memref<1x10000x128xf32, #tpu.memory_space<hbm>>
      %dma_start3A_21 = tpu.memref_squeeze %dma_start3A_20 : memref<1x10000x128xf32, #tpu.memory_space<hbm>> -> memref<10000x128xf32, #tpu.memory_space<hbm>>
      %dma_start3A_22 = arith.constant 0 : i32
      %dma_start3A_23 = arith.constant 0 : i32
      %dma_start3A_24 = tpu.memref_slice %dma_start3A_21[%dma_start3A_22, %dma_start3A_23] : memref<10000x128xf32, #tpu.memory_space<hbm>> -> memref<10000x128xf32, #tpu.memory_space<hbm>>
      tpu.enqueue_indirect_dma source(%dma_start3A_24 : memref<10000x128xf32, #tpu.memory_space<hbm>>) target(%arg9 : memref<128x128xf32, #tpu.memory_space<vmem>>) offsets(%dma_start3A_17 : memref<128xi32, #tpu.memory_space<vmem>>) semaphore(%arg11 : memref<!tpu.dma_semaphore, #tpu.memory_space<semaphore_mem>>)
      %dma_wait3A = arith.constant 0 : i32
      %dma_wait3A_25 = tpu.memref_slice %arg7[%scan3A_15, %dma_wait3A] : memref<80x128xi32, #tpu.memory_space<vmem>> -> memref<1x128xi32, #tpu.memory_space<vmem>>
      %dma_wait3A_26 = tpu.memref_squeeze %dma_wait3A_25 : memref<1x128xi32, #tpu.memory_space<vmem>> -> memref<128xi32, #tpu.memory_space<vmem>>
      %dma_wait3A_27 = arith.constant 0 : i32
      %dma_wait3A_28 = arith.constant 0 : i32
      %dma_wait3A_29 = tpu.memref_slice %arg2[%add3A_1, %dma_wait3A_27, %dma_wait3A_28] : memref<2x10000x128xf32, #tpu.memory_space<hbm>> -> memref<1x10000x128xf32, #tpu.memory_space<hbm>>
      %dma_wait3A_30 = tpu.memref_squeeze %dma_wait3A_29 : memref<1x10000x128xf32, #tpu.memory_space<hbm>> -> memref<10000x128xf32, #tpu.memory_space<hbm>>
      %dma_wait3A_31 = arith.constant 0 : i32
      %dma_wait3A_32 = arith.constant 0 : i32
      %dma_wait3A_33 = tpu.memref_slice %dma_wait3A_30[%dma_wait3A_31, %dma_wait3A_32] : memref<10000x128xf32, #tpu.memory_space<hbm>> -> memref<10000x128xf32, #tpu.memory_space<hbm>>
      tpu.wait_indirect_dma semaphore(%arg11 : memref<!tpu.dma_semaphore, #tpu.memory_space<semaphore_mem>>) src(%dma_wait3A_33 : memref<10000x128xf32, #tpu.memory_space<hbm>>) dst(%arg9 : memref<128x128xf32, #tpu.memory_space<vmem>>)
      "tpu.region"() ({
        %run_scoped3A = tpu.sem_alloc : memref<!tpu.dma_semaphore, #tpu.memory_space<semaphore_mem>>
        %dma_start3A_34 = arith.constant 0 : i32
        %dma_start3A_35 = tpu.memref_slice %arg8[%scan3A_15, %dma_start3A_34] : memref<80x128xi32, #tpu.memory_space<vmem>> -> memref<1x128xi32, #tpu.memory_space<vmem>>
        %dma_start3A_36 = tpu.memref_squeeze %dma_start3A_35 : memref<1x128xi32, #tpu.memory_space<vmem>> -> memref<128xi32, #tpu.memory_space<vmem>>
        %dma_start3A_37 = arith.constant 0 : i32
        %dma_start3A_38 = arith.constant 0 : i32
        %dma_start3A_39 = tpu.memref_slice %arg10[%dma_start3A_37, %dma_start3A_38] : memref<10112x128xf32, #tpu.memory_space<vmem_shared>> -> memref<10112x128xf32, #tpu.memory_space<vmem_shared>>
        tpu.enqueue_indirect_dma source(%arg9 : memref<128x128xf32, #tpu.memory_space<vmem>>) target(%dma_start3A_39 : memref<10112x128xf32, #tpu.memory_space<vmem_shared>>) offsets(%dma_start3A_36 : memref<128xi32, #tpu.memory_space<vmem>>) semaphore(%run_scoped3A : memref<!tpu.dma_semaphore, #tpu.memory_space<semaphore_mem>>) {add = true}
        %dma_wait3A_40 = arith.constant 0 : i32
        %dma_wait3A_41 = tpu.memref_slice %arg8[%scan3A_15, %dma_wait3A_40] : memref<80x128xi32, #tpu.memory_space<vmem>> -> memref<1x128xi32, #tpu.memory_space<vmem>>
        %dma_wait3A_42 = tpu.memref_squeeze %dma_wait3A_41 : memref<1x128xi32, #tpu.memory_space<vmem>> -> memref<128xi32, #tpu.memory_space<vmem>>
        %dma_wait3A_43 = arith.constant 0 : i32
        %dma_wait3A_44 = arith.constant 0 : i32
        %dma_wait3A_45 = tpu.memref_slice %arg10[%dma_wait3A_43, %dma_wait3A_44] : memref<10112x128xf32, #tpu.memory_space<vmem_shared>> -> memref<10112x128xf32, #tpu.memory_space<vmem_shared>>
        tpu.wait_indirect_dma semaphore(%run_scoped3A : memref<!tpu.dma_semaphore, #tpu.memory_space<semaphore_mem>>) src(%arg9 : memref<128x128xf32, #tpu.memory_space<vmem>>) dst(%dma_wait3A_45 : memref<10112x128xf32, #tpu.memory_space<vmem_shared>>)
        tpu.yield
      }) : () -> ()
    }
    %scan3A_8 = arith.constant 80 : i32
    %barrier3A_9 = arith.constant 0 : index
    tpu.barrier barrier_id(%barrier3A_9)
    %mul3A_10 = arith.constant 632 : i32
    %mul3A_11 = arith.muli %arg1, %mul3A_10 : i32
    %mul3A_12 = arith.constant 632 : i32
    %mul3A_13 = arith.muli %arg1, %mul3A_12 : i32
    "tpu.region"() ({
      %run_scoped3A = tpu.sem_alloc : memref<!tpu.dma_semaphore, #tpu.memory_space<semaphore_mem>>
      %dma_start3A = arith.constant 0 : i32
      %dma_start3A_15 = tpu.memref_slice %arg6[%add3A_1, %mul3A_13, %dma_start3A] : memref<2x10112x128xf32, #tpu.memory_space<hbm>> -> memref<1x632x128xf32, #tpu.memory_space<hbm>>
      %dma_start3A_16 = tpu.memref_squeeze %dma_start3A_15 : memref<1x632x128xf32, #tpu.memory_space<hbm>> -> memref<632x128xf32, #tpu.memory_space<hbm>>
      %dma_start3A_17 = arith.constant 0 : i32
      %dma_start3A_18 = tpu.memref_slice %arg10[%mul3A_11, %dma_start3A_17] : memref<10112x128xf32, #tpu.memory_space<vmem_shared>> -> memref<632x128xf32, #tpu.memory_space<vmem_shared>>
      tpu.enqueue_dma source(%dma_start3A_18 : memref<632x128xf32, #tpu.memory_space<vmem_shared>>) target(%dma_start3A_16 : memref<632x128xf32, #tpu.memory_space<hbm>>) target_semaphore(%run_scoped3A : memref<!tpu.dma_semaphore, #tpu.memory_space<semaphore_mem>>)
      %dma_wait3A = arith.constant 0 : i32
      %dma_wait3A_19 = tpu.memref_slice %arg6[%add3A_1, %mul3A_13, %dma_wait3A] : memref<2x10112x128xf32, #tpu.memory_space<hbm>> -> memref<1x632x128xf32, #tpu.memory_space<hbm>>
      %dma_wait3A_20 = tpu.memref_squeeze %dma_wait3A_19 : memref<1x632x128xf32, #tpu.memory_space<hbm>> -> memref<632x128xf32, #tpu.memory_space<hbm>>
      %dma_wait3A_21 = arith.constant 0 : i32
      %dma_wait3A_22 = tpu.memref_slice %arg10[%mul3A_11, %dma_wait3A_21] : memref<10112x128xf32, #tpu.memory_space<vmem_shared>> -> memref<632x128xf32, #tpu.memory_space<vmem_shared>>
      tpu.wait_dma2 semaphore(%run_scoped3A : memref<!tpu.dma_semaphore, #tpu.memory_space<semaphore_mem>>) src(%dma_wait3A_22 : memref<632x128xf32, #tpu.memory_space<vmem_shared>>) dst(%dma_wait3A_20 : memref<632x128xf32, #tpu.memory_space<hbm>>)
      tpu.yield
    }) : () -> ()
    %barrier3A_14 = arith.constant 0 : index
    tpu.barrier barrier_id(%barrier3A_14)
    return
  }
}

#map = affine_map<(d0, d1) -> (0)>
#map1 = affine_map<(d0, d1) -> (0, 0, 0)>
#map2 = affine_map<(d0, d1) -> (0, 0)>
module attributes {stable_mosaic.version = 14 : i64} {
  func.func @body(%arg0: i32, %arg1: i32, %arg2: memref<10112xf32, #tpu.memory_space<hbm>>, %arg3: memref<32x40x128xi32, #tpu.memory_space<hbm>>, %arg4: memref<32x40x128xi32, #tpu.memory_space<hbm>>, %arg5: memref<1x10112xf32, #tpu.memory_space<hbm>>, %arg6: memref<32x1x10112xf32, #tpu.memory_space<hbm>>, %arg7: memref<10112xf32, #tpu.memory_space<vmem>>, %arg8: memref<40x128xi32, #tpu.memory_space<vmem>>, %arg9: memref<40x128xi32, #tpu.memory_space<vmem>>, %arg10: memref<1x10112xf32, #tpu.memory_space<vmem>>) attributes {dimension_semantics = [#tpu.dimension_semantics<core_parallel>, #tpu.dimension_semantics<subcore_parallel>], iteration_bounds = array<i64: 2, 16>, scalar_prefetch = 0 : i64, scratch_operands = 4 : i64, tpu.core_type = #tpu.core_type<sc_vector_subcore>, window_params = [{transform_indices = #map}, {transform_indices = #map1}, {transform_indices = #map1}, {transform_indices = #map2}, {transform_indices = #map1}]} {
    %mul3A = arith.constant 2 : i32
    %mul3A_0 = arith.muli %arg1, %mul3A : i32
    %add3A = arith.addi %mul3A_0, %arg0 : i32
    "tpu.region"() ({
      %run_scoped3A = tpu.sem_alloc : memref<!tpu.dma_semaphore, #tpu.memory_space<semaphore_mem>>
      tpu.enqueue_dma source(%arg2 : memref<10112xf32, #tpu.memory_space<hbm>>) target(%arg7 : memref<10112xf32, #tpu.memory_space<vmem>>) target_semaphore(%run_scoped3A : memref<!tpu.dma_semaphore, #tpu.memory_space<semaphore_mem>>)
      tpu.wait_dma2 semaphore(%run_scoped3A : memref<!tpu.dma_semaphore, #tpu.memory_space<semaphore_mem>>) src(%arg2 : memref<10112xf32, #tpu.memory_space<hbm>>) dst(%arg7 : memref<10112xf32, #tpu.memory_space<vmem>>)
      tpu.yield
    }) : () -> ()
    "tpu.region"() ({
      %run_scoped3A = tpu.sem_alloc : memref<!tpu.dma_semaphore, #tpu.memory_space<semaphore_mem>>
      %dma_start3A = arith.constant 0 : i32
      %dma_start3A_7 = arith.constant 0 : i32
      %dma_start3A_8 = tpu.memref_slice %arg3[%add3A, %dma_start3A, %dma_start3A_7] : memref<32x40x128xi32, #tpu.memory_space<hbm>> -> memref<1x40x128xi32, #tpu.memory_space<hbm>>
      %dma_start3A_9 = tpu.memref_squeeze %dma_start3A_8 : memref<1x40x128xi32, #tpu.memory_space<hbm>> -> memref<40x128xi32, #tpu.memory_space<hbm>>
      %dma_start3A_10 = arith.constant 0 : i32
      %dma_start3A_11 = arith.constant 0 : i32
      %dma_start3A_12 = tpu.memref_slice %arg3[%add3A, %dma_start3A_10, %dma_start3A_11] : memref<32x40x128xi32, #tpu.memory_space<hbm>> -> memref<1x40x128xi32, #tpu.memory_space<hbm>>
      %dma_start3A_13 = tpu.memref_squeeze %dma_start3A_12 : memref<1x40x128xi32, #tpu.memory_space<hbm>> -> memref<40x128xi32, #tpu.memory_space<hbm>>
      tpu.enqueue_dma source(%dma_start3A_13 : memref<40x128xi32, #tpu.memory_space<hbm>>) target(%arg8 : memref<40x128xi32, #tpu.memory_space<vmem>>) target_semaphore(%run_scoped3A : memref<!tpu.dma_semaphore, #tpu.memory_space<semaphore_mem>>)
      %dma_wait3A = arith.constant 0 : i32
      %dma_wait3A_14 = arith.constant 0 : i32
      %dma_wait3A_15 = tpu.memref_slice %arg3[%add3A, %dma_wait3A, %dma_wait3A_14] : memref<32x40x128xi32, #tpu.memory_space<hbm>> -> memref<1x40x128xi32, #tpu.memory_space<hbm>>
      %dma_wait3A_16 = tpu.memref_squeeze %dma_wait3A_15 : memref<1x40x128xi32, #tpu.memory_space<hbm>> -> memref<40x128xi32, #tpu.memory_space<hbm>>
      %dma_wait3A_17 = arith.constant 0 : i32
      %dma_wait3A_18 = arith.constant 0 : i32
      %dma_wait3A_19 = tpu.memref_slice %arg3[%add3A, %dma_wait3A_17, %dma_wait3A_18] : memref<32x40x128xi32, #tpu.memory_space<hbm>> -> memref<1x40x128xi32, #tpu.memory_space<hbm>>
      %dma_wait3A_20 = tpu.memref_squeeze %dma_wait3A_19 : memref<1x40x128xi32, #tpu.memory_space<hbm>> -> memref<40x128xi32, #tpu.memory_space<hbm>>
      tpu.wait_dma2 semaphore(%run_scoped3A : memref<!tpu.dma_semaphore, #tpu.memory_space<semaphore_mem>>) src(%dma_wait3A_20 : memref<40x128xi32, #tpu.memory_space<hbm>>) dst(%arg8 : memref<40x128xi32, #tpu.memory_space<vmem>>)
      tpu.yield
    }) : () -> ()
    "tpu.region"() ({
      %run_scoped3A = tpu.sem_alloc : memref<!tpu.dma_semaphore, #tpu.memory_space<semaphore_mem>>
      %dma_start3A = arith.constant 0 : i32
      %dma_start3A_7 = arith.constant 0 : i32
      %dma_start3A_8 = tpu.memref_slice %arg4[%add3A, %dma_start3A, %dma_start3A_7] : memref<32x40x128xi32, #tpu.memory_space<hbm>> -> memref<1x40x128xi32, #tpu.memory_space<hbm>>
      %dma_start3A_9 = tpu.memref_squeeze %dma_start3A_8 : memref<1x40x128xi32, #tpu.memory_space<hbm>> -> memref<40x128xi32, #tpu.memory_space<hbm>>
      %dma_start3A_10 = arith.constant 0 : i32
      %dma_start3A_11 = arith.constant 0 : i32
      %dma_start3A_12 = tpu.memref_slice %arg4[%add3A, %dma_start3A_10, %dma_start3A_11] : memref<32x40x128xi32, #tpu.memory_space<hbm>> -> memref<1x40x128xi32, #tpu.memory_space<hbm>>
      %dma_start3A_13 = tpu.memref_squeeze %dma_start3A_12 : memref<1x40x128xi32, #tpu.memory_space<hbm>> -> memref<40x128xi32, #tpu.memory_space<hbm>>
      tpu.enqueue_dma source(%dma_start3A_13 : memref<40x128xi32, #tpu.memory_space<hbm>>) target(%arg9 : memref<40x128xi32, #tpu.memory_space<vmem>>) target_semaphore(%run_scoped3A : memref<!tpu.dma_semaphore, #tpu.memory_space<semaphore_mem>>)
      %dma_wait3A = arith.constant 0 : i32
      %dma_wait3A_14 = arith.constant 0 : i32
      %dma_wait3A_15 = tpu.memref_slice %arg4[%add3A, %dma_wait3A, %dma_wait3A_14] : memref<32x40x128xi32, #tpu.memory_space<hbm>> -> memref<1x40x128xi32, #tpu.memory_space<hbm>>
      %dma_wait3A_16 = tpu.memref_squeeze %dma_wait3A_15 : memref<1x40x128xi32, #tpu.memory_space<hbm>> -> memref<40x128xi32, #tpu.memory_space<hbm>>
      %dma_wait3A_17 = arith.constant 0 : i32
      %dma_wait3A_18 = arith.constant 0 : i32
      %dma_wait3A_19 = tpu.memref_slice %arg4[%add3A, %dma_wait3A_17, %dma_wait3A_18] : memref<32x40x128xi32, #tpu.memory_space<hbm>> -> memref<1x40x128xi32, #tpu.memory_space<hbm>>
      %dma_wait3A_20 = tpu.memref_squeeze %dma_wait3A_19 : memref<1x40x128xi32, #tpu.memory_space<hbm>> -> memref<40x128xi32, #tpu.memory_space<hbm>>
      tpu.wait_dma2 semaphore(%run_scoped3A : memref<!tpu.dma_semaphore, #tpu.memory_space<semaphore_mem>>) src(%dma_wait3A_20 : memref<40x128xi32, #tpu.memory_space<hbm>>) dst(%arg9 : memref<40x128xi32, #tpu.memory_space<vmem>>)
      tpu.yield
    }) : () -> ()
    "tpu.region"() ({
      %run_scoped3A = tpu.sem_alloc : memref<!tpu.dma_semaphore, #tpu.memory_space<semaphore_mem>>
      tpu.enqueue_dma source(%arg5 : memref<1x10112xf32, #tpu.memory_space<hbm>>) target(%arg10 : memref<1x10112xf32, #tpu.memory_space<vmem>>) target_semaphore(%run_scoped3A : memref<!tpu.dma_semaphore, #tpu.memory_space<semaphore_mem>>)
      tpu.wait_dma2 semaphore(%run_scoped3A : memref<!tpu.dma_semaphore, #tpu.memory_space<semaphore_mem>>) src(%arg5 : memref<1x10112xf32, #tpu.memory_space<hbm>>) dst(%arg10 : memref<1x10112xf32, #tpu.memory_space<vmem>>)
      tpu.yield
    }) : () -> ()
    %broadcast_in_dim3A = arith.constant 0 : i32
    %broadcast_in_dim3A_1 = vector.broadcast %broadcast_in_dim3A : i32 to vector<16xi32>
    %scan3A = arith.constant 0 : i32
    %scan3A_2 = arith.constant 0 : i32
    %scan3A_3 = arith.constant 40 : i32
    %scan3A_4 = arith.addi %scan3A_2, %scan3A_3 : i32
    %scan3A_5 = arith.constant 1 : i32
    scf.for %scan3A_7 = %scan3A_2 to %scan3A_4 step %scan3A_5  : i32 {
      %get3A = arith.index_cast %scan3A_7 : i32 to index
      %get3A_8 = arith.constant 0 : index
      %get3A_9 = tpu.vector_load %arg8[%get3A, %get3A_8] {strides = array<i32>} : memref<40x128xi32, #tpu.memory_space<vmem>>, vector<16xi32>,
      %get3A_10 = arith.index_cast %scan3A_7 : i32 to index
      %get3A_11 = arith.constant 0 : index
      %get3A_12 = tpu.vector_load %arg9[%get3A_10, %get3A_11] {strides = array<i32>} : memref<40x128xi32, #tpu.memory_space<vmem>>, vector<16xi32>,
      %gather3A = tpu.vector_load_idx %arg7[%get3A_9] : memref<10112xf32, #tpu.memory_space<vmem>>[vector<16xi32>], vector<16xf32>,
      %gather3A_13 = tpu.vector_load_idx %arg7[%get3A_12] : memref<10112xf32, #tpu.memory_space<vmem>>[vector<16xi32>], vector<16xf32>,
      %mul3A_14 = arith.mulf %gather3A, %gather3A_13 : vector<16xf32>
      tpu.vector_store_idx %arg10[%broadcast_in_dim3A_1, %get3A_12], %mul3A_14 {add = true} : memref<1x10112xf32, #tpu.memory_space<vmem>>[vector<16xi32>, vector<16xi32>], vector<16xf32>,
      %get3A_15 = arith.index_cast %scan3A_7 : i32 to index
      %get3A_16 = arith.constant 16 : index
      %get3A_17 = tpu.vector_load %arg8[%get3A_15, %get3A_16] {strides = array<i32>} : memref<40x128xi32, #tpu.memory_space<vmem>>, vector<16xi32>,
      %get3A_18 = arith.index_cast %scan3A_7 : i32 to index
      %get3A_19 = arith.constant 16 : index
      %get3A_20 = tpu.vector_load %arg9[%get3A_18, %get3A_19] {strides = array<i32>} : memref<40x128xi32, #tpu.memory_space<vmem>>, vector<16xi32>,
      %gather3A_21 = tpu.vector_load_idx %arg7[%get3A_17] : memref<10112xf32, #tpu.memory_space<vmem>>[vector<16xi32>], vector<16xf32>,
      %gather3A_22 = tpu.vector_load_idx %arg7[%get3A_20] : memref<10112xf32, #tpu.memory_space<vmem>>[vector<16xi32>], vector<16xf32>,
      %mul3A_23 = arith.mulf %gather3A_21, %gather3A_22 : vector<16xf32>
      tpu.vector_store_idx %arg10[%broadcast_in_dim3A_1, %get3A_20], %mul3A_23 {add = true} : memref<1x10112xf32, #tpu.memory_space<vmem>>[vector<16xi32>, vector<16xi32>], vector<16xf32>,
      %get3A_24 = arith.index_cast %scan3A_7 : i32 to index
      %get3A_25 = arith.constant 32 : index
      %get3A_26 = tpu.vector_load %arg8[%get3A_24, %get3A_25] {strides = array<i32>} : memref<40x128xi32, #tpu.memory_space<vmem>>, vector<16xi32>,
      %get3A_27 = arith.index_cast %scan3A_7 : i32 to index
      %get3A_28 = arith.constant 32 : index
      %get3A_29 = tpu.vector_load %arg9[%get3A_27, %get3A_28] {strides = array<i32>} : memref<40x128xi32, #tpu.memory_space<vmem>>, vector<16xi32>,
      %gather3A_30 = tpu.vector_load_idx %arg7[%get3A_26] : memref<10112xf32, #tpu.memory_space<vmem>>[vector<16xi32>], vector<16xf32>,
      %gather3A_31 = tpu.vector_load_idx %arg7[%get3A_29] : memref<10112xf32, #tpu.memory_space<vmem>>[vector<16xi32>], vector<16xf32>,
      %mul3A_32 = arith.mulf %gather3A_30, %gather3A_31 : vector<16xf32>
      tpu.vector_store_idx %arg10[%broadcast_in_dim3A_1, %get3A_29], %mul3A_32 {add = true} : memref<1x10112xf32, #tpu.memory_space<vmem>>[vector<16xi32>, vector<16xi32>], vector<16xf32>,
      %get3A_33 = arith.index_cast %scan3A_7 : i32 to index
      %get3A_34 = arith.constant 48 : index
      %get3A_35 = tpu.vector_load %arg8[%get3A_33, %get3A_34] {strides = array<i32>} : memref<40x128xi32, #tpu.memory_space<vmem>>, vector<16xi32>,
      %get3A_36 = arith.index_cast %scan3A_7 : i32 to index
      %get3A_37 = arith.constant 48 : index
      %get3A_38 = tpu.vector_load %arg9[%get3A_36, %get3A_37] {strides = array<i32>} : memref<40x128xi32, #tpu.memory_space<vmem>>, vector<16xi32>,
      %gather3A_39 = tpu.vector_load_idx %arg7[%get3A_35] : memref<10112xf32, #tpu.memory_space<vmem>>[vector<16xi32>], vector<16xf32>,
      %gather3A_40 = tpu.vector_load_idx %arg7[%get3A_38] : memref<10112xf32, #tpu.memory_space<vmem>>[vector<16xi32>], vector<16xf32>,
      %mul3A_41 = arith.mulf %gather3A_39, %gather3A_40 : vector<16xf32>
      tpu.vector_store_idx %arg10[%broadcast_in_dim3A_1, %get3A_38], %mul3A_41 {add = true} : memref<1x10112xf32, #tpu.memory_space<vmem>>[vector<16xi32>, vector<16xi32>], vector<16xf32>,
      %get3A_42 = arith.index_cast %scan3A_7 : i32 to index
      %get3A_43 = arith.constant 64 : index
      %get3A_44 = tpu.vector_load %arg8[%get3A_42, %get3A_43] {strides = array<i32>} : memref<40x128xi32, #tpu.memory_space<vmem>>, vector<16xi32>,
      %get3A_45 = arith.index_cast %scan3A_7 : i32 to index
      %get3A_46 = arith.constant 64 : index
      %get3A_47 = tpu.vector_load %arg9[%get3A_45, %get3A_46] {strides = array<i32>} : memref<40x128xi32, #tpu.memory_space<vmem>>, vector<16xi32>,
      %gather3A_48 = tpu.vector_load_idx %arg7[%get3A_44] : memref<10112xf32, #tpu.memory_space<vmem>>[vector<16xi32>], vector<16xf32>,
      %gather3A_49 = tpu.vector_load_idx %arg7[%get3A_47] : memref<10112xf32, #tpu.memory_space<vmem>>[vector<16xi32>], vector<16xf32>,
      %mul3A_50 = arith.mulf %gather3A_48, %gather3A_49 : vector<16xf32>
      tpu.vector_store_idx %arg10[%broadcast_in_dim3A_1, %get3A_47], %mul3A_50 {add = true} : memref<1x10112xf32, #tpu.memory_space<vmem>>[vector<16xi32>, vector<16xi32>], vector<16xf32>,
      %get3A_51 = arith.index_cast %scan3A_7 : i32 to index
      %get3A_52 = arith.constant 80 : index
      %get3A_53 = tpu.vector_load %arg8[%get3A_51, %get3A_52] {strides = array<i32>} : memref<40x128xi32, #tpu.memory_space<vmem>>, vector<16xi32>,
      %get3A_54 = arith.index_cast %scan3A_7 : i32 to index
      %get3A_55 = arith.constant 80 : index
      %get3A_56 = tpu.vector_load %arg9[%get3A_54, %get3A_55] {strides = array<i32>} : memref<40x128xi32, #tpu.memory_space<vmem>>, vector<16xi32>,
      %gather3A_57 = tpu.vector_load_idx %arg7[%get3A_53] : memref<10112xf32, #tpu.memory_space<vmem>>[vector<16xi32>], vector<16xf32>,
      %gather3A_58 = tpu.vector_load_idx %arg7[%get3A_56] : memref<10112xf32, #tpu.memory_space<vmem>>[vector<16xi32>], vector<16xf32>,
      %mul3A_59 = arith.mulf %gather3A_57, %gather3A_58 : vector<16xf32>
      tpu.vector_store_idx %arg10[%broadcast_in_dim3A_1, %get3A_56], %mul3A_59 {add = true} : memref<1x10112xf32, #tpu.memory_space<vmem>>[vector<16xi32>, vector<16xi32>], vector<16xf32>,
      %get3A_60 = arith.index_cast %scan3A_7 : i32 to index
      %get3A_61 = arith.constant 96 : index
      %get3A_62 = tpu.vector_load %arg8[%get3A_60, %get3A_61] {strides = array<i32>} : memref<40x128xi32, #tpu.memory_space<vmem>>, vector<16xi32>,
      %get3A_63 = arith.index_cast %scan3A_7 : i32 to index
      %get3A_64 = arith.constant 96 : index
      %get3A_65 = tpu.vector_load %arg9[%get3A_63, %get3A_64] {strides = array<i32>} : memref<40x128xi32, #tpu.memory_space<vmem>>, vector<16xi32>,
      %gather3A_66 = tpu.vector_load_idx %arg7[%get3A_62] : memref<10112xf32, #tpu.memory_space<vmem>>[vector<16xi32>], vector<16xf32>,
      %gather3A_67 = tpu.vector_load_idx %arg7[%get3A_65] : memref<10112xf32, #tpu.memory_space<vmem>>[vector<16xi32>], vector<16xf32>,
      %mul3A_68 = arith.mulf %gather3A_66, %gather3A_67 : vector<16xf32>
      tpu.vector_store_idx %arg10[%broadcast_in_dim3A_1, %get3A_65], %mul3A_68 {add = true} : memref<1x10112xf32, #tpu.memory_space<vmem>>[vector<16xi32>, vector<16xi32>], vector<16xf32>,
      %get3A_69 = arith.index_cast %scan3A_7 : i32 to index
      %get3A_70 = arith.constant 112 : index
      %get3A_71 = tpu.vector_load %arg8[%get3A_69, %get3A_70] {strides = array<i32>} : memref<40x128xi32, #tpu.memory_space<vmem>>, vector<16xi32>,
      %get3A_72 = arith.index_cast %scan3A_7 : i32 to index
      %get3A_73 = arith.constant 112 : index
      %get3A_74 = tpu.vector_load %arg9[%get3A_72, %get3A_73] {strides = array<i32>} : memref<40x128xi32, #tpu.memory_space<vmem>>, vector<16xi32>,
      %gather3A_75 = tpu.vector_load_idx %arg7[%get3A_71] : memref<10112xf32, #tpu.memory_space<vmem>>[vector<16xi32>], vector<16xf32>,
      %gather3A_76 = tpu.vector_load_idx %arg7[%get3A_74] : memref<10112xf32, #tpu.memory_space<vmem>>[vector<16xi32>], vector<16xf32>,
      %mul3A_77 = arith.mulf %gather3A_75, %gather3A_76 : vector<16xf32>
      tpu.vector_store_idx %arg10[%broadcast_in_dim3A_1, %get3A_74], %mul3A_77 {add = true} : memref<1x10112xf32, #tpu.memory_space<vmem>>[vector<16xi32>, vector<16xi32>], vector<16xf32>,
    }
    %scan3A_6 = arith.constant 40 : i32
    "tpu.region"() ({
      %run_scoped3A = tpu.sem_alloc : memref<!tpu.dma_semaphore, #tpu.memory_space<semaphore_mem>>
      %dma_start3A = arith.constant 0 : i32
      %dma_start3A_7 = arith.constant 0 : i32
      %dma_start3A_8 = tpu.memref_slice %arg6[%add3A, %dma_start3A, %dma_start3A_7] : memref<32x1x10112xf32, #tpu.memory_space<hbm>> -> memref<1x1x10112xf32, #tpu.memory_space<hbm>>
      %dma_start3A_9 = tpu.memref_squeeze %dma_start3A_8 : memref<1x1x10112xf32, #tpu.memory_space<hbm>> -> memref<1x10112xf32, #tpu.memory_space<hbm>>
      %dma_start3A_10 = arith.constant 0 : i32
      %dma_start3A_11 = arith.constant 0 : i32
      %dma_start3A_12 = tpu.memref_slice %arg6[%add3A, %dma_start3A_10, %dma_start3A_11] : memref<32x1x10112xf32, #tpu.memory_space<hbm>> -> memref<1x1x10112xf32, #tpu.memory_space<hbm>>
      %dma_start3A_13 = tpu.memref_squeeze %dma_start3A_12 : memref<1x1x10112xf32, #tpu.memory_space<hbm>> -> memref<1x10112xf32, #tpu.memory_space<hbm>>
      tpu.enqueue_dma source(%arg10 : memref<1x10112xf32, #tpu.memory_space<vmem>>) target(%dma_start3A_13 : memref<1x10112xf32, #tpu.memory_space<hbm>>) target_semaphore(%run_scoped3A : memref<!tpu.dma_semaphore, #tpu.memory_space<semaphore_mem>>)
      %dma_wait3A = arith.constant 0 : i32
      %dma_wait3A_14 = arith.constant 0 : i32
      %dma_wait3A_15 = tpu.memref_slice %arg6[%add3A, %dma_wait3A, %dma_wait3A_14] : memref<32x1x10112xf32, #tpu.memory_space<hbm>> -> memref<1x1x10112xf32, #tpu.memory_space<hbm>>
      %dma_wait3A_16 = tpu.memref_squeeze %dma_wait3A_15 : memref<1x1x10112xf32, #tpu.memory_space<hbm>> -> memref<1x10112xf32, #tpu.memory_space<hbm>>
      %dma_wait3A_17 = arith.constant 0 : i32
      %dma_wait3A_18 = arith.constant 0 : i32
      %dma_wait3A_19 = tpu.memref_slice %arg6[%add3A, %dma_wait3A_17, %dma_wait3A_18] : memref<32x1x10112xf32, #tpu.memory_space<hbm>> -> memref<1x1x10112xf32, #tpu.memory_space<hbm>>
      %dma_wait3A_20 = tpu.memref_squeeze %dma_wait3A_19 : memref<1x1x10112xf32, #tpu.memory_space<hbm>> -> memref<1x10112xf32, #tpu.memory_space<hbm>>
      tpu.wait_dma2 semaphore(%run_scoped3A : memref<!tpu.dma_semaphore, #tpu.memory_space<semaphore_mem>>) src(%arg10 : memref<1x10112xf32, #tpu.memory_space<vmem>>) dst(%dma_wait3A_20 : memref<1x10112xf32, #tpu.memory_space<hbm>>)
      tpu.yield
    }) : () -> ()
    return
  }
}

module attributes {stable_mosaic.version = 14 : i64} {
  func.func @body(%arg0: i32, %arg1: i32, %arg2: memref<1000x32xf32, #tpu.memory_space<vmem>>, %arg3: memref<1000x128xf32, #tpu.memory_space<vmem>>, %arg4: memref<1x1000x128xf32, #tpu.memory_space<vmem>>) attributes {dimension_semantics = [#tpu.dimension_semantics<arbitrary>, #tpu.dimension_semantics<arbitrary>], iteration_bounds = array<i64: 2, 10>, scalar_prefetch = 0 : i64, scratch_operands = 0 : i64, tpu.core_type = #tpu.core_type<tc>, window_params = [{transform_indices = @transform_0, window_bounds = array<i64: 1000, 32>}, {transform_indices = @transform_1, window_bounds = array<i64: 1000, 128>}, {transform_indices = @transform_2, window_bounds = array<i64: 1, 1000, 128>}]} {
    %get3A = arith.constant 0 : index
    %get3A_0 = arith.constant 0 : index
    %get3A_1 = vector.load %arg2[%get3A, %get3A_0] : memref<1000x32xf32, #tpu.memory_space<vmem>>, vector<1000x32xf32>
    %reduce_sum3A = arith.constant dense<0.000000e+00> : vector<1000xf32>
    %reduce_sum3A_2 = vector.multi_reduction <add>, %get3A_1, %reduce_sum3A [1] : vector<1000x32xf32> to vector<1000xf32>
    %add3A = arith.constant 1.000000e+00 : f32
    %add3A_3 = vector.broadcast %add3A : f32 to vector<1000xf32>
    %add3A_4 = arith.addf %reduce_sum3A_2, %add3A_3 : vector<1000xf32>
    %rsqrt3A = math.rsqrt %add3A_4 : vector<1000xf32>
    %get3A_5 = arith.constant 0 : index
    %get3A_6 = arith.constant 0 : index
    %get3A_7 = vector.load %arg3[%get3A_5, %get3A_6] : memref<1000x128xf32, #tpu.memory_space<vmem>>, vector<1000x128xf32>
    %broadcast_in_dim3A = vector.shape_cast %rsqrt3A : vector<1000xf32> to vector<1000x1xf32>
    %mul3A = vector.broadcast %broadcast_in_dim3A : vector<1000x1xf32> to vector<1000x128xf32>
    %mul3A_8 = arith.mulf %get3A_7, %mul3A : vector<1000x128xf32>
    %swap3A = arith.constant 0 : index
    %swap3A_9 = arith.constant 0 : index
    %swap3A_10 = arith.constant 0 : index
    %swap3A_11 = vector.load %arg4[%swap3A, %swap3A_9, %swap3A_10] : memref<1x1000x128xf32, #tpu.memory_space<vmem>>, vector<1x1000x128xf32>
    %swap3A_12 = vector.shape_cast %swap3A_11 : vector<1x1000x128xf32> to vector<1000x128xf32>
    %swap3A_13 = vector.shape_cast %mul3A_8 : vector<1000x128xf32> to vector<1x1000x128xf32>
    tpu.vector_store %arg4[%swap3A, %swap3A_9, %swap3A_10], %swap3A_13 {strides = array<i32>} : memref<1x1000x128xf32, #tpu.memory_space<vmem>>, vector<1x1000x128xf32>,
    return
  }
  func.func @transform_0(%arg0: i32, %arg1: i32) -> (i32, i32) {
    %c0_i32 = arith.constant 0 : i32
    %c0_i32_0 = arith.constant 0 : i32
    return %arg1, %c0_i32 : i32, i32
  }
  func.func @transform_1(%arg0: i32, %arg1: i32) -> (i32, i32) {
    %c0_i32 = arith.constant 0 : i32
    return %arg1, %arg0 : i32, i32
  }
  func.func @transform_2(%arg0: i32, %arg1: i32) -> (i32, i32, i32) {
    %c0_i32 = arith.constant 0 : i32
    %c0_i32_0 = arith.constant 0 : i32
    return %arg0, %arg1, %c0_i32 : i32, i32, i32
  }
}

module attributes {stable_mosaic.version = 14 : i64} {
  func.func @body(%arg0: i32, %arg1: memref<1000x1024xf32, #tpu.memory_space<vmem>>, %arg2: memref<2x1024xf32, #tpu.memory_space<vmem>>, %arg3: memref<1x1024xf32, #tpu.memory_space<vmem>>, %arg4: memref<1x1024xf32, #tpu.memory_space<vmem>>, %arg5: memref<1024x1xf32, #tpu.memory_space<vmem>>, %arg6: memref<1000x1024xf32, #tpu.memory_space<vmem>>, %arg7: memref<1000x1xf32, #tpu.memory_space<vmem>>) attributes {dimension_semantics = [#tpu.dimension_semantics<arbitrary>], iteration_bounds = array<i64: 10>, scalar_prefetch = 0 : i64, scratch_operands = 0 : i64, tpu.core_type = #tpu.core_type<tc>, window_params = [{transform_indices = @transform_0, window_bounds = array<i64: 1000, 1024>}, {pipeline_mode = #tpu.pipeline_mode<synchronous>, transform_indices = @transform_1, window_bounds = array<i64: 2, 1024>}, {pipeline_mode = #tpu.pipeline_mode<synchronous>, transform_indices = @transform_2, window_bounds = array<i64: 1, 1024>}, {pipeline_mode = #tpu.pipeline_mode<synchronous>, transform_indices = @transform_3, window_bounds = array<i64: 1, 1024>}, {pipeline_mode = #tpu.pipeline_mode<synchronous>, transform_indices = @transform_4, window_bounds = array<i64: 1024, 1>}, {transform_indices = @transform_5, window_bounds = array<i64: 1000, 1024>}, {transform_indices = @transform_6, window_bounds = array<i64: 1000, 1>}]} {
    %get3A = arith.constant 0 : index
    %get3A_0 = arith.constant 0 : index
    %get3A_1 = vector.load %arg2[%get3A, %get3A_0] : memref<2x1024xf32, #tpu.memory_space<vmem>>, vector<1x1024xf32>
    %get3A_2 = vector.shape_cast %get3A_1 : vector<1x1024xf32> to vector<1024xf32>
    %mul3A = arith.constant 9.99999974E-5 : f32
    %mul3A_3 = vector.broadcast %mul3A : f32 to vector<1024xf32>
    %mul3A_4 = arith.mulf %get3A_2, %mul3A_3 : vector<1024xf32>
    %get3A_5 = arith.constant 1 : index
    %get3A_6 = arith.constant 0 : index
    %get3A_7 = vector.load %arg2[%get3A_5, %get3A_6] : memref<2x1024xf32, #tpu.memory_space<vmem>>, vector<1x1024xf32>
    %get3A_8 = vector.shape_cast %get3A_7 : vector<1x1024xf32> to vector<1024xf32>
    %mul3A_9 = arith.constant 9.99999974E-5 : f32
    %mul3A_10 = vector.broadcast %mul3A_9 : f32 to vector<1024xf32>
    %mul3A_11 = arith.mulf %get3A_8, %mul3A_10 : vector<1024xf32>
    %mul3A_12 = arith.mulf %mul3A_4, %mul3A_4 : vector<1024xf32>
    %sub3A = arith.subf %mul3A_11, %mul3A_12 : vector<1024xf32>
    %add3A = arith.constant 9.99999974E-6 : f32
    %add3A_13 = vector.broadcast %add3A : f32 to vector<1024xf32>
    %add3A_14 = arith.addf %sub3A, %add3A_13 : vector<1024xf32>
    %rsqrt3A = math.rsqrt %add3A_14 : vector<1024xf32>
    %get3A_15 = arith.constant 0 : index
    %get3A_16 = arith.constant 0 : index
    %get3A_17 = vector.load %arg3[%get3A_15, %get3A_16] : memref<1x1024xf32, #tpu.memory_space<vmem>>, vector<1x1024xf32>
    %get3A_18 = vector.shape_cast %get3A_17 : vector<1x1024xf32> to vector<1024xf32>
    %mul3A_19 = arith.mulf %rsqrt3A, %get3A_18 : vector<1024xf32>
    %get3A_20 = arith.constant 0 : index
    %get3A_21 = arith.constant 0 : index
    %get3A_22 = vector.load %arg4[%get3A_20, %get3A_21] : memref<1x1024xf32, #tpu.memory_space<vmem>>, vector<1x1024xf32>
    %get3A_23 = vector.shape_cast %get3A_22 : vector<1x1024xf32> to vector<1024xf32>
    %mul3A_24 = arith.mulf %mul3A_4, %mul3A_19 : vector<1024xf32>
    %sub3A_25 = arith.subf %get3A_23, %mul3A_24 : vector<1024xf32>
    %get3A_26 = arith.constant 0 : index
    %get3A_27 = arith.constant 0 : index
    %get3A_28 = vector.load %arg1[%get3A_26, %get3A_27] : memref<1000x1024xf32, #tpu.memory_space<vmem>>, vector<1000x1024xf32>
    %broadcast_in_dim3A = vector.shape_cast %mul3A_19 : vector<1024xf32> to vector<1x1024xf32>
    %mul3A_29 = vector.broadcast %broadcast_in_dim3A : vector<1x1024xf32> to vector<1000x1024xf32>
    %mul3A_30 = arith.mulf %get3A_28, %mul3A_29 : vector<1000x1024xf32>
    %broadcast_in_dim3A_31 = vector.shape_cast %sub3A_25 : vector<1024xf32> to vector<1x1024xf32>
    %add3A_32 = vector.broadcast %broadcast_in_dim3A_31 : vector<1x1024xf32> to vector<1000x1024xf32>
    %add3A_33 = arith.addf %mul3A_30, %add3A_32 : vector<1000x1024xf32>
    %max3A = arith.constant 0.000000e+00 : f32
    %max3A_34 = vector.broadcast %max3A : f32 to vector<1000x1024xf32>
    %max3A_35 = arith.maximumf %add3A_33, %max3A_34 : vector<1000x1024xf32>
    %swap3A = arith.constant 0 : index
    %swap3A_36 = arith.constant 0 : index
    %swap3A_37 = vector.load %arg6[%swap3A, %swap3A_36] : memref<1000x1024xf32, #tpu.memory_space<vmem>>, vector<1000x1024xf32>
    tpu.vector_store %arg6[%swap3A, %swap3A_36], %max3A_35 {strides = array<i32>} : memref<1000x1024xf32, #tpu.memory_space<vmem>>, vector<1000x1024xf32>,
    %get3A_38 = arith.constant 0 : index
    %get3A_39 = arith.constant 0 : index
    %get3A_40 = vector.load %arg5[%get3A_38, %get3A_39] : memref<1024x1xf32, #tpu.memory_space<vmem>>, vector<1024x1xf32>
    %mul3A_41 = arith.mulf %get3A_40, %get3A_40 : vector<1024x1xf32>
    %reduce_sum3A = vector.shape_cast %mul3A_41 : vector<1024x1xf32> to vector<1x1024x1xf32>
    %reduce_sum3A_42 = arith.constant dense<0.000000e+00> : vector<1xf32>
    %reduce_sum3A_43 = vector.multi_reduction <add>, %reduce_sum3A, %reduce_sum3A_42 [1, 2] : vector<1x1024x1xf32> to vector<1xf32>
    %reduce_sum3A_44 = vector.shape_cast %reduce_sum3A_43 : vector<1xf32> to vector<1x1x1xf32>
    %reduce_sum3A_45 = vector.extract %reduce_sum3A_44[0, 0, 0] : f32 from vector<1x1x1xf32>
    %sqrt3A = math.sqrt %reduce_sum3A_45 : f32
    %dot_general3A = arith.constant dense<0.000000e+00> : vector<1000x1xf32>
    %dot_general3A_46 = tpu.matmul %max3A_35, %get3A_40, %dot_general3A {dimension_numbers = #tpu.dot_dimension_numbers<[1], [0], [0], [1], [0, 0, 1, 1], [], []>, transpose_lhs_hint = false} : vector<1000x1024xf32>, vector<1024x1xf32>, vector<1000x1xf32> -> vector<1000x1xf32>
    %div3A = vector.broadcast %sqrt3A : f32 to vector<1000x1xf32>
    %div3A_47 = arith.divf %dot_general3A_46, %div3A : vector<1000x1xf32>
    %swap3A_48 = arith.constant 0 : index
    %swap3A_49 = arith.constant 0 : index
    %swap3A_50 = vector.load %arg7[%swap3A_48, %swap3A_49] : memref<1000x1xf32, #tpu.memory_space<vmem>>, vector<1000x1xf32>
    tpu.vector_store %arg7[%swap3A_48, %swap3A_49], %div3A_47 {strides = array<i32>} : memref<1000x1xf32, #tpu.memory_space<vmem>>, vector<1000x1xf32>,
    return
  }
  func.func @transform_0(%arg0: i32) -> (i32, i32) {
    %c0_i32 = arith.constant 0 : i32
    %c0_i32_0 = arith.constant 0 : i32
    return %arg0, %c0_i32 : i32, i32
  }
  func.func @transform_1(%arg0: i32) -> (i32, i32) {
    %c0_i32 = arith.constant 0 : i32
    %c0_i32_0 = arith.constant 0 : i32
    %c0_i32_1 = arith.constant 0 : i32
    return %c0_i32, %c0_i32_0 : i32, i32
  }
  func.func @transform_2(%arg0: i32) -> (i32, i32) {
    %c0_i32 = arith.constant 0 : i32
    %c0_i32_0 = arith.constant 0 : i32
    %c0_i32_1 = arith.constant 0 : i32
    return %c0_i32, %c0_i32_0 : i32, i32
  }
  func.func @transform_3(%arg0: i32) -> (i32, i32) {
    %c0_i32 = arith.constant 0 : i32
    %c0_i32_0 = arith.constant 0 : i32
    %c0_i32_1 = arith.constant 0 : i32
    return %c0_i32, %c0_i32_0 : i32, i32
  }
  func.func @transform_4(%arg0: i32) -> (i32, i32) {
    %c0_i32 = arith.constant 0 : i32
    %c0_i32_0 = arith.constant 0 : i32
    %c0_i32_1 = arith.constant 0 : i32
    return %c0_i32, %c0_i32_0 : i32, i32
  }
  func.func @transform_5(%arg0: i32) -> (i32, i32) {
    %c0_i32 = arith.constant 0 : i32
    %c0_i32_0 = arith.constant 0 : i32
    return %arg0, %c0_i32 : i32, i32
  }
  func.func @transform_6(%arg0: i32) -> (i32, i32) {
    %c0_i32 = arith.constant 0 : i32
    %c0_i32_0 = arith.constant 0 : i32
    return %arg0, %c0_i32 : i32, i32
  }
}

module attributes {stable_mosaic.version = 14 : i64} {
  func.func @body(%arg0: i32, %arg1: memref<1000x256xf32, #tpu.memory_space<vmem>>, %arg2: memref<2x1000x128xf32, #tpu.memory_space<vmem>>, %arg3: memref<1000x32xf32, #tpu.memory_space<vmem>>, %arg4: memref<256x1024xf32, #tpu.memory_space<vmem>>, %arg5: memref<1x1024xf32, #tpu.memory_space<vmem>>, %arg6: memref<1000x1024xf32, #tpu.memory_space<vmem>>, %arg7: memref<2x1024xf32, #tpu.memory_space<vmem>>) attributes {dimension_semantics = [#tpu.dimension_semantics<arbitrary>], iteration_bounds = array<i64: 10>, scalar_prefetch = 0 : i64, scratch_operands = 0 : i64, tpu.core_type = #tpu.core_type<tc>, window_params = [{transform_indices = @transform_0, window_bounds = array<i64: 1000, 256>}, {transform_indices = @transform_1, window_bounds = array<i64: 2, 1000, 128>}, {transform_indices = @transform_2, window_bounds = array<i64: 1000, 32>}, {pipeline_mode = #tpu.pipeline_mode<synchronous>, transform_indices = @transform_3, window_bounds = array<i64: 256, 1024>}, {pipeline_mode = #tpu.pipeline_mode<synchronous>, transform_indices = @transform_4, window_bounds = array<i64: 1, 1024>}, {transform_indices = @transform_5, window_bounds = array<i64: 1000, 1024>}, {pipeline_mode = #tpu.pipeline_mode<synchronous>, transform_indices = @transform_6, window_bounds = array<i64: 2, 1024>}]} {
    %get3A = arith.constant 0 : index
    %get3A_0 = arith.constant 0 : index
    %get3A_1 = vector.load %arg3[%get3A, %get3A_0] : memref<1000x32xf32, #tpu.memory_space<vmem>>, vector<1000x32xf32>
    %reduce_sum3A = arith.constant dense<0.000000e+00> : vector<1000xf32>
    %reduce_sum3A_2 = vector.multi_reduction <add>, %get3A_1, %reduce_sum3A [1] : vector<1000x32xf32> to vector<1000xf32>
    %add3A = arith.constant 1.000000e+00 : f32
    %add3A_3 = vector.broadcast %add3A : f32 to vector<1000xf32>
    %add3A_4 = arith.addf %reduce_sum3A_2, %add3A_3 : vector<1000xf32>
    %rsqrt3A = math.rsqrt %add3A_4 : vector<1000xf32>
    %broadcast_in_dim3A = vector.shape_cast %rsqrt3A : vector<1000xf32> to vector<1000x1xf32>
    %mul3A = arith.mulf %rsqrt3A, %rsqrt3A : vector<1000xf32>
    %broadcast_in_dim3A_5 = vector.shape_cast %mul3A : vector<1000xf32> to vector<1000x1xf32>
    %get3A_6 = arith.constant 0 : index
    %get3A_7 = arith.constant 0 : index
    %get3A_8 = arith.constant 0 : index
    %get3A_9 = vector.load %arg2[%get3A_6, %get3A_7, %get3A_8] : memref<2x1000x128xf32, #tpu.memory_space<vmem>>, vector<1x1000x128xf32>
    %get3A_10 = vector.shape_cast %get3A_9 : vector<1x1000x128xf32> to vector<1000x128xf32>
    %mul3A_11 = vector.broadcast %broadcast_in_dim3A : vector<1000x1xf32> to vector<1000x128xf32>
    %mul3A_12 = arith.mulf %get3A_10, %mul3A_11 : vector<1000x128xf32>
    %get3A_13 = arith.constant 0 : index
    %get3A_14 = arith.constant 0 : index
    %get3A_15 = vector.load %arg1[%get3A_13, %get3A_14] : memref<1000x256xf32, #tpu.memory_space<vmem>>, vector<1000x128xf32>
    %mul3A_16 = vector.broadcast %broadcast_in_dim3A_5 : vector<1000x1xf32> to vector<1000x128xf32>
    %mul3A_17 = arith.mulf %get3A_15, %mul3A_16 : vector<1000x128xf32>
    %add3A_18 = arith.addf %mul3A_12, %mul3A_17 : vector<1000x128xf32>
    %get3A_19 = arith.constant 1 : index
    %get3A_20 = arith.constant 0 : index
    %get3A_21 = arith.constant 0 : index
    %get3A_22 = vector.load %arg2[%get3A_19, %get3A_20, %get3A_21] : memref<2x1000x128xf32, #tpu.memory_space<vmem>>, vector<1x1000x128xf32>
    %get3A_23 = vector.shape_cast %get3A_22 : vector<1x1000x128xf32> to vector<1000x128xf32>
    %mul3A_24 = vector.broadcast %broadcast_in_dim3A : vector<1000x1xf32> to vector<1000x128xf32>
    %mul3A_25 = arith.mulf %get3A_23, %mul3A_24 : vector<1000x128xf32>
    %get3A_26 = arith.constant 0 : index
    %get3A_27 = arith.constant 128 : index
    %get3A_28 = vector.load %arg1[%get3A_26, %get3A_27] : memref<1000x256xf32, #tpu.memory_space<vmem>>, vector<1000x128xf32>
    %mul3A_29 = vector.broadcast %broadcast_in_dim3A_5 : vector<1000x1xf32> to vector<1000x128xf32>
    %mul3A_30 = arith.mulf %get3A_28, %mul3A_29 : vector<1000x128xf32>
    %add3A_31 = arith.addf %mul3A_25, %mul3A_30 : vector<1000x128xf32>
    %concatenate3A = tpu.concatenate %add3A_18, %add3A_31 in 1 : vector<1000x128xf32>, vector<1000x128xf32> -> vector<1000x256xf32>
    %get3A_32 = arith.constant 0 : index
    %get3A_33 = arith.constant 0 : index
    %get3A_34 = vector.load %arg4[%get3A_32, %get3A_33] : memref<256x1024xf32, #tpu.memory_space<vmem>>, vector<256x1024xf32>
    %dot_general3A = arith.constant dense<0.000000e+00> : vector<1000x1024xf32>
    %dot_general3A_35 = tpu.matmul %concatenate3A, %get3A_34, %dot_general3A {dimension_numbers = #tpu.dot_dimension_numbers<[1], [0], [0], [1], [0, 0, 1, 1], [], []>, transpose_lhs_hint = false} : vector<1000x256xf32>, vector<256x1024xf32>, vector<1000x1024xf32> -> vector<1000x1024xf32>
    %get3A_36 = arith.constant 0 : index
    %get3A_37 = arith.constant 0 : index
    %get3A_38 = vector.load %arg5[%get3A_36, %get3A_37] : memref<1x1024xf32, #tpu.memory_space<vmem>>, vector<1x1024xf32>
    %add3A_39 = vector.broadcast %get3A_38 : vector<1x1024xf32> to vector<1000x1024xf32>
    %add3A_40 = arith.addf %dot_general3A_35, %add3A_39 : vector<1000x1024xf32>
    %swap3A = arith.constant 0 : index
    %swap3A_41 = arith.constant 0 : index
    %swap3A_42 = vector.load %arg6[%swap3A, %swap3A_41] : memref<1000x1024xf32, #tpu.memory_space<vmem>>, vector<1000x1024xf32>
    tpu.vector_store %arg6[%swap3A, %swap3A_41], %add3A_40 {strides = array<i32>} : memref<1000x1024xf32, #tpu.memory_space<vmem>>, vector<1000x1024xf32>,
    %eq3A = arith.constant 0 : i32
    %eq3A_43 = arith.cmpi eq, %arg0, %eq3A : i32
    %convert_element_type3A = arith.extui %eq3A_43 : i1 to i32
    %cond3A = arith.constant 0 : i32
    %cond3A_44 = arith.cmpi ne, %convert_element_type3A, %cond3A : i32
    scf.if %cond3A_44 {
      %broadcast_in_dim3A_59 = arith.constant 0.000000e+00 : f32
      %broadcast_in_dim3A_60 = vector.broadcast %broadcast_in_dim3A_59 : f32 to vector<2x1024xf32>
      %swap3A_61 = arith.constant 0 : index
      %swap3A_62 = arith.constant 0 : index
      %swap3A_63 = vector.load %arg7[%swap3A_61, %swap3A_62] : memref<2x1024xf32, #tpu.memory_space<vmem>>, vector<2x1024xf32>
      tpu.vector_store %arg7[%swap3A_61, %swap3A_62], %broadcast_in_dim3A_60 {strides = array<i32>} : memref<2x1024xf32, #tpu.memory_space<vmem>>, vector<2x1024xf32>,
    } else {
    }
    %get3A_45 = arith.constant 0 : index
    %get3A_46 = arith.constant 0 : index
    %get3A_47 = vector.load %arg7[%get3A_45, %get3A_46] : memref<2x1024xf32, #tpu.memory_space<vmem>>, vector<2x1024xf32>
    %reduce_sum3A_48 = arith.constant dense<0.000000e+00> : vector<1024xf32>
    %reduce_sum3A_49 = vector.multi_reduction <add>, %add3A_40, %reduce_sum3A_48 [0] : vector<1000x1024xf32> to vector<1024xf32>
    %mul3A_50 = arith.mulf %add3A_40, %add3A_40 : vector<1000x1024xf32>
    %reduce_sum3A_51 = arith.constant dense<0.000000e+00> : vector<1024xf32>
    %reduce_sum3A_52 = vector.multi_reduction <add>, %mul3A_50, %reduce_sum3A_51 [0] : vector<1000x1024xf32> to vector<1024xf32>
    %stack3A = vector.shape_cast %reduce_sum3A_49 : vector<1024xf32> to vector<1x1024xf32>
    %stack3A_53 = vector.shape_cast %reduce_sum3A_52 : vector<1024xf32> to vector<1x1024xf32>
    %stack3A_54 = tpu.concatenate %stack3A, %stack3A_53 in 0 : vector<1x1024xf32>, vector<1x1024xf32> -> vector<2x1024xf32>
    %add3A_55 = arith.addf %get3A_47, %stack3A_54 : vector<2x1024xf32>
    %swap3A_56 = arith.constant 0 : index
    %swap3A_57 = arith.constant 0 : index
    %swap3A_58 = vector.load %arg7[%swap3A_56, %swap3A_57] : memref<2x1024xf32, #tpu.memory_space<vmem>>, vector<2x1024xf32>
    tpu.vector_store %arg7[%swap3A_56, %swap3A_57], %add3A_55 {strides = array<i32>} : memref<2x1024xf32, #tpu.memory_space<vmem>>, vector<2x1024xf32>,
    return
  }
  func.func @transform_0(%arg0: i32) -> (i32, i32) {
    %c0_i32 = arith.constant 0 : i32
    %c0_i32_0 = arith.constant 0 : i32
    return %arg0, %c0_i32 : i32, i32
  }
  func.func @transform_1(%arg0: i32) -> (i32, i32, i32) {
    %c0_i32 = arith.constant 0 : i32
    %c0_i32_0 = arith.constant 0 : i32
    %c0_i32_1 = arith.constant 0 : i32
    return %c0_i32, %arg0, %c0_i32_0 : i32, i32, i32
  }
  func.func @transform_2(%arg0: i32) -> (i32, i32) {
    %c0_i32 = arith.constant 0 : i32
    %c0_i32_0 = arith.constant 0 : i32
    return %arg0, %c0_i32 : i32, i32
  }
  func.func @transform_3(%arg0: i32) -> (i32, i32) {
    %c0_i32 = arith.constant 0 : i32
    %c0_i32_0 = arith.constant 0 : i32
    %c0_i32_1 = arith.constant 0 : i32
    return %c0_i32, %c0_i32_0 : i32, i32
  }
  func.func @transform_4(%arg0: i32) -> (i32, i32) {
    %c0_i32 = arith.constant 0 : i32
    %c0_i32_0 = arith.constant 0 : i32
    %c0_i32_1 = arith.constant 0 : i32
    return %c0_i32, %c0_i32_0 : i32, i32
  }
  func.func @transform_5(%arg0: i32) -> (i32, i32) {
    %c0_i32 = arith.constant 0 : i32
    %c0_i32_0 = arith.constant 0 : i32
    return %arg0, %c0_i32 : i32, i32
  }
  func.func @transform_6(%arg0: i32) -> (i32, i32) {
    %c0_i32 = arith.constant 0 : i32
    %c0_i32_0 = arith.constant 0 : i32
    %c0_i32_1 = arith.constant 0 : i32
    return %c0_i32, %c0_i32_0 : i32, i32
  }
}

module attributes {stable_mosaic.version = 14 : i64} {
  func.func @body(%arg0: memref<10000x1xf32, #tpu.memory_space<vmem>>, %arg1: memref<10000x1xf32, #tpu.memory_space<vmem>>, %arg2: memref<10000x1xf32, #tpu.memory_space<vmem>>, %arg3: memref<10000x1xf32, #tpu.memory_space<vmem>>) attributes {dimension_semantics = [], scalar_prefetch = 0 : i64, scratch_operands = 0 : i64, tpu.core_type = #tpu.core_type<tc>} {
    %get3A = arith.constant 0 : index
    %get3A_0 = arith.constant 0 : index
    %get3A_1 = vector.load %arg0[%get3A, %get3A_0] : memref<10000x1xf32, #tpu.memory_space<vmem>>, vector<10000x1xf32>
    %get3A_2 = arith.constant 0 : index
    %get3A_3 = arith.constant 0 : index
    %get3A_4 = vector.load %arg1[%get3A_2, %get3A_3] : memref<10000x1xf32, #tpu.memory_space<vmem>>, vector<10000x1xf32>
    %gt3A = arith.constant 5.000000e-01 : f32
    %gt3A_5 = vector.broadcast %gt3A : f32 to vector<10000x1xf32>
    %gt3A_6 = arith.cmpf ogt, %get3A_4, %gt3A_5 : vector<10000x1xf32>
    %bitcast_convert_type3A = tpu.bitcast %get3A_1 : vector<10000x1xf32> -> vector<10000x1xi32>
    %shift_right_logical3A = arith.constant 31 : i32
    %shift_right_logical3A_7 = vector.broadcast %shift_right_logical3A : i32 to vector<10000x1xi32>
    %shift_right_logical3A_8 = arith.shrui %bitcast_convert_type3A, %shift_right_logical3A_7 : vector<10000x1xi32>
    %eq3A = arith.constant 1 : i32
    %eq3A_9 = vector.broadcast %eq3A : i32 to vector<10000x1xi32>
    %eq3A_10 = arith.cmpi eq, %shift_right_logical3A_8, %eq3A_9 : vector<10000x1xi32>
    %jit3A = arith.constant -1 : i32
    %jit3A_11 = arith.constant -2147483648 : i32
    %broadcast_in_dim3A = vector.broadcast %jit3A : i32 to vector<10000x1xi32>
    %broadcast_in_dim3A_12 = vector.broadcast %jit3A_11 : i32 to vector<10000x1xi32>
    %select_n3A = arith.select %eq3A_10, %broadcast_in_dim3A, %broadcast_in_dim3A_12 : vector<10000x1xi1>, vector<10000x1xi32>
    %xor3A = arith.xori %bitcast_convert_type3A, %select_n3A : vector<10000x1xi32>
    %jit3A_13 = arith.constant 0 : i32
    %broadcast_in_dim3A_14 = vector.broadcast %jit3A_13 : i32 to vector<10000x1xi32>
    %select_n3A_15 = arith.select %gt3A_6, %xor3A, %broadcast_in_dim3A_14 : vector<10000x1xi1>, vector<10000x1xi32>
    %iota3A = tpu.iota {dimensions = array<i32: 0>} : vector<10000x1xi32>
    %scan3A = arith.constant 0 : i32
    %scan3A_16 = arith.constant 0 : i32
    %scan3A_17 = arith.constant 32 : i32
    %scan3A_18 = arith.addi %scan3A_16, %scan3A_17 : i32
    %scan3A_19 = arith.constant 1 : i32
    %scan3A_20 = scf.for %scan3A_51 = %scan3A_16 to %scan3A_18 step %scan3A_19 iter_args(%scan3A_52 = %scan3A) -> (i32)  : i32 {
      %sub3A_53 = arith.constant 31 : i32
      %sub3A_54 = arith.subi %sub3A_53, %scan3A_51 : i32
      %shift_left3A = arith.constant 1 : i32
      %shift_left3A_55 = arith.shli %shift_left3A, %sub3A_54 : i32
      %or3A_56 = arith.ori %scan3A_52, %shift_left3A_55 : i32
      %ge3A = vector.broadcast %or3A_56 : i32 to vector<10000x1xi32>
      %ge3A_57 = arith.cmpi uge, %select_n3A_15, %ge3A : vector<10000x1xi32>
      %convert_element_type3A_58 = arith.extui %ge3A_57 : vector<10000x1xi1> to vector<10000x1xi32>
      %reduce_sum3A_59 = vector.shape_cast %convert_element_type3A_58 : vector<10000x1xi32> to vector<1x10000x1xi32>
      %reduce_sum3A_60 = arith.constant dense<0> : vector<1xi32>
      %reduce_sum3A_61 = vector.multi_reduction <add>, %reduce_sum3A_59, %reduce_sum3A_60 [1, 2] : vector<1x10000x1xi32> to vector<1xi32>
      %reduce_sum3A_62 = vector.shape_cast %reduce_sum3A_61 : vector<1xi32> to vector<1x1x1xi32>
      %reduce_sum3A_63 = vector.extract %reduce_sum3A_62[0, 0, 0] : i32 from vector<1x1x1xi32>
      %ge3A_64 = arith.constant 5000 : i32
      %ge3A_65 = arith.cmpi sge, %reduce_sum3A_63, %ge3A_64 : i32
      %select_n3A_66 = arith.select %ge3A_65, %or3A_56, %scan3A_52 : i32
      scf.yield %select_n3A_66 : i32
    }
    %scan3A_21 = arith.constant 32 : i32
    %eq3A_22 = vector.broadcast %scan3A_20 : i32 to vector<10000x1xi32>
    %eq3A_23 = arith.cmpi eq, %select_n3A_15, %eq3A_22 : vector<10000x1xi32>
    %gt3A_24 = vector.broadcast %scan3A_20 : i32 to vector<10000x1xi32>
    %gt3A_25 = arith.cmpi ugt, %select_n3A_15, %gt3A_24 : vector<10000x1xi32>
    %convert_element_type3A = arith.extui %gt3A_25 : vector<10000x1xi1> to vector<10000x1xi32>
    %reduce_sum3A = vector.shape_cast %convert_element_type3A : vector<10000x1xi32> to vector<1x10000x1xi32>
    %reduce_sum3A_26 = arith.constant dense<0> : vector<1xi32>
    %reduce_sum3A_27 = vector.multi_reduction <add>, %reduce_sum3A, %reduce_sum3A_26 [1, 2] : vector<1x10000x1xi32> to vector<1xi32>
    %reduce_sum3A_28 = vector.shape_cast %reduce_sum3A_27 : vector<1xi32> to vector<1x1x1xi32>
    %reduce_sum3A_29 = vector.extract %reduce_sum3A_28[0, 0, 0] : i32 from vector<1x1x1xi32>
    %sub3A = arith.constant 5000 : i32
    %sub3A_30 = arith.subi %sub3A, %reduce_sum3A_29 : i32
    %scan3A_31 = arith.constant 0 : i32
    %scan3A_32 = arith.constant 0 : i32
    %scan3A_33 = arith.constant 14 : i32
    %scan3A_34 = arith.addi %scan3A_32, %scan3A_33 : i32
    %scan3A_35 = arith.constant 1 : i32
    %scan3A_36 = scf.for %scan3A_51 = %scan3A_32 to %scan3A_34 step %scan3A_35 iter_args(%scan3A_52 = %scan3A_31) -> (i32)  : i32 {
      %sub3A_53 = arith.constant 13 : i32
      %sub3A_54 = arith.subi %sub3A_53, %scan3A_51 : i32
      %shift_left3A = arith.constant 1 : i32
      %shift_left3A_55 = arith.shli %shift_left3A, %sub3A_54 : i32
      %or3A_56 = arith.ori %scan3A_52, %shift_left3A_55 : i32
      %lt3A_57 = vector.broadcast %or3A_56 : i32 to vector<10000x1xi32>
      %lt3A_58 = arith.cmpi slt, %iota3A, %lt3A_57 : vector<10000x1xi32>
      %and3A_59 = arith.andi %eq3A_23, %lt3A_58 : vector<10000x1xi1>
      %convert_element_type3A_60 = arith.extui %and3A_59 : vector<10000x1xi1> to vector<10000x1xi32>
      %reduce_sum3A_61 = vector.shape_cast %convert_element_type3A_60 : vector<10000x1xi32> to vector<1x10000x1xi32>
      %reduce_sum3A_62 = arith.constant dense<0> : vector<1xi32>
      %reduce_sum3A_63 = vector.multi_reduction <add>, %reduce_sum3A_61, %reduce_sum3A_62 [1, 2] : vector<1x10000x1xi32> to vector<1xi32>
      %reduce_sum3A_64 = vector.shape_cast %reduce_sum3A_63 : vector<1xi32> to vector<1x1x1xi32>
      %reduce_sum3A_65 = vector.extract %reduce_sum3A_64[0, 0, 0] : i32 from vector<1x1x1xi32>
      %le3A = arith.cmpi sle, %reduce_sum3A_65, %sub3A_30 : i32
      %select_n3A_66 = arith.select %le3A, %or3A_56, %scan3A_52 : i32
      scf.yield %select_n3A_66 : i32
    }
    %scan3A_37 = arith.constant 14 : i32
    %gt3A_38 = vector.broadcast %scan3A_20 : i32 to vector<10000x1xi32>
    %gt3A_39 = arith.cmpi ugt, %select_n3A_15, %gt3A_38 : vector<10000x1xi32>
    %lt3A = vector.broadcast %scan3A_36 : i32 to vector<10000x1xi32>
    %lt3A_40 = arith.cmpi slt, %iota3A, %lt3A : vector<10000x1xi32>
    %and3A = arith.andi %eq3A_23, %lt3A_40 : vector<10000x1xi1>
    %or3A = arith.ori %gt3A_39, %and3A : vector<10000x1xi1>
    %convert_element_type3A_41 = arith.extui %or3A : vector<10000x1xi1> to vector<10000x1xi32>
    %convert_element_type3A_42 = arith.sitofp %convert_element_type3A_41 : vector<10000x1xi32> to vector<10000x1xf32>
    %swap3A = arith.constant 0 : index
    %swap3A_43 = arith.constant 0 : index
    %swap3A_44 = vector.load %arg2[%swap3A, %swap3A_43] : memref<10000x1xf32, #tpu.memory_space<vmem>>, vector<10000x1xf32>
    tpu.vector_store %arg2[%swap3A, %swap3A_43], %convert_element_type3A_42 {strides = array<i32>} : memref<10000x1xf32, #tpu.memory_space<vmem>>, vector<10000x1xf32>,
    %tanh3A = math.tanh %get3A_1 : vector<10000x1xf32>
    %jit3A_45 = arith.constant 0.000000e+00 : f32
    %broadcast_in_dim3A_46 = vector.broadcast %jit3A_45 : f32 to vector<10000x1xf32>
    %select_n3A_47 = arith.select %or3A, %tanh3A, %broadcast_in_dim3A_46 : vector<10000x1xi1>, vector<10000x1xf32>
    %swap3A_48 = arith.constant 0 : index
    %swap3A_49 = arith.constant 0 : index
    %swap3A_50 = vector.load %arg3[%swap3A_48, %swap3A_49] : memref<10000x1xf32, #tpu.memory_space<vmem>>, vector<10000x1xf32>
    tpu.vector_store %arg3[%swap3A_48, %swap3A_49], %select_n3A_47 {strides = array<i32>} : memref<10000x1xf32, #tpu.memory_space<vmem>>, vector<10000x1xf32>,
    return
  }
}

module attributes {stable_mosaic.version = 14 : i64} {
  func.func @body(%arg0: i32, %arg1: i32, %arg2: memref<1000x128xf32, #tpu.memory_space<vmem>>, %arg3: memref<1000x1xf32, #tpu.memory_space<vmem>>, %arg4: memref<1000x32xf32, #tpu.memory_space<vmem>>, %arg5: memref<1x1000x128xf32, #tpu.memory_space<vmem>>, %arg6: memref<1x128xf32, #tpu.memory_space<vmem>>) attributes {dimension_semantics = [#tpu.dimension_semantics<arbitrary>, #tpu.dimension_semantics<arbitrary>], iteration_bounds = array<i64: 8, 10>, scalar_prefetch = 0 : i64, scratch_operands = 0 : i64, tpu.core_type = #tpu.core_type<tc>, window_params = [{transform_indices = @transform_0, window_bounds = array<i64: 1000, 128>}, {transform_indices = @transform_1, window_bounds = array<i64: 1000, 1>}, {transform_indices = @transform_2, window_bounds = array<i64: 1000, 32>}, {transform_indices = @transform_3, window_bounds = array<i64: 1, 1000, 128>}, {transform_indices = @transform_4, window_bounds = array<i64: 1, 128>}]} {
    %get3A = arith.constant 0 : index
    %get3A_0 = arith.constant 0 : index
    %get3A_1 = vector.load %arg4[%get3A, %get3A_0] : memref<1000x32xf32, #tpu.memory_space<vmem>>, vector<1000x32xf32>
    %reduce_sum3A = arith.constant dense<0.000000e+00> : vector<1000xf32>
    %reduce_sum3A_2 = vector.multi_reduction <add>, %get3A_1, %reduce_sum3A [1] : vector<1000x32xf32> to vector<1000xf32>
    %add3A = arith.constant 1.000000e+00 : f32
    %add3A_3 = vector.broadcast %add3A : f32 to vector<1000xf32>
    %add3A_4 = arith.addf %reduce_sum3A_2, %add3A_3 : vector<1000xf32>
    %rsqrt3A = math.rsqrt %add3A_4 : vector<1000xf32>
    %get3A_5 = arith.constant 0 : index
    %get3A_6 = arith.constant 0 : index
    %get3A_7 = vector.load %arg3[%get3A_5, %get3A_6] : memref<1000x1xf32, #tpu.memory_space<vmem>>, vector<1000x1xf32>
    %get3A_8 = vector.shape_cast %get3A_7 : vector<1000x1xf32> to vector<1000xf32>
    %get3A_9 = arith.constant 0 : index
    %get3A_10 = arith.constant 0 : index
    %get3A_11 = vector.load %arg2[%get3A_9, %get3A_10] : memref<1000x128xf32, #tpu.memory_space<vmem>>, vector<1000x128xf32>
    %broadcast_in_dim3A = vector.shape_cast %get3A_8 : vector<1000xf32> to vector<1000x1xf32>
    %mul3A = vector.broadcast %broadcast_in_dim3A : vector<1000x1xf32> to vector<1000x128xf32>
    %mul3A_12 = arith.mulf %get3A_11, %mul3A : vector<1000x128xf32>
    %eq3A = arith.constant 0 : i32
    %eq3A_13 = arith.cmpi eq, %arg1, %eq3A : i32
    %convert_element_type3A = arith.extui %eq3A_13 : i1 to i32
    %cond3A = arith.constant 0 : i32
    %cond3A_14 = arith.cmpi ne, %convert_element_type3A, %cond3A : i32
    scf.if %cond3A_14 {
      %broadcast_in_dim3A_36 = arith.constant 0.000000e+00 : f32
      %broadcast_in_dim3A_37 = vector.broadcast %broadcast_in_dim3A_36 : f32 to vector<1x128xf32>
      %swap3A_38 = arith.constant 0 : index
      %swap3A_39 = arith.constant 0 : index
      %swap3A_40 = vector.load %arg6[%swap3A_38, %swap3A_39] : memref<1x128xf32, #tpu.memory_space<vmem>>, vector<1x128xf32>
      tpu.vector_store %arg6[%swap3A_38, %swap3A_39], %broadcast_in_dim3A_37 {strides = array<i32>} : memref<1x128xf32, #tpu.memory_space<vmem>>, vector<1x128xf32>,
    } else {
    }
    %get3A_15 = arith.constant 0 : index
    %get3A_16 = arith.constant 0 : index
    %get3A_17 = vector.load %arg6[%get3A_15, %get3A_16] : memref<1x128xf32, #tpu.memory_space<vmem>>, vector<1x128xf32>
    %reduce_sum3A_18 = arith.constant dense<0.000000e+00> : vector<128xf32>
    %reduce_sum3A_19 = vector.multi_reduction <add>, %mul3A_12, %reduce_sum3A_18 [0] : vector<1000x128xf32> to vector<128xf32>
    %broadcast_in_dim3A_20 = vector.shape_cast %reduce_sum3A_19 : vector<128xf32> to vector<1x128xf32>
    %mul3A_21 = arith.constant 2.000000e-04 : f32
    %mul3A_22 = vector.broadcast %mul3A_21 : f32 to vector<1x128xf32>
    %mul3A_23 = arith.mulf %broadcast_in_dim3A_20, %mul3A_22 : vector<1x128xf32>
    %add3A_24 = arith.addf %get3A_17, %mul3A_23 : vector<1x128xf32>
    %swap3A = arith.constant 0 : index
    %swap3A_25 = arith.constant 0 : index
    %swap3A_26 = vector.load %arg6[%swap3A, %swap3A_25] : memref<1x128xf32, #tpu.memory_space<vmem>>, vector<1x128xf32>
    tpu.vector_store %arg6[%swap3A, %swap3A_25], %add3A_24 {strides = array<i32>} : memref<1x128xf32, #tpu.memory_space<vmem>>, vector<1x128xf32>,
    %broadcast_in_dim3A_27 = vector.shape_cast %rsqrt3A : vector<1000xf32> to vector<1000x1xf32>
    %mul3A_28 = vector.broadcast %broadcast_in_dim3A_27 : vector<1000x1xf32> to vector<1000x128xf32>
    %mul3A_29 = arith.mulf %mul3A_12, %mul3A_28 : vector<1000x128xf32>
    %swap3A_30 = arith.constant 0 : index
    %swap3A_31 = arith.constant 0 : index
    %swap3A_32 = arith.constant 0 : index
    %swap3A_33 = vector.load %arg5[%swap3A_30, %swap3A_31, %swap3A_32] : memref<1x1000x128xf32, #tpu.memory_space<vmem>>, vector<1x1000x128xf32>
    %swap3A_34 = vector.shape_cast %swap3A_33 : vector<1x1000x128xf32> to vector<1000x128xf32>
    %swap3A_35 = vector.shape_cast %mul3A_29 : vector<1000x128xf32> to vector<1x1000x128xf32>
    tpu.vector_store %arg5[%swap3A_30, %swap3A_31, %swap3A_32], %swap3A_35 {strides = array<i32>} : memref<1x1000x128xf32, #tpu.memory_space<vmem>>, vector<1x1000x128xf32>,
    return
  }
  func.func @transform_0(%arg0: i32, %arg1: i32) -> (i32, i32) {
    %c0_i32 = arith.constant 0 : i32
    return %arg1, %arg0 : i32, i32
  }
  func.func @transform_1(%arg0: i32, %arg1: i32) -> (i32, i32) {
    %c0_i32 = arith.constant 0 : i32
    %c0_i32_0 = arith.constant 0 : i32
    return %arg1, %c0_i32 : i32, i32
  }
  func.func @transform_2(%arg0: i32, %arg1: i32) -> (i32, i32) {
    %c0_i32 = arith.constant 0 : i32
    %c0_i32_0 = arith.constant 0 : i32
    return %arg1, %c0_i32 : i32, i32
  }
  func.func @transform_3(%arg0: i32, %arg1: i32) -> (i32, i32, i32) {
    %c0_i32 = arith.constant 0 : i32
    %c0_i32_0 = arith.constant 0 : i32
    return %arg0, %arg1, %c0_i32 : i32, i32, i32
  }
  func.func @transform_4(%arg0: i32, %arg1: i32) -> (i32, i32) {
    %c0_i32 = arith.constant 0 : i32
    %c0_i32_0 = arith.constant 0 : i32
    return %c0_i32, %arg0 : i32, i32
  }
}

module attributes {stable_mosaic.version = 14 : i64} {
  func.func @body(%arg0: i32, %arg1: memref<8x1000x128xf32, #tpu.memory_space<vmem>>, %arg2: memref<8x1000x128xf32, #tpu.memory_space<vmem>>, %arg3: memref<1000x32xf32, #tpu.memory_space<vmem>>, %arg4: memref<1000x1xf32, #tpu.memory_space<vmem>>, %arg5: memref<1024x1024xf32, #tpu.memory_space<vmem>>, %arg6: memref<1x1024xf32, #tpu.memory_space<vmem>>, %arg7: memref<1000x1024xf32, #tpu.memory_space<vmem>>, %arg8: memref<2x1024xf32, #tpu.memory_space<vmem>>) attributes {dimension_semantics = [#tpu.dimension_semantics<arbitrary>], iteration_bounds = array<i64: 10>, scalar_prefetch = 0 : i64, scratch_operands = 0 : i64, tpu.core_type = #tpu.core_type<tc>, window_params = [{transform_indices = @transform_0, window_bounds = array<i64: 8, 1000, 128>}, {transform_indices = @transform_1, window_bounds = array<i64: 8, 1000, 128>}, {transform_indices = @transform_2, window_bounds = array<i64: 1000, 32>}, {transform_indices = @transform_3, window_bounds = array<i64: 1000, 1>}, {pipeline_mode = #tpu.pipeline_mode<synchronous>, transform_indices = @transform_4, window_bounds = array<i64: 1024, 1024>}, {pipeline_mode = #tpu.pipeline_mode<synchronous>, transform_indices = @transform_5, window_bounds = array<i64: 1, 1024>}, {transform_indices = @transform_6, window_bounds = array<i64: 1000, 1024>}, {pipeline_mode = #tpu.pipeline_mode<synchronous>, transform_indices = @transform_7, window_bounds = array<i64: 2, 1024>}]} {
    %get3A = arith.constant 0 : index
    %get3A_0 = arith.constant 0 : index
    %get3A_1 = vector.load %arg3[%get3A, %get3A_0] : memref<1000x32xf32, #tpu.memory_space<vmem>>, vector<1000x32xf32>
    %reduce_sum3A = arith.constant dense<0.000000e+00> : vector<1000xf32>
    %reduce_sum3A_2 = vector.multi_reduction <add>, %get3A_1, %reduce_sum3A [1] : vector<1000x32xf32> to vector<1000xf32>
    %add3A = arith.constant 1.000000e+00 : f32
    %add3A_3 = vector.broadcast %add3A : f32 to vector<1000xf32>
    %add3A_4 = arith.addf %reduce_sum3A_2, %add3A_3 : vector<1000xf32>
    %rsqrt3A = math.rsqrt %add3A_4 : vector<1000xf32>
    %broadcast_in_dim3A = vector.shape_cast %rsqrt3A : vector<1000xf32> to vector<1000x1xf32>
    %get3A_5 = arith.constant 0 : index
    %get3A_6 = arith.constant 0 : index
    %get3A_7 = arith.constant 0 : index
    %get3A_8 = vector.load %arg1[%get3A_5, %get3A_6, %get3A_7] : memref<8x1000x128xf32, #tpu.memory_space<vmem>>, vector<1x1000x128xf32>
    %get3A_9 = vector.shape_cast %get3A_8 : vector<1x1000x128xf32> to vector<1000x128xf32>
    %get3A_10 = arith.constant 0 : index
    %get3A_11 = arith.constant 0 : index
    %get3A_12 = arith.constant 0 : index
    %get3A_13 = vector.load %arg2[%get3A_10, %get3A_11, %get3A_12] : memref<8x1000x128xf32, #tpu.memory_space<vmem>>, vector<1x1000x128xf32>
    %get3A_14 = vector.shape_cast %get3A_13 : vector<1x1000x128xf32> to vector<1000x128xf32>
    %add3A_15 = arith.addf %get3A_9, %get3A_14 : vector<1000x128xf32>
    %mul3A = vector.broadcast %broadcast_in_dim3A : vector<1000x1xf32> to vector<1000x128xf32>
    %mul3A_16 = arith.mulf %add3A_15, %mul3A : vector<1000x128xf32>
    %get3A_17 = arith.constant 1 : index
    %get3A_18 = arith.constant 0 : index
    %get3A_19 = arith.constant 0 : index
    %get3A_20 = vector.load %arg1[%get3A_17, %get3A_18, %get3A_19] : memref<8x1000x128xf32, #tpu.memory_space<vmem>>, vector<1x1000x128xf32>
    %get3A_21 = vector.shape_cast %get3A_20 : vector<1x1000x128xf32> to vector<1000x128xf32>
    %get3A_22 = arith.constant 1 : index
    %get3A_23 = arith.constant 0 : index
    %get3A_24 = arith.constant 0 : index
    %get3A_25 = vector.load %arg2[%get3A_22, %get3A_23, %get3A_24] : memref<8x1000x128xf32, #tpu.memory_space<vmem>>, vector<1x1000x128xf32>
    %get3A_26 = vector.shape_cast %get3A_25 : vector<1x1000x128xf32> to vector<1000x128xf32>
    %add3A_27 = arith.addf %get3A_21, %get3A_26 : vector<1000x128xf32>
    %mul3A_28 = vector.broadcast %broadcast_in_dim3A : vector<1000x1xf32> to vector<1000x128xf32>
    %mul3A_29 = arith.mulf %add3A_27, %mul3A_28 : vector<1000x128xf32>
    %get3A_30 = arith.constant 2 : index
    %get3A_31 = arith.constant 0 : index
    %get3A_32 = arith.constant 0 : index
    %get3A_33 = vector.load %arg1[%get3A_30, %get3A_31, %get3A_32] : memref<8x1000x128xf32, #tpu.memory_space<vmem>>, vector<1x1000x128xf32>
    %get3A_34 = vector.shape_cast %get3A_33 : vector<1x1000x128xf32> to vector<1000x128xf32>
    %get3A_35 = arith.constant 2 : index
    %get3A_36 = arith.constant 0 : index
    %get3A_37 = arith.constant 0 : index
    %get3A_38 = vector.load %arg2[%get3A_35, %get3A_36, %get3A_37] : memref<8x1000x128xf32, #tpu.memory_space<vmem>>, vector<1x1000x128xf32>
    %get3A_39 = vector.shape_cast %get3A_38 : vector<1x1000x128xf32> to vector<1000x128xf32>
    %add3A_40 = arith.addf %get3A_34, %get3A_39 : vector<1000x128xf32>
    %mul3A_41 = vector.broadcast %broadcast_in_dim3A : vector<1000x1xf32> to vector<1000x128xf32>
    %mul3A_42 = arith.mulf %add3A_40, %mul3A_41 : vector<1000x128xf32>
    %get3A_43 = arith.constant 3 : index
    %get3A_44 = arith.constant 0 : index
    %get3A_45 = arith.constant 0 : index
    %get3A_46 = vector.load %arg1[%get3A_43, %get3A_44, %get3A_45] : memref<8x1000x128xf32, #tpu.memory_space<vmem>>, vector<1x1000x128xf32>
    %get3A_47 = vector.shape_cast %get3A_46 : vector<1x1000x128xf32> to vector<1000x128xf32>
    %get3A_48 = arith.constant 3 : index
    %get3A_49 = arith.constant 0 : index
    %get3A_50 = arith.constant 0 : index
    %get3A_51 = vector.load %arg2[%get3A_48, %get3A_49, %get3A_50] : memref<8x1000x128xf32, #tpu.memory_space<vmem>>, vector<1x1000x128xf32>
    %get3A_52 = vector.shape_cast %get3A_51 : vector<1x1000x128xf32> to vector<1000x128xf32>
    %add3A_53 = arith.addf %get3A_47, %get3A_52 : vector<1000x128xf32>
    %mul3A_54 = vector.broadcast %broadcast_in_dim3A : vector<1000x1xf32> to vector<1000x128xf32>
    %mul3A_55 = arith.mulf %add3A_53, %mul3A_54 : vector<1000x128xf32>
    %get3A_56 = arith.constant 4 : index
    %get3A_57 = arith.constant 0 : index
    %get3A_58 = arith.constant 0 : index
    %get3A_59 = vector.load %arg1[%get3A_56, %get3A_57, %get3A_58] : memref<8x1000x128xf32, #tpu.memory_space<vmem>>, vector<1x1000x128xf32>
    %get3A_60 = vector.shape_cast %get3A_59 : vector<1x1000x128xf32> to vector<1000x128xf32>
    %get3A_61 = arith.constant 4 : index
    %get3A_62 = arith.constant 0 : index
    %get3A_63 = arith.constant 0 : index
    %get3A_64 = vector.load %arg2[%get3A_61, %get3A_62, %get3A_63] : memref<8x1000x128xf32, #tpu.memory_space<vmem>>, vector<1x1000x128xf32>
    %get3A_65 = vector.shape_cast %get3A_64 : vector<1x1000x128xf32> to vector<1000x128xf32>
    %add3A_66 = arith.addf %get3A_60, %get3A_65 : vector<1000x128xf32>
    %mul3A_67 = vector.broadcast %broadcast_in_dim3A : vector<1000x1xf32> to vector<1000x128xf32>
    %mul3A_68 = arith.mulf %add3A_66, %mul3A_67 : vector<1000x128xf32>
    %get3A_69 = arith.constant 5 : index
    %get3A_70 = arith.constant 0 : index
    %get3A_71 = arith.constant 0 : index
    %get3A_72 = vector.load %arg1[%get3A_69, %get3A_70, %get3A_71] : memref<8x1000x128xf32, #tpu.memory_space<vmem>>, vector<1x1000x128xf32>
    %get3A_73 = vector.shape_cast %get3A_72 : vector<1x1000x128xf32> to vector<1000x128xf32>
    %get3A_74 = arith.constant 5 : index
    %get3A_75 = arith.constant 0 : index
    %get3A_76 = arith.constant 0 : index
    %get3A_77 = vector.load %arg2[%get3A_74, %get3A_75, %get3A_76] : memref<8x1000x128xf32, #tpu.memory_space<vmem>>, vector<1x1000x128xf32>
    %get3A_78 = vector.shape_cast %get3A_77 : vector<1x1000x128xf32> to vector<1000x128xf32>
    %add3A_79 = arith.addf %get3A_73, %get3A_78 : vector<1000x128xf32>
    %mul3A_80 = vector.broadcast %broadcast_in_dim3A : vector<1000x1xf32> to vector<1000x128xf32>
    %mul3A_81 = arith.mulf %add3A_79, %mul3A_80 : vector<1000x128xf32>
    %get3A_82 = arith.constant 6 : index
    %get3A_83 = arith.constant 0 : index
    %get3A_84 = arith.constant 0 : index
    %get3A_85 = vector.load %arg1[%get3A_82, %get3A_83, %get3A_84] : memref<8x1000x128xf32, #tpu.memory_space<vmem>>, vector<1x1000x128xf32>
    %get3A_86 = vector.shape_cast %get3A_85 : vector<1x1000x128xf32> to vector<1000x128xf32>
    %get3A_87 = arith.constant 6 : index
    %get3A_88 = arith.constant 0 : index
    %get3A_89 = arith.constant 0 : index
    %get3A_90 = vector.load %arg2[%get3A_87, %get3A_88, %get3A_89] : memref<8x1000x128xf32, #tpu.memory_space<vmem>>, vector<1x1000x128xf32>
    %get3A_91 = vector.shape_cast %get3A_90 : vector<1x1000x128xf32> to vector<1000x128xf32>
    %add3A_92 = arith.addf %get3A_86, %get3A_91 : vector<1000x128xf32>
    %mul3A_93 = vector.broadcast %broadcast_in_dim3A : vector<1000x1xf32> to vector<1000x128xf32>
    %mul3A_94 = arith.mulf %add3A_92, %mul3A_93 : vector<1000x128xf32>
    %get3A_95 = arith.constant 7 : index
    %get3A_96 = arith.constant 0 : index
    %get3A_97 = arith.constant 0 : index
    %get3A_98 = vector.load %arg1[%get3A_95, %get3A_96, %get3A_97] : memref<8x1000x128xf32, #tpu.memory_space<vmem>>, vector<1x1000x128xf32>
    %get3A_99 = vector.shape_cast %get3A_98 : vector<1x1000x128xf32> to vector<1000x128xf32>
    %get3A_100 = arith.constant 7 : index
    %get3A_101 = arith.constant 0 : index
    %get3A_102 = arith.constant 0 : index
    %get3A_103 = vector.load %arg2[%get3A_100, %get3A_101, %get3A_102] : memref<8x1000x128xf32, #tpu.memory_space<vmem>>, vector<1x1000x128xf32>
    %get3A_104 = vector.shape_cast %get3A_103 : vector<1x1000x128xf32> to vector<1000x128xf32>
    %add3A_105 = arith.addf %get3A_99, %get3A_104 : vector<1000x128xf32>
    %mul3A_106 = vector.broadcast %broadcast_in_dim3A : vector<1000x1xf32> to vector<1000x128xf32>
    %mul3A_107 = arith.mulf %add3A_105, %mul3A_106 : vector<1000x128xf32>
    %concatenate3A = tpu.concatenate %mul3A_16, %mul3A_29, %mul3A_42, %mul3A_55, %mul3A_68, %mul3A_81, %mul3A_94, %mul3A_107 in 1 : vector<1000x128xf32>, vector<1000x128xf32>, vector<1000x128xf32>, vector<1000x128xf32>, vector<1000x128xf32>, vector<1000x128xf32>, vector<1000x128xf32>, vector<1000x128xf32> -> vector<1000x1024xf32>
    %get3A_108 = arith.constant 0 : index
    %get3A_109 = arith.constant 0 : index
    %get3A_110 = vector.load %arg5[%get3A_108, %get3A_109] : memref<1024x1024xf32, #tpu.memory_space<vmem>>, vector<1024x1024xf32>
    %dot_general3A = arith.constant dense<0.000000e+00> : vector<1000x1024xf32>
    %dot_general3A_111 = tpu.matmul %concatenate3A, %get3A_110, %dot_general3A {dimension_numbers = #tpu.dot_dimension_numbers<[1], [0], [0], [1], [0, 0, 1, 1], [], []>, transpose_lhs_hint = false} : vector<1000x1024xf32>, vector<1024x1024xf32>, vector<1000x1024xf32> -> vector<1000x1024xf32>
    %get3A_112 = arith.constant 0 : index
    %get3A_113 = arith.constant 0 : index
    %get3A_114 = vector.load %arg6[%get3A_112, %get3A_113] : memref<1x1024xf32, #tpu.memory_space<vmem>>, vector<1x1024xf32>
    %add3A_115 = vector.broadcast %get3A_114 : vector<1x1024xf32> to vector<1000x1024xf32>
    %add3A_116 = arith.addf %dot_general3A_111, %add3A_115 : vector<1000x1024xf32>
    %swap3A = arith.constant 0 : index
    %swap3A_117 = arith.constant 0 : index
    %swap3A_118 = vector.load %arg7[%swap3A, %swap3A_117] : memref<1000x1024xf32, #tpu.memory_space<vmem>>, vector<1000x1024xf32>
    tpu.vector_store %arg7[%swap3A, %swap3A_117], %add3A_116 {strides = array<i32>} : memref<1000x1024xf32, #tpu.memory_space<vmem>>, vector<1000x1024xf32>,
    %get3A_119 = arith.constant 0 : index
    %get3A_120 = arith.constant 0 : index
    %get3A_121 = vector.load %arg4[%get3A_119, %get3A_120] : memref<1000x1xf32, #tpu.memory_space<vmem>>, vector<1000x1xf32>
    %mul3A_122 = vector.broadcast %get3A_121 : vector<1000x1xf32> to vector<1000x1024xf32>
    %mul3A_123 = arith.mulf %add3A_116, %mul3A_122 : vector<1000x1024xf32>
    %eq3A = arith.constant 0 : i32
    %eq3A_124 = arith.cmpi eq, %arg0, %eq3A : i32
    %convert_element_type3A = arith.extui %eq3A_124 : i1 to i32
    %cond3A = arith.constant 0 : i32
    %cond3A_125 = arith.cmpi ne, %convert_element_type3A, %cond3A : i32
    scf.if %cond3A_125 {
      %broadcast_in_dim3A_140 = arith.constant 0.000000e+00 : f32
      %broadcast_in_dim3A_141 = vector.broadcast %broadcast_in_dim3A_140 : f32 to vector<2x1024xf32>
      %swap3A_142 = arith.constant 0 : index
      %swap3A_143 = arith.constant 0 : index
      %swap3A_144 = vector.load %arg8[%swap3A_142, %swap3A_143] : memref<2x1024xf32, #tpu.memory_space<vmem>>, vector<2x1024xf32>
      tpu.vector_store %arg8[%swap3A_142, %swap3A_143], %broadcast_in_dim3A_141 {strides = array<i32>} : memref<2x1024xf32, #tpu.memory_space<vmem>>, vector<2x1024xf32>,
    } else {
    }
    %get3A_126 = arith.constant 0 : index
    %get3A_127 = arith.constant 0 : index
    %get3A_128 = vector.load %arg8[%get3A_126, %get3A_127] : memref<2x1024xf32, #tpu.memory_space<vmem>>, vector<2x1024xf32>
    %reduce_sum3A_129 = arith.constant dense<0.000000e+00> : vector<1024xf32>
    %reduce_sum3A_130 = vector.multi_reduction <add>, %mul3A_123, %reduce_sum3A_129 [0] : vector<1000x1024xf32> to vector<1024xf32>
    %mul3A_131 = arith.mulf %add3A_116, %mul3A_123 : vector<1000x1024xf32>
    %reduce_sum3A_132 = arith.constant dense<0.000000e+00> : vector<1024xf32>
    %reduce_sum3A_133 = vector.multi_reduction <add>, %mul3A_131, %reduce_sum3A_132 [0] : vector<1000x1024xf32> to vector<1024xf32>
    %stack3A = vector.shape_cast %reduce_sum3A_130 : vector<1024xf32> to vector<1x1024xf32>
    %stack3A_134 = vector.shape_cast %reduce_sum3A_133 : vector<1024xf32> to vector<1x1024xf32>
    %stack3A_135 = tpu.concatenate %stack3A, %stack3A_134 in 0 : vector<1x1024xf32>, vector<1x1024xf32> -> vector<2x1024xf32>
    %add3A_136 = arith.addf %get3A_128, %stack3A_135 : vector<2x1024xf32>
    %swap3A_137 = arith.constant 0 : index
    %swap3A_138 = arith.constant 0 : index
    %swap3A_139 = vector.load %arg8[%swap3A_137, %swap3A_138] : memref<2x1024xf32, #tpu.memory_space<vmem>>, vector<2x1024xf32>
    tpu.vector_store %arg8[%swap3A_137, %swap3A_138], %add3A_136 {strides = array<i32>} : memref<2x1024xf32, #tpu.memory_space<vmem>>, vector<2x1024xf32>,
    return
  }
  func.func @transform_0(%arg0: i32) -> (i32, i32, i32) {
    %c0_i32 = arith.constant 0 : i32
    %c0_i32_0 = arith.constant 0 : i32
    %c0_i32_1 = arith.constant 0 : i32
    return %c0_i32, %arg0, %c0_i32_0 : i32, i32, i32
  }
  func.func @transform_1(%arg0: i32) -> (i32, i32, i32) {
    %c0_i32 = arith.constant 0 : i32
    %c0_i32_0 = arith.constant 0 : i32
    %c0_i32_1 = arith.constant 0 : i32
    return %c0_i32, %arg0, %c0_i32_0 : i32, i32, i32
  }
  func.func @transform_2(%arg0: i32) -> (i32, i32) {
    %c0_i32 = arith.constant 0 : i32
    %c0_i32_0 = arith.constant 0 : i32
    return %arg0, %c0_i32 : i32, i32
  }
  func.func @transform_3(%arg0: i32) -> (i32, i32) {
    %c0_i32 = arith.constant 0 : i32
    %c0_i32_0 = arith.constant 0 : i32
    return %arg0, %c0_i32 : i32, i32
  }
  func.func @transform_4(%arg0: i32) -> (i32, i32) {
    %c0_i32 = arith.constant 0 : i32
    %c0_i32_0 = arith.constant 0 : i32
    %c0_i32_1 = arith.constant 0 : i32
    return %c0_i32, %c0_i32_0 : i32, i32
  }
  func.func @transform_5(%arg0: i32) -> (i32, i32) {
    %c0_i32 = arith.constant 0 : i32
    %c0_i32_0 = arith.constant 0 : i32
    %c0_i32_1 = arith.constant 0 : i32
    return %c0_i32, %c0_i32_0 : i32, i32
  }
  func.func @transform_6(%arg0: i32) -> (i32, i32) {
    %c0_i32 = arith.constant 0 : i32
    %c0_i32_0 = arith.constant 0 : i32
    return %arg0, %c0_i32 : i32, i32
  }
  func.func @transform_7(%arg0: i32) -> (i32, i32) {
    %c0_i32 = arith.constant 0 : i32
    %c0_i32_0 = arith.constant 0 : i32
    %c0_i32_1 = arith.constant 0 : i32
    return %c0_i32, %c0_i32_0 : i32, i32
  }
}

module attributes {stable_mosaic.version = 14 : i64} {
  func.func @body(%arg0: i32, %arg1: memref<1000x1024xf32, #tpu.memory_space<vmem>>, %arg2: memref<2x1024xf32, #tpu.memory_space<vmem>>, %arg3: memref<1x1024xf32, #tpu.memory_space<vmem>>, %arg4: memref<1x1024xf32, #tpu.memory_space<vmem>>, %arg5: memref<1024x1xf32, #tpu.memory_space<vmem>>, %arg6: memref<1000x1024xf32, #tpu.memory_space<vmem>>, %arg7: memref<1000x1xf32, #tpu.memory_space<vmem>>) attributes {dimension_semantics = [#tpu.dimension_semantics<arbitrary>], iteration_bounds = array<i64: 10>, scalar_prefetch = 0 : i64, scratch_operands = 0 : i64, tpu.core_type = #tpu.core_type<tc>, window_params = [{transform_indices = @transform_0, window_bounds = array<i64: 1000, 1024>}, {pipeline_mode = #tpu.pipeline_mode<synchronous>, transform_indices = @transform_1, window_bounds = array<i64: 2, 1024>}, {pipeline_mode = #tpu.pipeline_mode<synchronous>, transform_indices = @transform_2, window_bounds = array<i64: 1, 1024>}, {pipeline_mode = #tpu.pipeline_mode<synchronous>, transform_indices = @transform_3, window_bounds = array<i64: 1, 1024>}, {pipeline_mode = #tpu.pipeline_mode<synchronous>, transform_indices = @transform_4, window_bounds = array<i64: 1024, 1>}, {transform_indices = @transform_5, window_bounds = array<i64: 1000, 1024>}, {transform_indices = @transform_6, window_bounds = array<i64: 1000, 1>}]} {
    %get3A = arith.constant 0 : index
    %get3A_0 = arith.constant 0 : index
    %get3A_1 = vector.load %arg2[%get3A, %get3A_0] : memref<2x1024xf32, #tpu.memory_space<vmem>>, vector<1x1024xf32>
    %get3A_2 = vector.shape_cast %get3A_1 : vector<1x1024xf32> to vector<1024xf32>
    %mul3A = arith.constant 2.000000e-04 : f32
    %mul3A_3 = vector.broadcast %mul3A : f32 to vector<1024xf32>
    %mul3A_4 = arith.mulf %get3A_2, %mul3A_3 : vector<1024xf32>
    %get3A_5 = arith.constant 1 : index
    %get3A_6 = arith.constant 0 : index
    %get3A_7 = vector.load %arg2[%get3A_5, %get3A_6] : memref<2x1024xf32, #tpu.memory_space<vmem>>, vector<1x1024xf32>
    %get3A_8 = vector.shape_cast %get3A_7 : vector<1x1024xf32> to vector<1024xf32>
    %mul3A_9 = arith.constant 2.000000e-04 : f32
    %mul3A_10 = vector.broadcast %mul3A_9 : f32 to vector<1024xf32>
    %mul3A_11 = arith.mulf %get3A_8, %mul3A_10 : vector<1024xf32>
    %mul3A_12 = arith.mulf %mul3A_4, %mul3A_4 : vector<1024xf32>
    %sub3A = arith.subf %mul3A_11, %mul3A_12 : vector<1024xf32>
    %add3A = arith.constant 9.99999974E-6 : f32
    %add3A_13 = vector.broadcast %add3A : f32 to vector<1024xf32>
    %add3A_14 = arith.addf %sub3A, %add3A_13 : vector<1024xf32>
    %rsqrt3A = math.rsqrt %add3A_14 : vector<1024xf32>
    %get3A_15 = arith.constant 0 : index
    %get3A_16 = arith.constant 0 : index
    %get3A_17 = vector.load %arg3[%get3A_15, %get3A_16] : memref<1x1024xf32, #tpu.memory_space<vmem>>, vector<1x1024xf32>
    %get3A_18 = vector.shape_cast %get3A_17 : vector<1x1024xf32> to vector<1024xf32>
    %mul3A_19 = arith.mulf %rsqrt3A, %get3A_18 : vector<1024xf32>
    %get3A_20 = arith.constant 0 : index
    %get3A_21 = arith.constant 0 : index
    %get3A_22 = vector.load %arg4[%get3A_20, %get3A_21] : memref<1x1024xf32, #tpu.memory_space<vmem>>, vector<1x1024xf32>
    %get3A_23 = vector.shape_cast %get3A_22 : vector<1x1024xf32> to vector<1024xf32>
    %mul3A_24 = arith.mulf %mul3A_4, %mul3A_19 : vector<1024xf32>
    %sub3A_25 = arith.subf %get3A_23, %mul3A_24 : vector<1024xf32>
    %get3A_26 = arith.constant 0 : index
    %get3A_27 = arith.constant 0 : index
    %get3A_28 = vector.load %arg1[%get3A_26, %get3A_27] : memref<1000x1024xf32, #tpu.memory_space<vmem>>, vector<1000x1024xf32>
    %broadcast_in_dim3A = vector.shape_cast %mul3A_19 : vector<1024xf32> to vector<1x1024xf32>
    %mul3A_29 = vector.broadcast %broadcast_in_dim3A : vector<1x1024xf32> to vector<1000x1024xf32>
    %mul3A_30 = arith.mulf %get3A_28, %mul3A_29 : vector<1000x1024xf32>
    %broadcast_in_dim3A_31 = vector.shape_cast %sub3A_25 : vector<1024xf32> to vector<1x1024xf32>
    %add3A_32 = vector.broadcast %broadcast_in_dim3A_31 : vector<1x1024xf32> to vector<1000x1024xf32>
    %add3A_33 = arith.addf %mul3A_30, %add3A_32 : vector<1000x1024xf32>
    %max3A = arith.constant 0.000000e+00 : f32
    %max3A_34 = vector.broadcast %max3A : f32 to vector<1000x1024xf32>
    %max3A_35 = arith.maximumf %add3A_33, %max3A_34 : vector<1000x1024xf32>
    %swap3A = arith.constant 0 : index
    %swap3A_36 = arith.constant 0 : index
    %swap3A_37 = vector.load %arg6[%swap3A, %swap3A_36] : memref<1000x1024xf32, #tpu.memory_space<vmem>>, vector<1000x1024xf32>
    tpu.vector_store %arg6[%swap3A, %swap3A_36], %max3A_35 {strides = array<i32>} : memref<1000x1024xf32, #tpu.memory_space<vmem>>, vector<1000x1024xf32>,
    %get3A_38 = arith.constant 0 : index
    %get3A_39 = arith.constant 0 : index
    %get3A_40 = vector.load %arg5[%get3A_38, %get3A_39] : memref<1024x1xf32, #tpu.memory_space<vmem>>, vector<1024x1xf32>
    %mul3A_41 = arith.mulf %get3A_40, %get3A_40 : vector<1024x1xf32>
    %reduce_sum3A = vector.shape_cast %mul3A_41 : vector<1024x1xf32> to vector<1x1024x1xf32>
    %reduce_sum3A_42 = arith.constant dense<0.000000e+00> : vector<1xf32>
    %reduce_sum3A_43 = vector.multi_reduction <add>, %reduce_sum3A, %reduce_sum3A_42 [1, 2] : vector<1x1024x1xf32> to vector<1xf32>
    %reduce_sum3A_44 = vector.shape_cast %reduce_sum3A_43 : vector<1xf32> to vector<1x1x1xf32>
    %reduce_sum3A_45 = vector.extract %reduce_sum3A_44[0, 0, 0] : f32 from vector<1x1x1xf32>
    %sqrt3A = math.sqrt %reduce_sum3A_45 : f32
    %dot_general3A = arith.constant dense<0.000000e+00> : vector<1000x1xf32>
    %dot_general3A_46 = tpu.matmul %max3A_35, %get3A_40, %dot_general3A {dimension_numbers = #tpu.dot_dimension_numbers<[1], [0], [0], [1], [0, 0, 1, 1], [], []>, transpose_lhs_hint = false} : vector<1000x1024xf32>, vector<1024x1xf32>, vector<1000x1xf32> -> vector<1000x1xf32>
    %div3A = vector.broadcast %sqrt3A : f32 to vector<1000x1xf32>
    %div3A_47 = arith.divf %dot_general3A_46, %div3A : vector<1000x1xf32>
    %swap3A_48 = arith.constant 0 : index
    %swap3A_49 = arith.constant 0 : index
    %swap3A_50 = vector.load %arg7[%swap3A_48, %swap3A_49] : memref<1000x1xf32, #tpu.memory_space<vmem>>, vector<1000x1xf32>
    tpu.vector_store %arg7[%swap3A_48, %swap3A_49], %div3A_47 {strides = array<i32>} : memref<1000x1xf32, #tpu.memory_space<vmem>>, vector<1000x1xf32>,
    return
  }
  func.func @transform_0(%arg0: i32) -> (i32, i32) {
    %c0_i32 = arith.constant 0 : i32
    %c0_i32_0 = arith.constant 0 : i32
    return %arg0, %c0_i32 : i32, i32
  }
  func.func @transform_1(%arg0: i32) -> (i32, i32) {
    %c0_i32 = arith.constant 0 : i32
    %c0_i32_0 = arith.constant 0 : i32
    %c0_i32_1 = arith.constant 0 : i32
    return %c0_i32, %c0_i32_0 : i32, i32
  }
  func.func @transform_2(%arg0: i32) -> (i32, i32) {
    %c0_i32 = arith.constant 0 : i32
    %c0_i32_0 = arith.constant 0 : i32
    %c0_i32_1 = arith.constant 0 : i32
    return %c0_i32, %c0_i32_0 : i32, i32
  }
  func.func @transform_3(%arg0: i32) -> (i32, i32) {
    %c0_i32 = arith.constant 0 : i32
    %c0_i32_0 = arith.constant 0 : i32
    %c0_i32_1 = arith.constant 0 : i32
    return %c0_i32, %c0_i32_0 : i32, i32
  }
  func.func @transform_4(%arg0: i32) -> (i32, i32) {
    %c0_i32 = arith.constant 0 : i32
    %c0_i32_0 = arith.constant 0 : i32
    %c0_i32_1 = arith.constant 0 : i32
    return %c0_i32, %c0_i32_0 : i32, i32
  }
  func.func @transform_5(%arg0: i32) -> (i32, i32) {
    %c0_i32 = arith.constant 0 : i32
    %c0_i32_0 = arith.constant 0 : i32
    return %arg0, %c0_i32 : i32, i32
  }
  func.func @transform_6(%arg0: i32) -> (i32, i32) {
    %c0_i32 = arith.constant 0 : i32
    %c0_i32_0 = arith.constant 0 : i32
    return %arg0, %c0_i32 : i32, i32
  }
}

module attributes {stable_mosaic.version = 14 : i64} {
  func.func @body(%arg0: memref<10000x1xf32, #tpu.memory_space<vmem>>, %arg1: memref<10000x1xf32, #tpu.memory_space<vmem>>, %arg2: memref<10000x1xf32, #tpu.memory_space<vmem>>, %arg3: memref<10000x1xf32, #tpu.memory_space<vmem>>) attributes {dimension_semantics = [], scalar_prefetch = 0 : i64, scratch_operands = 0 : i64, tpu.core_type = #tpu.core_type<tc>} {
    %get3A = arith.constant 0 : index
    %get3A_0 = arith.constant 0 : index
    %get3A_1 = vector.load %arg0[%get3A, %get3A_0] : memref<10000x1xf32, #tpu.memory_space<vmem>>, vector<10000x1xf32>
    %get3A_2 = arith.constant 0 : index
    %get3A_3 = arith.constant 0 : index
    %get3A_4 = vector.load %arg1[%get3A_2, %get3A_3] : memref<10000x1xf32, #tpu.memory_space<vmem>>, vector<10000x1xf32>
    %gt3A = arith.constant 5.000000e-01 : f32
    %gt3A_5 = vector.broadcast %gt3A : f32 to vector<10000x1xf32>
    %gt3A_6 = arith.cmpf ogt, %get3A_4, %gt3A_5 : vector<10000x1xf32>
    %bitcast_convert_type3A = tpu.bitcast %get3A_1 : vector<10000x1xf32> -> vector<10000x1xi32>
    %shift_right_logical3A = arith.constant 31 : i32
    %shift_right_logical3A_7 = vector.broadcast %shift_right_logical3A : i32 to vector<10000x1xi32>
    %shift_right_logical3A_8 = arith.shrui %bitcast_convert_type3A, %shift_right_logical3A_7 : vector<10000x1xi32>
    %eq3A = arith.constant 1 : i32
    %eq3A_9 = vector.broadcast %eq3A : i32 to vector<10000x1xi32>
    %eq3A_10 = arith.cmpi eq, %shift_right_logical3A_8, %eq3A_9 : vector<10000x1xi32>
    %jit3A = arith.constant -1 : i32
    %jit3A_11 = arith.constant -2147483648 : i32
    %broadcast_in_dim3A = vector.broadcast %jit3A : i32 to vector<10000x1xi32>
    %broadcast_in_dim3A_12 = vector.broadcast %jit3A_11 : i32 to vector<10000x1xi32>
    %select_n3A = arith.select %eq3A_10, %broadcast_in_dim3A, %broadcast_in_dim3A_12 : vector<10000x1xi1>, vector<10000x1xi32>
    %xor3A = arith.xori %bitcast_convert_type3A, %select_n3A : vector<10000x1xi32>
    %jit3A_13 = arith.constant 0 : i32
    %broadcast_in_dim3A_14 = vector.broadcast %jit3A_13 : i32 to vector<10000x1xi32>
    %select_n3A_15 = arith.select %gt3A_6, %xor3A, %broadcast_in_dim3A_14 : vector<10000x1xi1>, vector<10000x1xi32>
    %iota3A = tpu.iota {dimensions = array<i32: 0>} : vector<10000x1xi32>
    %scan3A = arith.constant 0 : i32
    %scan3A_16 = arith.constant 0 : i32
    %scan3A_17 = arith.constant 32 : i32
    %scan3A_18 = arith.addi %scan3A_16, %scan3A_17 : i32
    %scan3A_19 = arith.constant 1 : i32
    %scan3A_20 = scf.for %scan3A_51 = %scan3A_16 to %scan3A_18 step %scan3A_19 iter_args(%scan3A_52 = %scan3A) -> (i32)  : i32 {
      %sub3A_53 = arith.constant 31 : i32
      %sub3A_54 = arith.subi %sub3A_53, %scan3A_51 : i32
      %shift_left3A = arith.constant 1 : i32
      %shift_left3A_55 = arith.shli %shift_left3A, %sub3A_54 : i32
      %or3A_56 = arith.ori %scan3A_52, %shift_left3A_55 : i32
      %ge3A = vector.broadcast %or3A_56 : i32 to vector<10000x1xi32>
      %ge3A_57 = arith.cmpi uge, %select_n3A_15, %ge3A : vector<10000x1xi32>
      %convert_element_type3A_58 = arith.extui %ge3A_57 : vector<10000x1xi1> to vector<10000x1xi32>
      %reduce_sum3A_59 = vector.shape_cast %convert_element_type3A_58 : vector<10000x1xi32> to vector<1x10000x1xi32>
      %reduce_sum3A_60 = arith.constant dense<0> : vector<1xi32>
      %reduce_sum3A_61 = vector.multi_reduction <add>, %reduce_sum3A_59, %reduce_sum3A_60 [1, 2] : vector<1x10000x1xi32> to vector<1xi32>
      %reduce_sum3A_62 = vector.shape_cast %reduce_sum3A_61 : vector<1xi32> to vector<1x1x1xi32>
      %reduce_sum3A_63 = vector.extract %reduce_sum3A_62[0, 0, 0] : i32 from vector<1x1x1xi32>
      %ge3A_64 = arith.constant 2500 : i32
      %ge3A_65 = arith.cmpi sge, %reduce_sum3A_63, %ge3A_64 : i32
      %select_n3A_66 = arith.select %ge3A_65, %or3A_56, %scan3A_52 : i32
      scf.yield %select_n3A_66 : i32
    }
    %scan3A_21 = arith.constant 32 : i32
    %eq3A_22 = vector.broadcast %scan3A_20 : i32 to vector<10000x1xi32>
    %eq3A_23 = arith.cmpi eq, %select_n3A_15, %eq3A_22 : vector<10000x1xi32>
    %gt3A_24 = vector.broadcast %scan3A_20 : i32 to vector<10000x1xi32>
    %gt3A_25 = arith.cmpi ugt, %select_n3A_15, %gt3A_24 : vector<10000x1xi32>
    %convert_element_type3A = arith.extui %gt3A_25 : vector<10000x1xi1> to vector<10000x1xi32>
    %reduce_sum3A = vector.shape_cast %convert_element_type3A : vector<10000x1xi32> to vector<1x10000x1xi32>
    %reduce_sum3A_26 = arith.constant dense<0> : vector<1xi32>
    %reduce_sum3A_27 = vector.multi_reduction <add>, %reduce_sum3A, %reduce_sum3A_26 [1, 2] : vector<1x10000x1xi32> to vector<1xi32>
    %reduce_sum3A_28 = vector.shape_cast %reduce_sum3A_27 : vector<1xi32> to vector<1x1x1xi32>
    %reduce_sum3A_29 = vector.extract %reduce_sum3A_28[0, 0, 0] : i32 from vector<1x1x1xi32>
    %sub3A = arith.constant 2500 : i32
    %sub3A_30 = arith.subi %sub3A, %reduce_sum3A_29 : i32
    %scan3A_31 = arith.constant 0 : i32
    %scan3A_32 = arith.constant 0 : i32
    %scan3A_33 = arith.constant 14 : i32
    %scan3A_34 = arith.addi %scan3A_32, %scan3A_33 : i32
    %scan3A_35 = arith.constant 1 : i32
    %scan3A_36 = scf.for %scan3A_51 = %scan3A_32 to %scan3A_34 step %scan3A_35 iter_args(%scan3A_52 = %scan3A_31) -> (i32)  : i32 {
      %sub3A_53 = arith.constant 13 : i32
      %sub3A_54 = arith.subi %sub3A_53, %scan3A_51 : i32
      %shift_left3A = arith.constant 1 : i32
      %shift_left3A_55 = arith.shli %shift_left3A, %sub3A_54 : i32
      %or3A_56 = arith.ori %scan3A_52, %shift_left3A_55 : i32
      %lt3A_57 = vector.broadcast %or3A_56 : i32 to vector<10000x1xi32>
      %lt3A_58 = arith.cmpi slt, %iota3A, %lt3A_57 : vector<10000x1xi32>
      %and3A_59 = arith.andi %eq3A_23, %lt3A_58 : vector<10000x1xi1>
      %convert_element_type3A_60 = arith.extui %and3A_59 : vector<10000x1xi1> to vector<10000x1xi32>
      %reduce_sum3A_61 = vector.shape_cast %convert_element_type3A_60 : vector<10000x1xi32> to vector<1x10000x1xi32>
      %reduce_sum3A_62 = arith.constant dense<0> : vector<1xi32>
      %reduce_sum3A_63 = vector.multi_reduction <add>, %reduce_sum3A_61, %reduce_sum3A_62 [1, 2] : vector<1x10000x1xi32> to vector<1xi32>
      %reduce_sum3A_64 = vector.shape_cast %reduce_sum3A_63 : vector<1xi32> to vector<1x1x1xi32>
      %reduce_sum3A_65 = vector.extract %reduce_sum3A_64[0, 0, 0] : i32 from vector<1x1x1xi32>
      %le3A = arith.cmpi sle, %reduce_sum3A_65, %sub3A_30 : i32
      %select_n3A_66 = arith.select %le3A, %or3A_56, %scan3A_52 : i32
      scf.yield %select_n3A_66 : i32
    }
    %scan3A_37 = arith.constant 14 : i32
    %gt3A_38 = vector.broadcast %scan3A_20 : i32 to vector<10000x1xi32>
    %gt3A_39 = arith.cmpi ugt, %select_n3A_15, %gt3A_38 : vector<10000x1xi32>
    %lt3A = vector.broadcast %scan3A_36 : i32 to vector<10000x1xi32>
    %lt3A_40 = arith.cmpi slt, %iota3A, %lt3A : vector<10000x1xi32>
    %and3A = arith.andi %eq3A_23, %lt3A_40 : vector<10000x1xi1>
    %or3A = arith.ori %gt3A_39, %and3A : vector<10000x1xi1>
    %convert_element_type3A_41 = arith.extui %or3A : vector<10000x1xi1> to vector<10000x1xi32>
    %convert_element_type3A_42 = arith.sitofp %convert_element_type3A_41 : vector<10000x1xi32> to vector<10000x1xf32>
    %swap3A = arith.constant 0 : index
    %swap3A_43 = arith.constant 0 : index
    %swap3A_44 = vector.load %arg2[%swap3A, %swap3A_43] : memref<10000x1xf32, #tpu.memory_space<vmem>>, vector<10000x1xf32>
    tpu.vector_store %arg2[%swap3A, %swap3A_43], %convert_element_type3A_42 {strides = array<i32>} : memref<10000x1xf32, #tpu.memory_space<vmem>>, vector<10000x1xf32>,
    %tanh3A = math.tanh %get3A_1 : vector<10000x1xf32>
    %jit3A_45 = arith.constant 0.000000e+00 : f32
    %broadcast_in_dim3A_46 = vector.broadcast %jit3A_45 : f32 to vector<10000x1xf32>
    %select_n3A_47 = arith.select %or3A, %tanh3A, %broadcast_in_dim3A_46 : vector<10000x1xi1>, vector<10000x1xf32>
    %swap3A_48 = arith.constant 0 : index
    %swap3A_49 = arith.constant 0 : index
    %swap3A_50 = vector.load %arg3[%swap3A_48, %swap3A_49] : memref<10000x1xf32, #tpu.memory_space<vmem>>, vector<10000x1xf32>
    tpu.vector_store %arg3[%swap3A_48, %swap3A_49], %select_n3A_47 {strides = array<i32>} : memref<10000x1xf32, #tpu.memory_space<vmem>>, vector<10000x1xf32>,
    return
  }
}

module attributes {stable_mosaic.version = 14 : i64} {
  func.func @body(%arg0: i32, %arg1: memref<1000x1024xf32, #tpu.memory_space<vmem>>, %arg2: memref<1000x1xf32, #tpu.memory_space<vmem>>, %arg3: memref<1x1024xf32, #tpu.memory_space<vmem>>, %arg4: memref<1024x512xf32, #tpu.memory_space<vmem>>, %arg5: memref<1x512xf32, #tpu.memory_space<vmem>>, %arg6: memref<512x128xf32, #tpu.memory_space<vmem>>, %arg7: memref<1x128xf32, #tpu.memory_space<vmem>>, %arg8: memref<1x128xf32, #tpu.memory_space<vmem>>, %arg9: memref<1x1024xf32, #tpu.memory_space<vmem>>) attributes {dimension_semantics = [#tpu.dimension_semantics<arbitrary>], iteration_bounds = array<i64: 10>, scalar_prefetch = 0 : i64, scratch_operands = 1 : i64, tpu.core_type = #tpu.core_type<tc>, window_params = [{transform_indices = @transform_0, window_bounds = array<i64: 1000, 1024>}, {transform_indices = @transform_1, window_bounds = array<i64: 1000, 1>}, {pipeline_mode = #tpu.pipeline_mode<synchronous>, transform_indices = @transform_2, window_bounds = array<i64: 1, 1024>}, {pipeline_mode = #tpu.pipeline_mode<synchronous>, transform_indices = @transform_3, window_bounds = array<i64: 1024, 512>}, {pipeline_mode = #tpu.pipeline_mode<synchronous>, transform_indices = @transform_4, window_bounds = array<i64: 1, 512>}, {pipeline_mode = #tpu.pipeline_mode<synchronous>, transform_indices = @transform_5, window_bounds = array<i64: 512, 128>}, {pipeline_mode = #tpu.pipeline_mode<synchronous>, transform_indices = @transform_6, window_bounds = array<i64: 1, 128>}, {pipeline_mode = #tpu.pipeline_mode<synchronous>, transform_indices = @transform_7, window_bounds = array<i64: 1, 128>}]} {
    %eq3A = arith.constant 0 : i32
    %eq3A_0 = arith.cmpi eq, %arg0, %eq3A : i32
    %convert_element_type3A = arith.extui %eq3A_0 : i1 to i32
    %cond3A = arith.constant 0 : i32
    %cond3A_1 = arith.cmpi ne, %convert_element_type3A, %cond3A : i32
    scf.if %cond3A_1 {
      %broadcast_in_dim3A_24 = arith.constant 0.000000e+00 : f32
      %broadcast_in_dim3A_25 = vector.broadcast %broadcast_in_dim3A_24 : f32 to vector<1x1024xf32>
      %swap3A_26 = arith.constant 0 : index
      %swap3A_27 = arith.constant 0 : index
      %swap3A_28 = vector.load %arg9[%swap3A_26, %swap3A_27] : memref<1x1024xf32, #tpu.memory_space<vmem>>, vector<1x1024xf32>
      tpu.vector_store %arg9[%swap3A_26, %swap3A_27], %broadcast_in_dim3A_25 {strides = array<i32>} : memref<1x1024xf32, #tpu.memory_space<vmem>>, vector<1x1024xf32>,
    } else {
    }
    %get3A = arith.constant 0 : index
    %get3A_2 = arith.constant 0 : index
    %get3A_3 = vector.load %arg2[%get3A, %get3A_2] : memref<1000x1xf32, #tpu.memory_space<vmem>>, vector<1000x1xf32>
    %get3A_4 = vector.shape_cast %get3A_3 : vector<1000x1xf32> to vector<1000xf32>
    %get3A_5 = arith.constant 0 : index
    %get3A_6 = arith.constant 0 : index
    %get3A_7 = vector.load %arg9[%get3A_5, %get3A_6] : memref<1x1024xf32, #tpu.memory_space<vmem>>, vector<1x1024xf32>
    %get3A_8 = arith.constant 0 : index
    %get3A_9 = arith.constant 0 : index
    %get3A_10 = vector.load %arg1[%get3A_8, %get3A_9] : memref<1000x1024xf32, #tpu.memory_space<vmem>>, vector<1000x1024xf32>
    %broadcast_in_dim3A = vector.shape_cast %get3A_4 : vector<1000xf32> to vector<1000x1xf32>
    %mul3A = vector.broadcast %broadcast_in_dim3A : vector<1000x1xf32> to vector<1000x1024xf32>
    %mul3A_11 = arith.mulf %get3A_10, %mul3A : vector<1000x1024xf32>
    %reduce_sum3A = arith.constant dense<0.000000e+00> : vector<1024xf32>
    %reduce_sum3A_12 = vector.multi_reduction <add>, %mul3A_11, %reduce_sum3A [0] : vector<1000x1024xf32> to vector<1024xf32>
    %broadcast_in_dim3A_13 = vector.shape_cast %reduce_sum3A_12 : vector<1024xf32> to vector<1x1024xf32>
    %mul3A_14 = arith.constant 4.000000e-04 : f32
    %mul3A_15 = vector.broadcast %mul3A_14 : f32 to vector<1x1024xf32>
    %mul3A_16 = arith.mulf %broadcast_in_dim3A_13, %mul3A_15 : vector<1x1024xf32>
    %add3A = arith.addf %get3A_7, %mul3A_16 : vector<1x1024xf32>
    %swap3A = arith.constant 0 : index
    %swap3A_17 = arith.constant 0 : index
    %swap3A_18 = vector.load %arg9[%swap3A, %swap3A_17] : memref<1x1024xf32, #tpu.memory_space<vmem>>, vector<1x1024xf32>
    tpu.vector_store %arg9[%swap3A, %swap3A_17], %add3A {strides = array<i32>} : memref<1x1024xf32, #tpu.memory_space<vmem>>, vector<1x1024xf32>,
    %eq3A_19 = arith.constant 9 : i32
    %eq3A_20 = arith.cmpi eq, %arg0, %eq3A_19 : i32
    %convert_element_type3A_21 = arith.extui %eq3A_20 : i1 to i32
    %cond3A_22 = arith.constant 0 : i32
    %cond3A_23 = arith.cmpi ne, %convert_element_type3A_21, %cond3A_22 : i32
    scf.if %cond3A_23 {
      %get3A_24 = arith.constant 0 : index
      %get3A_25 = arith.constant 0 : index
      %get3A_26 = vector.load %arg3[%get3A_24, %get3A_25] : memref<1x1024xf32, #tpu.memory_space<vmem>>, vector<1x1024xf32>
      %get3A_27 = arith.constant 0 : index
      %get3A_28 = arith.constant 0 : index
      %get3A_29 = vector.load %arg9[%get3A_27, %get3A_28] : memref<1x1024xf32, #tpu.memory_space<vmem>>, vector<1x1024xf32>
      %add3A_30 = arith.addf %get3A_26, %get3A_29 : vector<1x1024xf32>
      %get3A_31 = arith.constant 0 : index
      %get3A_32 = arith.constant 0 : index
      %get3A_33 = vector.load %arg4[%get3A_31, %get3A_32] : memref<1024x512xf32, #tpu.memory_space<vmem>>, vector<1024x512xf32>
      %dot_general3A = arith.constant dense<0.000000e+00> : vector<1x512xf32>
      %dot_general3A_34 = tpu.matmul %add3A_30, %get3A_33, %dot_general3A {dimension_numbers = #tpu.dot_dimension_numbers<[1], [0], [0], [1], [0, 0, 1, 1], [], []>, transpose_lhs_hint = false} : vector<1x1024xf32>, vector<1024x512xf32>, vector<1x512xf32> -> vector<1x512xf32>
      %get3A_35 = arith.constant 0 : index
      %get3A_36 = arith.constant 0 : index
      %get3A_37 = vector.load %arg5[%get3A_35, %get3A_36] : memref<1x512xf32, #tpu.memory_space<vmem>>, vector<1x512xf32>
      %add3A_38 = arith.addf %dot_general3A_34, %get3A_37 : vector<1x512xf32>
      %max3A = arith.constant 0.000000e+00 : f32
      %max3A_39 = vector.broadcast %max3A : f32 to vector<1x512xf32>
      %max3A_40 = arith.maximumf %add3A_38, %max3A_39 : vector<1x512xf32>
      %get3A_41 = arith.constant 0 : index
      %get3A_42 = arith.constant 0 : index
      %get3A_43 = vector.load %arg6[%get3A_41, %get3A_42] : memref<512x128xf32, #tpu.memory_space<vmem>>, vector<512x128xf32>
      %dot_general3A_44 = arith.constant dense<0.000000e+00> : vector<1x128xf32>
      %dot_general3A_45 = tpu.matmul %max3A_40, %get3A_43, %dot_general3A_44 {dimension_numbers = #tpu.dot_dimension_numbers<[1], [0], [0], [1], [0, 0, 1, 1], [], []>, transpose_lhs_hint = false} : vector<1x512xf32>, vector<512x128xf32>, vector<1x128xf32> -> vector<1x128xf32>
      %get3A_46 = arith.constant 0 : index
      %get3A_47 = arith.constant 0 : index
      %get3A_48 = vector.load %arg7[%get3A_46, %get3A_47] : memref<1x128xf32, #tpu.memory_space<vmem>>, vector<1x128xf32>
      %add3A_49 = arith.addf %dot_general3A_45, %get3A_48 : vector<1x128xf32>
      %swap3A_50 = arith.constant 0 : index
      %swap3A_51 = arith.constant 0 : index
      %swap3A_52 = vector.load %arg8[%swap3A_50, %swap3A_51] : memref<1x128xf32, #tpu.memory_space<vmem>>, vector<1x128xf32>
      tpu.vector_store %arg8[%swap3A_50, %swap3A_51], %add3A_49 {strides = array<i32>} : memref<1x128xf32, #tpu.memory_space<vmem>>, vector<1x128xf32>,
    } else {
    }
    return
  }
  func.func @transform_0(%arg0: i32) -> (i32, i32) {
    %c0_i32 = arith.constant 0 : i32
    %c0_i32_0 = arith.constant 0 : i32
    return %arg0, %c0_i32 : i32, i32
  }
  func.func @transform_1(%arg0: i32) -> (i32, i32) {
    %c0_i32 = arith.constant 0 : i32
    %c0_i32_0 = arith.constant 0 : i32
    return %arg0, %c0_i32 : i32, i32
  }
  func.func @transform_2(%arg0: i32) -> (i32, i32) {
    %c0_i32 = arith.constant 0 : i32
    %c0_i32_0 = arith.constant 0 : i32
    %c0_i32_1 = arith.constant 0 : i32
    return %c0_i32, %c0_i32_0 : i32, i32
  }
  func.func @transform_3(%arg0: i32) -> (i32, i32) {
    %c0_i32 = arith.constant 0 : i32
    %c0_i32_0 = arith.constant 0 : i32
    %c0_i32_1 = arith.constant 0 : i32
    return %c0_i32, %c0_i32_0 : i32, i32
  }
  func.func @transform_4(%arg0: i32) -> (i32, i32) {
    %c0_i32 = arith.constant 0 : i32
    %c0_i32_0 = arith.constant 0 : i32
    %c0_i32_1 = arith.constant 0 : i32
    return %c0_i32, %c0_i32_0 : i32, i32
  }
  func.func @transform_5(%arg0: i32) -> (i32, i32) {
    %c0_i32 = arith.constant 0 : i32
    %c0_i32_0 = arith.constant 0 : i32
    %c0_i32_1 = arith.constant 0 : i32
    return %c0_i32, %c0_i32_0 : i32, i32
  }
  func.func @transform_6(%arg0: i32) -> (i32, i32) {
    %c0_i32 = arith.constant 0 : i32
    %c0_i32_0 = arith.constant 0 : i32
    %c0_i32_1 = arith.constant 0 : i32
    return %c0_i32, %c0_i32_0 : i32, i32
  }
  func.func @transform_7(%arg0: i32) -> (i32, i32) {
    %c0_i32 = arith.constant 0 : i32
    %c0_i32_0 = arith.constant 0 : i32
    %c0_i32_1 = arith.constant 0 : i32
    return %c0_i32, %c0_i32_0 : i32, i32
  }
}

</mosaic_0001>

<sc_bundles>
// kernel: kernel.15.cloned.1.call-start
scs
__scs_entry_jumppad:
0x0: {  	(pc) =	sbr.rel $0x88, $3  }
0x1: {  	(tag) =	ssettag $0x0;
	lr =	simm.s32 $0x1  }
0x2: {  	[smem:$0x3F91] =	sst lr;
	_ =	strace $0xD0000000  }
0x3: {  	_ = 	snop  }
0x4: {  	_ = 	snop  }
0x5: {  	_ = 	snop  }
0x6: {  	_ = 	snop  }
0x7: {  	_ = 	snop  }
__scs_overlays_trampoline_lowered:
0x8: {  	[smem:$0x3FA0] =	sst s0  }
0x9: {  	[smem:$0x3FA1] =	sst s1  }
0xa: {  	[smem:$0x3FA2] =	sst s2  }
0xb: {  	[smem:$0x3FA3] =	sst s3  }
0xc: {  	[smem:$0x3FA4] =	sst s4  }
0xd: {  	[smem:$0x3FA5] =	sst s5  }
0xe: {  	[smem:$0x3FA6] =	sst s6  }
0xf: {  	[smem:$0x3FA7] =	sst s7  }
0x10: {  	[smem:$0x3FA8] =	sst s8  }
0x11: {  	[smem:$0x3FA9] =	sst s9;
	s0 =	simm.s32 @!p0 $0x0  }
0x12: {  	s1 =	sld [smem:$0x3F8F];
	s0 =	simm.s32 @p0 $0x1  }
0x13: {  	[smem:$0x3FAA] =	sst s0;
	s0 =	simm.s32 @!p1 $0x0  }
0x14: {  	s2 =	sld [smem:$0x3F8E];
	s0 =	simm.s32 @p1 $0x1  }
0x15: {  	[smem:$0x3FAB] =	sst s0;
	s0 =	simm.s32 @!p2 $0x0  }
0x16: {  	s3 =	sld [smem:$0x3FDB];
	s0 =	simm.s32 @p2 $0x1  }
0x17: {  	s4 =	simm.s32 $0x1BF5;
	[smem:$0x3FAD] =	sst s0  }
0x18: {  	s0 =	sld [smem:$0x3F90];
	_ =	swait.ge [sflag:s4], $0x0  }
0x19: {  	s7 =	sld [smem:$0x3F91]  }
0x1a: {  	s8 =	sadd.s32 $0xFFFFE003, lr  }
0x1b: {  	s9 =	sadd.s32 $0xFFFFFEF7, lr;
	s5 =	simm.s32 $0xFFFFFFFF;
	p2 =	slt.u32 s8, $0xFFFFF086  }
0x1c: {  	p1 =	slt.u32 s9, $0xF7A;
	s5 =	simm.s32 @!p2 $0x0  }
0x1d: {  	s5 =	simm.s32 @p1 $0x1;
	p0 =	seq.s32 s7, s2  }
0x1e: {  	s7 =	smul.u32 @!p0 $0xF7A, s2;
	p2 =	seq.s32 @!p0 s5, $0x0  }
0x1f: {  	s9 =	smul.u32 $0xF7A, s1;
	s8 =	simm.s32 @!p0 $0x1BF5;
	p2 =	por !p2, p0  }
0x20: {  	[sflag:s8] =	ssyncset.s32 @!p0 $0xFFFFF086;
	s6 =	sadd.s32 @!p0 s3, s7;
	s7 =	simm.s32 @!p0 $0x108  }
0x21: {  	s3 =	sadd.s32 s3, s9;
	s6 =	sadd.s32 @!p0 $0x88, s6;
	s7 =	simm.s32 @p2 $0x1082  }
0x22: {  	[simem:s7], [sflag:s8] =	dma.local @!p0 [hbm:s6], $0xF7A  }
0x23: {  	s9 =	sor.u32 $0xD0000000, s2;
	s6 =	simm.s32 $0x108;
	_ =	swait.ge @!p0 [sflag:s8], $0x0  }
0x24: {  	s3 =	sadd.s32 $0x88, s3;
	s6 =	simm.s32 @!p1 $0x1082;
	[sflag:s4] =	ssyncset.s32 $0xFFFFF086  }
0x25: {  	[simem:s6], [sflag:s4] =	dma.local [hbm:s3], $0xF7A  }
0x26: {  	[smem:$0x3F91] =	sst s1;
	(tag) =	ssettag s2;
	_ =	strace s9  }
0x27: {  	s1 =	sld [smem:$0x3FA1]  }
0x28: {  	s2 =	sld [smem:$0x3FA2]  }
0x29: {  	s4 =	sld [smem:$0x3FA4]  }
0x2a: {  	p0 =	seq.s32 s5, $0x0;
	s5 =	sld [smem:$0x3FA5]  }
0x2b: {  	s6 =	sld [smem:$0x3FA6]  }
0x2c: {  	s7 =	sld [smem:$0x3FA7]  }
0x2d: {  	s3 =	simm.s32 $0x108;
	s8 =	sld [smem:$0x3FA8]  }
0x2e: {  	s3 =	simm.s32 @!p0 $0x1082;
	s9 =	sld [smem:$0x3FA9]  }
0x2f: {  	lr =	sadd.s32 s0, s3;
	s0 =	sld [smem:$0x3FA0]  }
0x30: {  	s3 =	sld [smem:$0x3FA3]  }
0x31: {  	[smem:$0x3FAC] =	sst s10  }
0x32: {  	s10 =	sld [smem:$0x3FAA];
	_ =	sdelay $0x3  }
0x33: {  	p0 =	seq.s32 s10, $0x1;
	s10 =	sld [smem:$0x3FAC];
	_ =	sdelay $0x3  }
0x34: {  	[smem:$0x3FAC] =	sst s10  }
0x35: {  	s10 =	sld [smem:$0x3FAB];
	_ =	sdelay $0x3  }
0x36: {  	p1 =	seq.s32 s10, $0x1;
	s10 =	sld [smem:$0x3FAC];
	_ =	sdelay $0x3  }
0x37: {  	[smem:$0x3FAC] =	sst s10  }
0x38: {  	s10 =	sld [smem:$0x3FAD]  }
0x39: {  	_ = 	snop;
	(pc) =	sbr.ind lr, $3  }
0x3a: {  	_ = 	snop  }
0x3b: {  	_ = 	snop  }
0x3c: {  	p2 =	seq.s32 s10, $0x1;
	s10 =	sld [smem:$0x3FAC]  }
0x3d: {  	_ =	shalt  }
0x3e: {  	_ =	shalt  }
0x3f: {  	_ =	shalt  }
0x40: {  	_ =	shalt  }
0x41: {  	_ =	shalt  }
0x42: {  	_ =	shalt  }
0x43: {  	_ =	shalt  }
0x44: {  	_ =	shalt  }
0x45: {  	_ =	shalt  }
0x46: {  	_ =	shalt  }
0x47: {  	_ =	shalt  }
0x48: {  	_ =	shalt  }
0x49: {  	_ =	shalt  }
0x4a: {  	_ =	shalt  }
0x4b: {  	_ =	shalt  }
0x4c: {  	_ =	shalt  }
0x4d: {  	_ =	shalt  }
0x4e: {  	_ =	shalt  }
0x4f: {  	_ =	shalt  }
0x50: {  	_ =	shalt  }
0x51: {  	_ =	shalt  }
0x52: {  	_ =	shalt  }
0x53: {  	_ =	shalt  }
0x54: {  	_ =	shalt  }
0x55: {  	_ =	shalt  }
0x56: {  	_ =	shalt  }
0x57: {  	_ =	shalt  }
0x58: {  	_ =	shalt  }
0x59: {  	_ =	shalt  }
0x5a: {  	_ =	shalt  }
0x5b: {  	_ =	shalt  }
0x5c: {  	_ =	shalt  }
0x5d: {  	_ =	shalt  }
0x5e: {  	_ =	shalt  }
0x5f: {  	_ =	shalt  }
0x60: {  	_ =	shalt  }
0x61: {  	_ =	shalt  }
0x62: {  	_ =	shalt  }
0x63: {  	_ =	shalt  }
0x64: {  	_ =	shalt  }
0x65: {  	_ =	shalt  }
0x66: {  	_ =	shalt  }
0x67: {  	_ =	shalt  }
0x68: {  	_ =	shalt  }
0x69: {  	_ =	shalt  }
0x6a: {  	_ =	shalt  }
0x6b: {  	_ =	shalt  }
0x6c: {  	_ =	shalt  }
0x6d: {  	_ =	shalt  }
0x6e: {  	_ =	shalt  }
0x6f: {  	_ =	shalt  }
0x70: {  	_ =	shalt  }
0x71: {  	_ =	shalt  }
0x72: {  	_ =	shalt  }
0x73: {  	_ =	shalt  }
0x74: {  	_ =	shalt  }
0x75: {  	_ =	shalt  }
0x76: {  	_ =	shalt  }
0x77: {  	_ =	shalt  }
0x78: {  	_ =	shalt  }
0x79: {  	_ =	shalt  }
0x7a: {  	_ =	shalt  }
0x7b: {  	_ =	shalt  }
0x7c: {  	_ =	shalt  }
0x7d: {  	_ =	shalt  }
0x7e: {  	_ =	shalt  }
0x7f: {  	_ =	shalt  }
0x80: {  	_ =	shalt  }
0x81: {  	_ =	shalt  }
0x82: {  	_ =	shalt  }
0x83: {  	_ =	shalt  }
0x84: {  	_ =	shalt  }
0x85: {  	_ =	shalt  }
0x86: {  	_ =	shalt  }
0x87: {  	_ =	shalt  }
.Lfunc_end0:
.L_simem_size_0:
called_computation_lowered:
.L_overlay_start_0:
0x88: {  	s2 =	sld [smem:$0x3FD9]  }
0x89: {  	s3 =	sld [smem:$0x3FFE];
	_ =	sdelay $0x1  }
0x8a: {  	s1 =	srdreg.scid  }
0x8b: {  	s0 =	sand.u32 $0x1, s1  }
0x8c: {  	s16 =	sshll.u32 s0, $0xA;
	s2 =	sadd.s32 s3, s2  }
0x8d: {  	s2 =	sadd.s32 s2, s16  }
0x8e: {  	[smem:$0x3FB8] =	sst s2  }
0x8f: {  	_ = 	snop  }
0x90: {  	(tm) =	ssettm $0x1  }
0x91: {  	s17 =	sld [smem:$0x3FFB];
	_ =	sdelay $0x3  }
0x92: {  	_ =	strace s17  }
0x93: {  	s2 =	sld [smem:$0x3FFC];
	_ =	sdelay $0x3  }
0x94: {  	_ =	strace s2  }
0x95: {  	s2 =	sld [smem:$0x3FFD];
	_ =	sdelay $0x3  }
0x96: {  	_ =	strace s2  }
0x97: {  	_ =	strace $0x8FFFFFFF  }
0x98: {  	s18 =	sld [smem:$0x3FDB];
	_ =	sdelay $0x1  }
0x99: {  	s19 =	simm.s32 $_scs_section_size  }
0x9a: {  	s4 =	simm.s32 $_size__tile_overlayer_lowered;
	s5 =	simm.s32 $_tile_overlayer_lowered  }
0x9b: {  	s22 =	simm.s32 $0x1BFF;
	s21 =	sshll.u32 s5, $0x1;
	s2 =	sadd.s32 s19, s18  }
0x9c: {  	s6 =	simm.s32 $0x0;
	s20 =	sshll.u32 s4, $0x1;
	s4 =	sadd.s32 s21, s2  }
0x9d: {  	[timem:s6], [sflag:s22] =	dma.local [hbm:s4], s20  }
0x9e: {  	_ =	swait.ge [sflag:s22], s20  }
0x9f: {  	s3 =	ssub.s32 $0x0, s20;
	[sflag:s22] =	ssyncset.done $0x0  }
0xa0: {  	[sflag:s22] =	ssyncadd.s32 s3;
	_ =	sdelay $0x1  }
0xa1: {  	s23 =	simm.s32 $0x1B8B  }
0xa2: {  	_ =	swait.ge [sflag:s23], $0x1  }
0xa3: {  	[sflag:s23] =	ssyncset.done $0x0  }
0xa4: {  	s25 =	simm.s32 $0x1B8E;
	s24 =	sld [smem:$0x3FFE];
	[sflag:s23] =	ssyncadd.s32 $0xFFFFFFFF  }
0xa5: {  	s26 =	simm.s32 $execute0_lowered;
	[smem:$0x3FD2] =	sst s25  }
0xa6: {  	s4 =	sshll.u32 s26, $0x1;
	_ =	strace $0x80000046;
	[dreg:$0x1] =	wrdreg $0xFFFFFFFF  }
0xa7: {  	s28 =	simm.s32 $_size_execute0_lowered;
	s2 =	sadd.s32 s2, s4;
	[dreg:$0x0] =	wrdreg $0x0  }
0xa8: {  	s4 =	sshll.u32 s28, $0x1;
	[dreg:$0x2] =	wrdreg s2  }
0xa9: {  	[dreg:$0x3] =	wrdreg s4  }
0xaa: {  	[dreg:$0x4] =	wrdreg $0xC0  }
0xab: {  	_ =	task [dreg:s6], $0x5FFFF  }
0xac: {  	[dreg:$0x1] =	wrdreg $0xFFFFFFFF  }
0xad: {  	[dreg:$0x0] =	wrdreg $0x60  }
0xae: {  	[dreg:$0x2] =	wrdreg s24  }
0xaf: {  	[dreg:$0x3] =	wrdreg $0x9  }
0xb0: {  	_ =	task.clear_ibuf [dreg:s6], $0x4FFFF;
	_ =	strace $0x90000046  }
0xb1: {  	s29 =	simm.s32 $0x9;
	_ =	strace $0x80000048  }
0xb2: {  	_ =	swait.ge [sflag:s29], $0x1  }
0xb3: {  	[sflag:s29] =	ssyncadd.s32 $0xFFFFFFFF  }
0xb4: {  	_ =	strace $0x90000048  }
0xb5: {  	_ =	sfence  }
0xb6: {  	s30 =	sld [smem:$0x0];
	_ =	sdelay $0x2  }
0xb7: {  	s31 =	sshll.u32 s1, $0xD;
	s1 =	sshrl.u32 s1, $0x2  }
0xb8: {  	s3 =	sand.u32 $0x4000, s31;
	s1 =	sadd.s32 s1, s30  }
0xb9: {  	s0 =	sor.u32 s3, s0;
	s1 =	sshll.u32 s1, $0x11  }
0xba: {  	s0 =	sor.u32 s1, s0  }
0xbb: {  	s0 =	sadd.s32 $0x8F2B, s0  }
0xbc: {  	[sflag:s0] =	ssyncadd.remote.s32 $0x1  }
0xbd: {  	_ =	sfence.sel $0xFFFF  }
0xbe: {  	[dreg:$0x0] =	wrdreg $0xFFFFFFFF;
	(pc) =	sbr.abs _section_cstart, $3  }
0xbf: {  	[dreg:$0x1] =	wrdreg $0xFFFFFFFF  }
0xc0: {  	_ =	task.clear_ibuf [dreg:s6], $0x2FFFF;
	_ =	strace $0x9FFFFFFF  }
0xc1: {  	(tm) =	ssettm $0x7FFFFFFF  }
tec
execute0_lowered:
.L_overlay_start_1:
0x0: {  	(tag) =	ssettag $0x1  }
0x1: {  	s1 =	srdreg.scid  }
0x2: {  	s0 =	stileid.u32;
	s5 =	rddreg [dreg:$0x0];
	s2 =	simm.s32 $0x0  }
0x3: {  	s10 =	simm.s32 $0x2780;
	s11 =	simm.s32 $0x3B80;
	s12 =	simm.s32 $0x4F80  }
0x4: {  	s3 =	sand.u32 $0x1, s1;
	s4 =	sshll.u32 s0, $0x1;
	s1 =	rddreg [dreg:$0x1]  }
0x5: {  	s13 =	simm.s32 $0x0;
	[smem:$0x7FF] =	sst s2;
	s4 =	sor.u32 s3, s4  }
0x6: {  	_ =	strace $0x80000047;
	s8 =	ssub.s32 $0x2, s3;
	s6 =	smul.u32 $0x280, s4  }
0x7: {  	s3 =	sadd.s32 $0xE000, s5;
	s7 =	smul.u32 $0x4F0, s4;
	s9 =	sshrl.u32 s8, $0x1  }
0x8: {  	s4 =	sadd.s32 $0xDA00, s5;
	s8 =	ssub.s32 s8, s9;
	s9 =	simm.s32 $0x1  }
0x9: {  	s6 =	sadd.s32 s6, s5;
	s7 =	sadd.s32 s7, s5;
	s8 =	smax.u32 s8, $0x1  }
0xa: {  	s5 =	sadd.s32 $0x8A00, s6;
	s6 =	sadd.s32 $0x3A00, s6;
	s7 =	sadd.s32 $0xE600, s7  }
.LBB2_1:
0xb: {  	[tilespmem:s2], [sflag:$0x1] =	stream.linear.gather [hbm4b:s3+s2], $0x2780, $0x38;
	[tilespmem:$0x7700] =	vst v63  }
0xc: {  	_ =	swait.ge [sflag:s9], $0x2780  }
0xd: {  	[sflag:s9] =	ssyncset.done $0x0  }
0xe: {  	[sflag:s9] =	ssyncadd.s32 $0xFFFFD880  }
0xf: {  	[tilespmem:s10], [sflag:$0x1] =	stream.linear.gather [hbm4b:s5+s2], $0x1400, $0x38;
	[tilespmem:$0x7700] =	vst v63  }
0x10: {  	_ =	swait.ge [sflag:s9], $0x1400  }
0x11: {  	[sflag:s9] =	ssyncset.done $0x0  }
0x12: {  	[sflag:s9] =	ssyncadd.s32 $0xFFFFEC00  }
0x13: {  	[tilespmem:s11], [sflag:$0x1] =	stream.linear.gather [hbm4b:s6+s2], $0x1400, $0x38;
	[tilespmem:$0x7700] =	vst v63  }
0x14: {  	_ =	swait.ge [sflag:s9], $0x1400  }
0x15: {  	[sflag:s9] =	ssyncset.done $0x0  }
0x16: {  	[sflag:s9] =	ssyncadd.s32 $0xFFFFEC00  }
0x17: {  	[tilespmem:s12], [sflag:$0x1] =	stream.linear.gather [hbm4b:s4+s2], $0x2780, $0x38;
	[tilespmem:$0x7700] =	vst v63  }
0x18: {  	_ =	swait.ge [sflag:s9], $0x2780  }
0x19: {  	[sflag:s9] =	ssyncset.done $0x0  }
0x1a: {  	s14 =	simm.s32 $0x0;
	[sflag:s9] =	ssyncadd.s32 $0xFFFFD880  }
.LBB2_2:
0x1b: {  	s15 =	sshra.s32 s14, $0x2  }
0x1c: {  	v0 =	vld [tilespmem:s15+$0x2780]  }
0x1d: {  	v1 =	vld [tilespmem:s15+$0x3B80];
	_ =	sdelay $0x6  }
0x1e: {  	v0 =	vld.idx.msk [tilespmem:v0+s2+$0x0], $0xffff  }
0x1f: {  	v2 =	vld.idx.msk [tilespmem:v1+s2+$0x0], $0xffff;
	_ =	sdelay $0x4  }
0x20: {  	v0 =	vmul.f32 v2, v0;
	_ =	sdelay $0x1  }
0x21: {  	[tilespmem:v1+s12+$0x0] =	vst.idx.add.f32.msk $0xffff, v0  }
0x22: {  	v0 =	vld [tilespmem:s15+$0x2790]  }
0x23: {  	v1 =	vld [tilespmem:s15+$0x3B90];
	_ =	sdelay $0x6  }
0x24: {  	v0 =	vld.idx.msk [tilespmem:v0+s2+$0x0], $0xffff  }
0x25: {  	v57 =	vld.idx.msk [tilespmem:v1+s2+$0x0], $0xffff;
	_ =	sdelay $0x4  }
0x26: {  	v0 =	vmul.f32 v57, v0;
	_ =	sdelay $0x1  }
0x27: {  	[tilespmem:v1+s12+$0x0] =	vst.idx.add.f32.msk $0xffff, v0  }
0x28: {  	v0 =	vld [tilespmem:s15+$0x27A0]  }
0x29: {  	v1 =	vld [tilespmem:s15+$0x3BA0];
	_ =	sdelay $0x6  }
0x2a: {  	v0 =	vld.idx.msk [tilespmem:v0+s2+$0x0], $0xffff  }
0x2b: {  	v58 =	vld.idx.msk [tilespmem:v1+s2+$0x0], $0xffff;
	_ =	sdelay $0x4  }
0x2c: {  	v0 =	vmul.f32 v58, v0;
	_ =	sdelay $0x1  }
0x2d: {  	[tilespmem:v1+s12+$0x0] =	vst.idx.add.f32.msk $0xffff, v0  }
0x2e: {  	v0 =	vld [tilespmem:s15+$0x27B0]  }
0x2f: {  	v1 =	vld [tilespmem:s15+$0x3BB0];
	_ =	sdelay $0x6  }
0x30: {  	v0 =	vld.idx.msk [tilespmem:v0+s2+$0x0], $0xffff  }
0x31: {  	v59 =	vld.idx.msk [tilespmem:v1+s2+$0x0], $0xffff;
	_ =	sdelay $0x4  }
0x32: {  	v0 =	vmul.f32 v59, v0;
	_ =	sdelay $0x1  }
0x33: {  	[tilespmem:v1+s12+$0x0] =	vst.idx.add.f32.msk $0xffff, v0  }
0x34: {  	v0 =	vld [tilespmem:s15+$0x27C0]  }
0x35: {  	v1 =	vld [tilespmem:s15+$0x3BC0];
	_ =	sdelay $0x6  }
0x36: {  	v0 =	vld.idx.msk [tilespmem:v0+s2+$0x0], $0xffff  }
0x37: {  	v60 =	vld.idx.msk [tilespmem:v1+s2+$0x0], $0xffff;
	_ =	sdelay $0x4  }
0x38: {  	v0 =	vmul.f32 v60, v0;
	_ =	sdelay $0x1  }
0x39: {  	[tilespmem:v1+s12+$0x0] =	vst.idx.add.f32.msk $0xffff, v0  }
0x3a: {  	v0 =	vld [tilespmem:s15+$0x27D0]  }
0x3b: {  	v1 =	vld [tilespmem:s15+$0x3BD0];
	_ =	sdelay $0x6  }
0x3c: {  	v0 =	vld.idx.msk [tilespmem:v0+s2+$0x0], $0xffff  }
0x3d: {  	v61 =	vld.idx.msk [tilespmem:v1+s2+$0x0], $0xffff;
	_ =	sdelay $0x4  }
0x3e: {  	v0 =	vmul.f32 v61, v0;
	_ =	sdelay $0x1  }
0x3f: {  	[tilespmem:v1+s12+$0x0] =	vst.idx.add.f32.msk $0xffff, v0  }
0x40: {  	v0 =	vld [tilespmem:s15+$0x27E0]  }
0x41: {  	v1 =	vld [tilespmem:s15+$0x3BE0];
	_ =	sdelay $0x6  }
0x42: {  	v0 =	vld.idx.msk [tilespmem:v0+s2+$0x0], $0xffff  }
0x43: {  	v62 =	vld.idx.msk [tilespmem:v1+s2+$0x0], $0xffff;
	_ =	sdelay $0x4  }
0x44: {  	v0 =	vmul.f32 v62, v0;
	_ =	sdelay $0x1  }
0x45: {  	[tilespmem:v1+s12+$0x0] =	vst.idx.add.f32.msk $0xffff, v0  }
0x46: {  	v0 =	vld [tilespmem:s15+$0x27F0]  }
0x47: {  	v1 =	vld [tilespmem:s15+$0x3BF0];
	_ =	sdelay $0x6  }
0x48: {  	v0 =	vld.idx.msk [tilespmem:v0+s2+$0x0], $0xffff  }
0x49: {  	v63 =	vld.idx.msk [tilespmem:v1+s2+$0x0], $0xffff;
	_ =	sdelay $0x1  }
0x4a: {  	p0 =	sne.s32 s14, $0x4E00  }
.Ltmp0:
0x4b: {  	_ = 	snop;
	(pc) =	sbr.rel @p0 .LBB2_2-.Ltmp0, $3  }
0x4c: {  	_ = 	snop  }
0x4d: {  	v0 =	vmul.f32 v63, v0;
	_ =	sdelay $0x1  }
0x4e: {  	s14 =	sadd.s32 $0x200, s14;
	[tilespmem:v1+s12+$0x0] =	vst.idx.add.f32.msk $0xffff, v0  }
0x4f: {  	s13 =	sadd.s32 $0x1, s13  }
0x50: {  	p0 =	sne.s32 s13, s8  }
.Ltmp1:
0x51: {  	_ = 	snop;
	(pc) =	sbr.rel @p0 .LBB2_1-.Ltmp1, $4  }
0x52: {  	[hbm4b:s7+s2] =	stream.linear.scatter [tilespmem:s12], [sflag:$0x1], $0x2780, $0x38;
	[tilespmem:$0x7700] =	vst v63  }
0x53: {  	_ =	swait.ge [sflag:s9], $0x2780  }
0x54: {  	[sflag:s9] =	ssyncset.done $0x0  }
0x55: {  	[sflag:s9] =	ssyncadd.s32 $0xFFFFD880  }
0x56: {  	_ =	sfence.sel $0x180000  }
0x57: {  	[bflag:$0x0] =	sbarrier.arrive $0xFFFF  }
0x58: {  	p0 =	sne.s32 s0, $0x0;
	_ =	strace $0x90000047  }
0x59: {  	s0 =	sadd.s32 @!p0 $0x100000, s1;
	[bflag:$0x2] =	sbarrier.arrive $0xFFFF  }
0x5a: {  	[sflag:s0] =	ssyncadd.tile.s32 @!p0 $0x1;
	_ =	shalt  }
.Lfunc_end2:
_tile_overlayer_lowered:
.L_overlay_start_2:
0x5b: {  	(tag) =	ssettag $0x2  }
0x5c: {  	s0 =	rddreg [dreg:$0x0];
	s2 =	stileid.u32  }
0x5d: {  	s1 =	rddreg [dreg:$0x1];
	p0 =	sne.s32 s2, $0x0  }
0x5e: {  	s3 =	rddreg [dreg:$0x2];
	[bflag:$0x3] =	sbarrier.arrive $0xFFFF;
	s2 =	simm.s32 @!p0 $0x1C01  }
0x5f: {  	[timem:s3], [sflag:s2] =	dma.local @!p0 [hbm:s0], s1  }
0x60: {  	s0 =	simm.s32 @!p0 $0x1  }
0x61: {  	_ =	swait.ge @!p0 [sflag:s0], s1  }
0x62: {  	s1 =	ssub.s32 @!p0 $0x0, s1;
	[sflag:s0] =	ssyncset.done @!p0 $0x0  }
0x63: {  	[sflag:s0] =	ssyncadd.s32 @!p0 s1  }
0x64: {  	[bflag:$0x3] =	sbarrier.arrive $0xFFFF  }
0x65: {  	_ =	shalt  }

// kernel: kernel.18.cloned.1.call-start
scs
__scs_entry_jumppad:
0x0: {  	(pc) =	sbr.rel $0x88, $3  }
0x1: {  	(tag) =	ssettag $0x0;
	lr =	simm.s32 $0x1  }
0x2: {  	[smem:$0x3F91] =	sst lr;
	_ =	strace $0xD0000000  }
0x3: {  	_ = 	snop  }
0x4: {  	_ = 	snop  }
0x5: {  	_ = 	snop  }
0x6: {  	_ = 	snop  }
0x7: {  	_ = 	snop  }
__scs_overlays_trampoline_lowered:
0x8: {  	[smem:$0x3FA0] =	sst s0  }
0x9: {  	[smem:$0x3FA1] =	sst s1  }
0xa: {  	[smem:$0x3FA2] =	sst s2  }
0xb: {  	[smem:$0x3FA3] =	sst s3  }
0xc: {  	[smem:$0x3FA4] =	sst s4  }
0xd: {  	[smem:$0x3FA5] =	sst s5  }
0xe: {  	[smem:$0x3FA6] =	sst s6  }
0xf: {  	[smem:$0x3FA7] =	sst s7  }
0x10: {  	[smem:$0x3FA8] =	sst s8  }
0x11: {  	[smem:$0x3FA9] =	sst s9;
	s0 =	simm.s32 @!p0 $0x0  }
0x12: {  	s1 =	sld [smem:$0x3F8F];
	s0 =	simm.s32 @p0 $0x1  }
0x13: {  	[smem:$0x3FAA] =	sst s0;
	s0 =	simm.s32 @!p1 $0x0  }
0x14: {  	s2 =	sld [smem:$0x3F8E];
	s0 =	simm.s32 @p1 $0x1  }
0x15: {  	[smem:$0x3FAB] =	sst s0;
	s0 =	simm.s32 @!p2 $0x0  }
0x16: {  	s3 =	sld [smem:$0x3FDB];
	s0 =	simm.s32 @p2 $0x1  }
0x17: {  	s4 =	simm.s32 $0x1BF5;
	[smem:$0x3FAD] =	sst s0  }
0x18: {  	s0 =	sld [smem:$0x3F90];
	_ =	swait.ge [sflag:s4], $0x0  }
0x19: {  	s7 =	sld [smem:$0x3F91]  }
0x1a: {  	s8 =	sadd.s32 $0xFFFFE003, lr  }
0x1b: {  	s9 =	sadd.s32 $0xFFFFFEF7, lr;
	s5 =	simm.s32 $0xFFFFFFFF;
	p2 =	slt.u32 s8, $0xFFFFF086  }
0x1c: {  	p1 =	slt.u32 s9, $0xF7A;
	s5 =	simm.s32 @!p2 $0x0  }
0x1d: {  	s5 =	simm.s32 @p1 $0x1;
	p0 =	seq.s32 s7, s2  }
0x1e: {  	s7 =	smul.u32 @!p0 $0xF7A, s2;
	p2 =	seq.s32 @!p0 s5, $0x0  }
0x1f: {  	s9 =	smul.u32 $0xF7A, s1;
	s8 =	simm.s32 @!p0 $0x1BF5;
	p2 =	por !p2, p0  }
0x20: {  	[sflag:s8] =	ssyncset.s32 @!p0 $0xFFFFF086;
	s6 =	sadd.s32 @!p0 s3, s7;
	s7 =	simm.s32 @!p0 $0x108  }
0x21: {  	s3 =	sadd.s32 s3, s9;
	s6 =	sadd.s32 @!p0 $0x88, s6;
	s7 =	simm.s32 @p2 $0x1082  }
0x22: {  	[simem:s7], [sflag:s8] =	dma.local @!p0 [hbm:s6], $0xF7A  }
0x23: {  	s9 =	sor.u32 $0xD0000000, s2;
	s6 =	simm.s32 $0x108;
	_ =	swait.ge @!p0 [sflag:s8], $0x0  }
0x24: {  	s3 =	sadd.s32 $0x88, s3;
	s6 =	simm.s32 @!p1 $0x1082;
	[sflag:s4] =	ssyncset.s32 $0xFFFFF086  }
0x25: {  	[simem:s6], [sflag:s4] =	dma.local [hbm:s3], $0xF7A  }
0x26: {  	[smem:$0x3F91] =	sst s1;
	(tag) =	ssettag s2;
	_ =	strace s9  }
0x27: {  	s1 =	sld [smem:$0x3FA1]  }
0x28: {  	s2 =	sld [smem:$0x3FA2]  }
0x29: {  	s4 =	sld [smem:$0x3FA4]  }
0x2a: {  	p0 =	seq.s32 s5, $0x0;
	s5 =	sld [smem:$0x3FA5]  }
0x2b: {  	s6 =	sld [smem:$0x3FA6]  }
0x2c: {  	s7 =	sld [smem:$0x3FA7]  }
0x2d: {  	s3 =	simm.s32 $0x108;
	s8 =	sld [smem:$0x3FA8]  }
0x2e: {  	s3 =	simm.s32 @!p0 $0x1082;
	s9 =	sld [smem:$0x3FA9]  }
0x2f: {  	lr =	sadd.s32 s0, s3;
	s0 =	sld [smem:$0x3FA0]  }
0x30: {  	s3 =	sld [smem:$0x3FA3]  }
0x31: {  	[smem:$0x3FAC] =	sst s10  }
0x32: {  	s10 =	sld [smem:$0x3FAA];
	_ =	sdelay $0x3  }
0x33: {  	p0 =	seq.s32 s10, $0x1;
	s10 =	sld [smem:$0x3FAC];
	_ =	sdelay $0x3  }
0x34: {  	[smem:$0x3FAC] =	sst s10  }
0x35: {  	s10 =	sld [smem:$0x3FAB];
	_ =	sdelay $0x3  }
0x36: {  	p1 =	seq.s32 s10, $0x1;
	s10 =	sld [smem:$0x3FAC];
	_ =	sdelay $0x3  }
0x37: {  	[smem:$0x3FAC] =	sst s10  }
0x38: {  	s10 =	sld [smem:$0x3FAD]  }
0x39: {  	_ = 	snop;
	(pc) =	sbr.ind lr, $3  }
0x3a: {  	_ = 	snop  }
0x3b: {  	_ = 	snop  }
0x3c: {  	p2 =	seq.s32 s10, $0x1;
	s10 =	sld [smem:$0x3FAC]  }
0x3d: {  	_ =	shalt  }
0x3e: {  	_ =	shalt  }
0x3f: {  	_ =	shalt  }
0x40: {  	_ =	shalt  }
0x41: {  	_ =	shalt  }
0x42: {  	_ =	shalt  }
0x43: {  	_ =	shalt  }
0x44: {  	_ =	shalt  }
0x45: {  	_ =	shalt  }
0x46: {  	_ =	shalt  }
0x47: {  	_ =	shalt  }
0x48: {  	_ =	shalt  }
0x49: {  	_ =	shalt  }
0x4a: {  	_ =	shalt  }
0x4b: {  	_ =	shalt  }
0x4c: {  	_ =	shalt  }
0x4d: {  	_ =	shalt  }
0x4e: {  	_ =	shalt  }
0x4f: {  	_ =	shalt  }
0x50: {  	_ =	shalt  }
0x51: {  	_ =	shalt  }
0x52: {  	_ =	shalt  }
0x53: {  	_ =	shalt  }
0x54: {  	_ =	shalt  }
0x55: {  	_ =	shalt  }
0x56: {  	_ =	shalt  }
0x57: {  	_ =	shalt  }
0x58: {  	_ =	shalt  }
0x59: {  	_ =	shalt  }
0x5a: {  	_ =	shalt  }
0x5b: {  	_ =	shalt  }
0x5c: {  	_ =	shalt  }
0x5d: {  	_ =	shalt  }
0x5e: {  	_ =	shalt  }
0x5f: {  	_ =	shalt  }
0x60: {  	_ =	shalt  }
0x61: {  	_ =	shalt  }
0x62: {  	_ =	shalt  }
0x63: {  	_ =	shalt  }
0x64: {  	_ =	shalt  }
0x65: {  	_ =	shalt  }
0x66: {  	_ =	shalt  }
0x67: {  	_ =	shalt  }
0x68: {  	_ =	shalt  }
0x69: {  	_ =	shalt  }
0x6a: {  	_ =	shalt  }
0x6b: {  	_ =	shalt  }
0x6c: {  	_ =	shalt  }
0x6d: {  	_ =	shalt  }
0x6e: {  	_ =	shalt  }
0x6f: {  	_ =	shalt  }
0x70: {  	_ =	shalt  }
0x71: {  	_ =	shalt  }
0x72: {  	_ =	shalt  }
0x73: {  	_ =	shalt  }
0x74: {  	_ =	shalt  }
0x75: {  	_ =	shalt  }
0x76: {  	_ =	shalt  }
0x77: {  	_ =	shalt  }
0x78: {  	_ =	shalt  }
0x79: {  	_ =	shalt  }
0x7a: {  	_ =	shalt  }
0x7b: {  	_ =	shalt  }
0x7c: {  	_ =	shalt  }
0x7d: {  	_ =	shalt  }
0x7e: {  	_ =	shalt  }
0x7f: {  	_ =	shalt  }
0x80: {  	_ =	shalt  }
0x81: {  	_ =	shalt  }
0x82: {  	_ =	shalt  }
0x83: {  	_ =	shalt  }
0x84: {  	_ =	shalt  }
0x85: {  	_ =	shalt  }
0x86: {  	_ =	shalt  }
0x87: {  	_ =	shalt  }
.Lfunc_end0:
.L_simem_size_0:
called_computation.1_lowered:
.L_overlay_start_0:
0x88: {  	s2 =	sld [smem:$0x3FD9]  }
0x89: {  	s3 =	sld [smem:$0x3FFE];
	_ =	sdelay $0x1  }
0x8a: {  	s1 =	srdreg.scid  }
0x8b: {  	s0 =	sand.u32 $0x1, s1  }
0x8c: {  	s16 =	sshll.u32 s0, $0xA;
	s2 =	sadd.s32 s3, s2  }
0x8d: {  	s2 =	sadd.s32 s2, s16  }
0x8e: {  	[smem:$0x3FB8] =	sst s2  }
0x8f: {  	_ = 	snop  }
0x90: {  	(tm) =	ssettm $0x1  }
0x91: {  	s17 =	sld [smem:$0x3FFB];
	_ =	sdelay $0x3  }
0x92: {  	_ =	strace s17  }
0x93: {  	s2 =	sld [smem:$0x3FFC];
	_ =	sdelay $0x3  }
0x94: {  	_ =	strace s2  }
0x95: {  	s2 =	sld [smem:$0x3FFD];
	_ =	sdelay $0x3  }
0x96: {  	_ =	strace s2  }
0x97: {  	_ =	strace $0x8FFFFFFF  }
0x98: {  	s18 =	sld [smem:$0x3FDB];
	_ =	sdelay $0x1  }
0x99: {  	s19 =	simm.s32 $_scs_section_size  }
0x9a: {  	s4 =	simm.s32 $_size__tile_overlayer_lowered;
	s5 =	simm.s32 $_tile_overlayer_lowered  }
0x9b: {  	s22 =	simm.s32 $0x1BFF;
	s21 =	sshll.u32 s5, $0x1;
	s2 =	sadd.s32 s19, s18  }
0x9c: {  	s6 =	simm.s32 $0x0;
	s20 =	sshll.u32 s4, $0x1;
	s4 =	sadd.s32 s21, s2  }
0x9d: {  	[timem:s6], [sflag:s22] =	dma.local [hbm:s4], s20  }
0x9e: {  	_ =	swait.ge [sflag:s22], s20  }
0x9f: {  	s3 =	ssub.s32 $0x0, s20;
	[sflag:s22] =	ssyncset.done $0x0  }
0xa0: {  	[sflag:s22] =	ssyncadd.s32 s3;
	_ =	sdelay $0x1  }
0xa1: {  	s23 =	simm.s32 $0x1B8B  }
0xa2: {  	_ =	swait.ge [sflag:s23], $0x1  }
0xa3: {  	[sflag:s23] =	ssyncset.done $0x0  }
0xa4: {  	s25 =	simm.s32 $0x1B8E;
	s24 =	sld [smem:$0x3FFE];
	[sflag:s23] =	ssyncadd.s32 $0xFFFFFFFF  }
0xa5: {  	s26 =	simm.s32 $execute0_lowered;
	[smem:$0x3FD2] =	sst s25  }
0xa6: {  	s4 =	sshll.u32 s26, $0x1;
	_ =	strace $0x80000049;
	[dreg:$0x1] =	wrdreg $0xFFFFFFFF  }
0xa7: {  	s28 =	simm.s32 $_size_execute0_lowered;
	s2 =	sadd.s32 s2, s4;
	[dreg:$0x0] =	wrdreg $0x0  }
0xa8: {  	s4 =	sshll.u32 s28, $0x1;
	[dreg:$0x2] =	wrdreg s2  }
0xa9: {  	[dreg:$0x3] =	wrdreg s4  }
0xaa: {  	[dreg:$0x4] =	wrdreg $0xC0  }
0xab: {  	_ =	task [dreg:s6], $0x5FFFF  }
0xac: {  	[dreg:$0x1] =	wrdreg $0xFFFFFFFF  }
0xad: {  	[dreg:$0x0] =	wrdreg $0x60  }
0xae: {  	[dreg:$0x2] =	wrdreg s24  }
0xaf: {  	[dreg:$0x3] =	wrdreg $0x90000  }
0xb0: {  	[dreg:$0x4] =	wrdreg $0x9  }
0xb1: {  	_ =	task.clear_ibuf [dreg:s6], $0x5FFFF;
	_ =	strace $0x90000049  }
0xb2: {  	s29 =	simm.s32 $0x9;
	_ =	strace $0x8000004B  }
0xb3: {  	_ =	swait.ge [sflag:s29], $0x1  }
0xb4: {  	[sflag:s29] =	ssyncadd.s32 $0xFFFFFFFF  }
0xb5: {  	_ =	strace $0x9000004B  }
0xb6: {  	_ =	sfence  }
0xb7: {  	s30 =	sld [smem:$0x0];
	_ =	sdelay $0x2  }
0xb8: {  	s31 =	sshll.u32 s1, $0xD;
	s1 =	sshrl.u32 s1, $0x2  }
0xb9: {  	s3 =	sand.u32 $0x4000, s31;
	s1 =	sadd.s32 s1, s30  }
0xba: {  	s0 =	sor.u32 s3, s0;
	s1 =	sshll.u32 s1, $0x11  }
0xbb: {  	s0 =	sor.u32 s1, s0  }
0xbc: {  	s0 =	sadd.s32 $0x8F2B, s0  }
0xbd: {  	[sflag:s0] =	ssyncadd.remote.s32 $0x1  }
0xbe: {  	_ =	sfence.sel $0xFFFF  }
0xbf: {  	[dreg:$0x0] =	wrdreg $0xFFFFFFFF;
	(pc) =	sbr.abs _section_cstart, $3  }
0xc0: {  	[dreg:$0x1] =	wrdreg $0xFFFFFFFF  }
0xc1: {  	_ =	task.clear_ibuf [dreg:s6], $0x2FFFF;
	_ =	strace $0x9FFFFFFF  }
0xc2: {  	(tm) =	ssettm $0x7FFFFFFF  }
0xc3: {  	_ =	shalt  }
tec
execute0_lowered:
.L_overlay_start_1:
0x0: {  	(tag) =	ssettag $0x1  }
0x1: {  	s5 =	rddreg [dreg:$0x0]  }
0x2: {  	s0 =	srdreg.scid;
	s2 =	rddreg [dreg:$0x1]  }
0x3: {  	s1 =	rddreg [dreg:$0x2];
	s3 =	simm.s32 $0x0;
	s4 =	sand.u32 $0x1, s0  }
0x4: {  	s14 =	simm.s32 $0x80;
	s0 =	stileid.u32;
	s6 =	smul.u32 $0x27100, s4  }
0x5: {  	s15 =	simm.s32 $0x5000;
	s16 =	simm.s32 $0x1;
	s7 =	smul.u32 $0x500, s0  }
0x6: {  	s17 =	simm.s32 $0x0;
	[smem:$0x7FF] =	sst s3;
	s8 =	smul.u32 $0x13C000, s4  }
0x7: {  	s9 =	smul.u32 $0x13C00, s0;
	_ =	strace $0x8000004A;
	s28 =	ssub.s32 $0x2, s4  }
0x8: {  	s29 =	smul.u32 $0x4F000, s0;
	s4 =	sadd.s32 $0x5C200, s5;
	s31 =	sshll.u32 s0, $0x6  }
0x9: {  	s11 =	sshrl.u32 s28, $0x1;
	s10 =	sadd.s32 s6, s5;
	s25 =	sadd.s32 s7, s5  }
0xa: {  	s26 =	sadd.s32 s9, s8;
	s11 =	ssub.s32 s28, s11;
	s30 =	sshrl.u32 s29, $0x2  }
0xb: {  	s7 =	sshrl.u32 s26, $0x3;
	s6 =	sadd.s32 $0x3A00, s25;
	s13 =	sadd.s32 s30, s2  }
0xc: {  	s9 =	smax.u32 s11, $0x1;
	s11 =	simm.s32 $0x2800;
	s12 =	sadd.s32 s7, s5  }
0xd: {  	s5 =	sadd.s32 $0x8A00, s25;
	s7 =	sadd.s32 $0xE000, s10;
	s10 =	simm.s32 $0x2  }
0xe: {  	s13 =	sshrl.u32 s13, $0x3;
	s8 =	sadd.s32 $0x5EA00, s12;
	s12 =	sor.u32 $0x1C02, s31  }
.LBB2_1:
0xf: {  	[tilespmem:s3], [sflag:$0x2] =	stream.linear.gather [hbm4b:s5+s3], $0x2800, $0x38;
	[tilespmem:$0x1CC00] =	vst v63  }
0x10: {  	_ =	swait.ge [sflag:s10], $0x2800  }
0x11: {  	[sflag:s10] =	ssyncset.done $0x0  }
0x12: {  	[sflag:s10] =	ssyncadd.s32 $0xFFFFD800  }
0x13: {  	[tilespmem:s11], [sflag:$0x2] =	stream.linear.gather [hbm4b:s6+s3], $0x2800, $0x38;
	[tilespmem:$0x1CC00] =	vst v63  }
0x14: {  	_ =	swait.ge [sflag:s10], $0x2800  }
0x15: {  	[sflag:s10] =	ssyncset.done $0x0  }
0x16: {  	[sflag:s10] =	ssyncadd.s32 $0xFFFFD800  }
0x17: {  	[spmem:s13], [sflag:s12] =	dma.local [hbm:s4], $0x2780  }
0x18: {  	_ =	swait.ge [sflag:s10], $0x2780  }
0x19: {  	[sflag:s10] =	ssyncset.done $0x0  }
0x1a: {  	[sflag:s10] =	ssyncadd.s32 $0xFFFFD880  }
0x1b: {  	s18 =	simm.s32 $0x0;
	[bflag:$0x0] =	sbarrier.arrive $0xFFFF  }
0x1c: {  	[tilespmem:s15], [sflag:$0x1] =	stream.indirect.gather [hbm4b:s7+s14], $0x80, s18, s14, $0xb8;
	[tilespmem:$0x1CC00] =	vst v63  }
0x1d: {  	_ =	swait.ge [sflag:s16], $0x4000  }
0x1e: {  	[sflag:s16] =	ssyncset.done $0x0  }
0x1f: {  	s31 =	simm.s32 $0x2800;
	[sflag:s16] =	ssyncadd.s32 $0xFFFFC000  }
0x20: {  	[spmem:s2] =	stream.indirect.scatter.add.f32 [tilespmem:s15], [sflag:$0x2], $0x80, s31, s14, $0xb8;
	[tilespmem:$0x1CC00] =	vst v63  }
0x21: {  	_ =	swait.ge [sflag:s10], $0x4000  }
0x22: {  	s19 =	simm.s32 $0x400;
	s18 =	simm.s32 $0x200;
	[sflag:s10] =	ssyncset.done $0x0  }
.LBB2_2:
0x23: {  	s20 =	sshra.s32 s18, $0x2  }
0x24: {  	[sflag:s10] =	ssyncadd.s32 $0xFFFFC000;
	s18 =	smov.u32 s19;
	s21 =	sadd.s32 $0x200, s19  }
0x25: {  	[tilespmem:s15], [sflag:$0x1] =	stream.indirect.gather [hbm4b:s7+s14], $0x80, s20, s14, $0xb8;
	[tilespmem:$0x1CC00] =	vst v63  }
0x26: {  	p0 =	sne.s32 s19, $0x9E00;
	_ =	swait.ge [sflag:s16], $0x4000  }
.Ltmp0:
0x27: {  	[sflag:s16] =	ssyncset.done $0x0;
	(pc) =	sbr.rel @p0 .LBB2_2-.Ltmp0, $4  }
0x28: {  	s19 =	sadd.s32 $0x2800, s20;
	[sflag:s16] =	ssyncadd.s32 $0xFFFFC000  }
0x29: {  	[spmem:s2] =	stream.indirect.scatter.add.f32 [tilespmem:s15], [sflag:$0x2], $0x80, s19, s14, $0xb8;
	[tilespmem:$0x1CC00] =	vst v63  }
0x2a: {  	_ =	swait.ge [sflag:s10], $0x4000  }
0x2b: {  	s19 =	smov.u32 s21;
	[sflag:s10] =	ssyncset.done $0x0  }
0x2c: {  	s18 =	sshra.s32 s18, $0x2;
	[sflag:s10] =	ssyncadd.s32 $0xFFFFC000  }
0x2d: {  	[tilespmem:s15], [sflag:$0x1] =	stream.indirect.gather [hbm4b:s7+s14], $0x80, s18, s14, $0xb8;
	[tilespmem:$0x1CC00] =	vst v63  }
0x2e: {  	_ =	swait.ge [sflag:s16], $0x4000  }
0x2f: {  	[sflag:s16] =	ssyncset.done $0x0  }
0x30: {  	s18 =	sadd.s32 $0x2800, s18;
	[sflag:s16] =	ssyncadd.s32 $0xFFFFC000  }
0x31: {  	[spmem:s2] =	stream.indirect.scatter.add.f32 [tilespmem:s15], [sflag:$0x2], $0x80, s18, s14, $0xb8;
	[tilespmem:$0x1CC00] =	vst v63  }
0x32: {  	_ =	swait.ge [sflag:s10], $0x4000  }
0x33: {  	[sflag:s10] =	ssyncset.done $0x0  }
0x34: {  	s17 =	sadd.s32 $0x1, s17;
	[sflag:s10] =	ssyncadd.s32 $0xFFFFC000  }
0x35: {  	p0 =	sne.s32 s17, s9;
	[bflag:$0x0] =	sbarrier.arrive $0xFFFF  }
0x36: {  	[hbm:s8], [sflag:s12] =	dma.local [spmem:s13], $0x2780  }
.Ltmp1:
0x37: {  	_ =	swait.ge [sflag:s10], $0x2780;
	(pc) =	sbr.rel @p0 .LBB2_1-.Ltmp1, $3  }
0x38: {  	[sflag:s10] =	ssyncset.done $0x0  }
0x39: {  	[sflag:s10] =	ssyncadd.s32 $0xFFFFD880  }
0x3a: {  	[bflag:$0x0] =	sbarrier.arrive $0xFFFF;
	_ =	sdelay $0x1  }
0x3b: {  	_ =	sfence.sel $0x180000  }
0x3c: {  	[bflag:$0x0] =	sbarrier.arrive $0xFFFF  }
0x3d: {  	p0 =	sne.s32 s0, $0x0;
	_ =	strace $0x9000004A  }
0x3e: {  	s0 =	sadd.s32 @!p0 $0x100000, s1;
	[bflag:$0x2] =	sbarrier.arrive $0xFFFF  }
0x3f: {  	[sflag:s0] =	ssyncadd.tile.s32 @!p0 $0x1;
	_ =	shalt  }
.Lfunc_end2:
_tile_overlayer_lowered:
.L_overlay_start_2:
0x40: {  	(tag) =	ssettag $0x2  }
0x41: {  	s0 =	rddreg [dreg:$0x0];
	s2 =	stileid.u32  }
0x42: {  	s1 =	rddreg [dreg:$0x1];
	p0 =	sne.s32 s2, $0x0  }
0x43: {  	s3 =	rddreg [dreg:$0x2];
	[bflag:$0x3] =	sbarrier.arrive $0xFFFF;
	s2 =	simm.s32 @!p0 $0x1C02  }
0x44: {  	[timem:s3], [sflag:s2] =	dma.local @!p0 [hbm:s0], s1  }
0x45: {  	s0 =	simm.s32 @!p0 $0x2  }
0x46: {  	_ =	swait.ge @!p0 [sflag:s0], s1  }
0x47: {  	s1 =	ssub.s32 @!p0 $0x0, s1;
	[sflag:s0] =	ssyncset.done @!p0 $0x0  }
0x48: {  	[sflag:s0] =	ssyncadd.s32 @!p0 s1  }
0x49: {  	[bflag:$0x3] =	sbarrier.arrive $0xFFFF  }
0x4a: {  	_ =	shalt  }

// kernel: kernel.21.cloned.1.call-start
scs
__scs_entry_jumppad:
0x0: {  	(pc) =	sbr.rel $0x88, $3  }
0x1: {  	(tag) =	ssettag $0x0;
	lr =	simm.s32 $0x1  }
0x2: {  	[smem:$0x3F91] =	sst lr;
	_ =	strace $0xD0000000  }
0x3: {  	_ = 	snop  }
0x4: {  	_ = 	snop  }
0x5: {  	_ = 	snop  }
0x6: {  	_ = 	snop  }
0x7: {  	_ = 	snop  }
__scs_overlays_trampoline_lowered:
0x8: {  	[smem:$0x3FA0] =	sst s0  }
0x9: {  	[smem:$0x3FA1] =	sst s1  }
0xa: {  	[smem:$0x3FA2] =	sst s2  }
0xb: {  	[smem:$0x3FA3] =	sst s3  }
0xc: {  	[smem:$0x3FA4] =	sst s4  }
0xd: {  	[smem:$0x3FA5] =	sst s5  }
0xe: {  	[smem:$0x3FA6] =	sst s6  }
0xf: {  	[smem:$0x3FA7] =	sst s7  }
0x10: {  	[smem:$0x3FA8] =	sst s8  }
0x11: {  	[smem:$0x3FA9] =	sst s9;
	s0 =	simm.s32 @!p0 $0x0  }
0x12: {  	s1 =	sld [smem:$0x3F8F];
	s0 =	simm.s32 @p0 $0x1  }
0x13: {  	[smem:$0x3FAA] =	sst s0;
	s0 =	simm.s32 @!p1 $0x0  }
0x14: {  	s2 =	sld [smem:$0x3F8E];
	s0 =	simm.s32 @p1 $0x1  }
0x15: {  	[smem:$0x3FAB] =	sst s0;
	s0 =	simm.s32 @!p2 $0x0  }
0x16: {  	s3 =	sld [smem:$0x3FDB];
	s0 =	simm.s32 @p2 $0x1  }
0x17: {  	s4 =	simm.s32 $0x1BF5;
	[smem:$0x3FAD] =	sst s0  }
0x18: {  	s0 =	sld [smem:$0x3F90];
	_ =	swait.ge [sflag:s4], $0x0  }
0x19: {  	s7 =	sld [smem:$0x3F91]  }
0x1a: {  	s8 =	sadd.s32 $0xFFFFE003, lr  }
0x1b: {  	s9 =	sadd.s32 $0xFFFFFEF7, lr;
	s5 =	simm.s32 $0xFFFFFFFF;
	p2 =	slt.u32 s8, $0xFFFFF086  }
0x1c: {  	p1 =	slt.u32 s9, $0xF7A;
	s5 =	simm.s32 @!p2 $0x0  }
0x1d: {  	s5 =	simm.s32 @p1 $0x1;
	p0 =	seq.s32 s7, s2  }
0x1e: {  	s7 =	smul.u32 @!p0 $0xF7A, s2;
	p2 =	seq.s32 @!p0 s5, $0x0  }
0x1f: {  	s9 =	smul.u32 $0xF7A, s1;
	s8 =	simm.s32 @!p0 $0x1BF5;
	p2 =	por !p2, p0  }
0x20: {  	[sflag:s8] =	ssyncset.s32 @!p0 $0xFFFFF086;
	s6 =	sadd.s32 @!p0 s3, s7;
	s7 =	simm.s32 @!p0 $0x108  }
0x21: {  	s3 =	sadd.s32 s3, s9;
	s6 =	sadd.s32 @!p0 $0x88, s6;
	s7 =	simm.s32 @p2 $0x1082  }
0x22: {  	[simem:s7], [sflag:s8] =	dma.local @!p0 [hbm:s6], $0xF7A  }
0x23: {  	s9 =	sor.u32 $0xD0000000, s2;
	s6 =	simm.s32 $0x108;
	_ =	swait.ge @!p0 [sflag:s8], $0x0  }
0x24: {  	s3 =	sadd.s32 $0x88, s3;
	s6 =	simm.s32 @!p1 $0x1082;
	[sflag:s4] =	ssyncset.s32 $0xFFFFF086  }
0x25: {  	[simem:s6], [sflag:s4] =	dma.local [hbm:s3], $0xF7A  }
0x26: {  	[smem:$0x3F91] =	sst s1;
	(tag) =	ssettag s2;
	_ =	strace s9  }
0x27: {  	s1 =	sld [smem:$0x3FA1]  }
0x28: {  	s2 =	sld [smem:$0x3FA2]  }
0x29: {  	s4 =	sld [smem:$0x3FA4]  }
0x2a: {  	p0 =	seq.s32 s5, $0x0;
	s5 =	sld [smem:$0x3FA5]  }
0x2b: {  	s6 =	sld [smem:$0x3FA6]  }
0x2c: {  	s7 =	sld [smem:$0x3FA7]  }
0x2d: {  	s3 =	simm.s32 $0x108;
	s8 =	sld [smem:$0x3FA8]  }
0x2e: {  	s3 =	simm.s32 @!p0 $0x1082;
	s9 =	sld [smem:$0x3FA9]  }
0x2f: {  	lr =	sadd.s32 s0, s3;
	s0 =	sld [smem:$0x3FA0]  }
0x30: {  	s3 =	sld [smem:$0x3FA3]  }
0x31: {  	[smem:$0x3FAC] =	sst s10  }
0x32: {  	s10 =	sld [smem:$0x3FAA];
	_ =	sdelay $0x3  }
0x33: {  	p0 =	seq.s32 s10, $0x1;
	s10 =	sld [smem:$0x3FAC];
	_ =	sdelay $0x3  }
0x34: {  	[smem:$0x3FAC] =	sst s10  }
0x35: {  	s10 =	sld [smem:$0x3FAB];
	_ =	sdelay $0x3  }
0x36: {  	p1 =	seq.s32 s10, $0x1;
	s10 =	sld [smem:$0x3FAC];
	_ =	sdelay $0x3  }
0x37: {  	[smem:$0x3FAC] =	sst s10  }
0x38: {  	s10 =	sld [smem:$0x3FAD]  }
0x39: {  	_ = 	snop;
	(pc) =	sbr.ind lr, $3  }
0x3a: {  	_ = 	snop  }
0x3b: {  	_ = 	snop  }
0x3c: {  	p2 =	seq.s32 s10, $0x1;
	s10 =	sld [smem:$0x3FAC]  }
0x3d: {  	_ =	shalt  }
0x3e: {  	_ =	shalt  }
0x3f: {  	_ =	shalt  }
0x40: {  	_ =	shalt  }
0x41: {  	_ =	shalt  }
0x42: {  	_ =	shalt  }
0x43: {  	_ =	shalt  }
0x44: {  	_ =	shalt  }
0x45: {  	_ =	shalt  }
0x46: {  	_ =	shalt  }
0x47: {  	_ =	shalt  }
0x48: {  	_ =	shalt  }
0x49: {  	_ =	shalt  }
0x4a: {  	_ =	shalt  }
0x4b: {  	_ =	shalt  }
0x4c: {  	_ =	shalt  }
0x4d: {  	_ =	shalt  }
0x4e: {  	_ =	shalt  }
0x4f: {  	_ =	shalt  }
0x50: {  	_ =	shalt  }
0x51: {  	_ =	shalt  }
0x52: {  	_ =	shalt  }
0x53: {  	_ =	shalt  }
0x54: {  	_ =	shalt  }
0x55: {  	_ =	shalt  }
0x56: {  	_ =	shalt  }
0x57: {  	_ =	shalt  }
0x58: {  	_ =	shalt  }
0x59: {  	_ =	shalt  }
0x5a: {  	_ =	shalt  }
0x5b: {  	_ =	shalt  }
0x5c: {  	_ =	shalt  }
0x5d: {  	_ =	shalt  }
0x5e: {  	_ =	shalt  }
0x5f: {  	_ =	shalt  }
0x60: {  	_ =	shalt  }
0x61: {  	_ =	shalt  }
0x62: {  	_ =	shalt  }
0x63: {  	_ =	shalt  }
0x64: {  	_ =	shalt  }
0x65: {  	_ =	shalt  }
0x66: {  	_ =	shalt  }
0x67: {  	_ =	shalt  }
0x68: {  	_ =	shalt  }
0x69: {  	_ =	shalt  }
0x6a: {  	_ =	shalt  }
0x6b: {  	_ =	shalt  }
0x6c: {  	_ =	shalt  }
0x6d: {  	_ =	shalt  }
0x6e: {  	_ =	shalt  }
0x6f: {  	_ =	shalt  }
0x70: {  	_ =	shalt  }
0x71: {  	_ =	shalt  }
0x72: {  	_ =	shalt  }
0x73: {  	_ =	shalt  }
0x74: {  	_ =	shalt  }
0x75: {  	_ =	shalt  }
0x76: {  	_ =	shalt  }
0x77: {  	_ =	shalt  }
0x78: {  	_ =	shalt  }
0x79: {  	_ =	shalt  }
0x7a: {  	_ =	shalt  }
0x7b: {  	_ =	shalt  }
0x7c: {  	_ =	shalt  }
0x7d: {  	_ =	shalt  }
0x7e: {  	_ =	shalt  }
0x7f: {  	_ =	shalt  }
0x80: {  	_ =	shalt  }
0x81: {  	_ =	shalt  }
0x82: {  	_ =	shalt  }
0x83: {  	_ =	shalt  }
0x84: {  	_ =	shalt  }
0x85: {  	_ =	shalt  }
0x86: {  	_ =	shalt  }
0x87: {  	_ =	shalt  }
.Lfunc_end0:
.L_simem_size_0:
called_computation.2_lowered:
.L_overlay_start_0:
0x88: {  	s2 =	sld [smem:$0x3FD9]  }
0x89: {  	s3 =	sld [smem:$0x3FFE];
	_ =	sdelay $0x1  }
0x8a: {  	s1 =	srdreg.scid  }
0x8b: {  	s0 =	sand.u32 $0x1, s1  }
0x8c: {  	s16 =	sshll.u32 s0, $0xA;
	s2 =	sadd.s32 s3, s2  }
0x8d: {  	s2 =	sadd.s32 s2, s16  }
0x8e: {  	[smem:$0x3FB8] =	sst s2  }
0x8f: {  	_ = 	snop  }
0x90: {  	(tm) =	ssettm $0x1  }
0x91: {  	s17 =	sld [smem:$0x3FFB];
	_ =	sdelay $0x3  }
0x92: {  	_ =	strace s17  }
0x93: {  	s2 =	sld [smem:$0x3FFC];
	_ =	sdelay $0x3  }
0x94: {  	_ =	strace s2  }
0x95: {  	s2 =	sld [smem:$0x3FFD];
	_ =	sdelay $0x3  }
0x96: {  	_ =	strace s2  }
0x97: {  	_ =	strace $0x8FFFFFFF  }
0x98: {  	s18 =	sld [smem:$0x3FDB];
	_ =	sdelay $0x1  }
0x99: {  	s19 =	simm.s32 $_scs_section_size  }
0x9a: {  	s4 =	simm.s32 $_size__tile_overlayer_lowered;
	s5 =	simm.s32 $_tile_overlayer_lowered  }
0x9b: {  	s22 =	simm.s32 $0x1BFF;
	s21 =	sshll.u32 s5, $0x1;
	s2 =	sadd.s32 s19, s18  }
0x9c: {  	s6 =	simm.s32 $0x0;
	s20 =	sshll.u32 s4, $0x1;
	s4 =	sadd.s32 s21, s2  }
0x9d: {  	[timem:s6], [sflag:s22] =	dma.local [hbm:s4], s20  }
0x9e: {  	_ =	swait.ge [sflag:s22], s20  }
0x9f: {  	s3 =	ssub.s32 $0x0, s20;
	[sflag:s22] =	ssyncset.done $0x0  }
0xa0: {  	[sflag:s22] =	ssyncadd.s32 s3;
	_ =	sdelay $0x1  }
0xa1: {  	s23 =	simm.s32 $0x1B8B  }
0xa2: {  	_ =	swait.ge [sflag:s23], $0x1  }
0xa3: {  	[sflag:s23] =	ssyncset.done $0x0  }
0xa4: {  	s25 =	simm.s32 $0x1B8E;
	s24 =	sld [smem:$0x3FFE];
	[sflag:s23] =	ssyncadd.s32 $0xFFFFFFFF  }
0xa5: {  	s26 =	simm.s32 $execute0_lowered;
	[smem:$0x3FD2] =	sst s25  }
0xa6: {  	s4 =	sshll.u32 s26, $0x1;
	_ =	strace $0x8000004C;
	[dreg:$0x1] =	wrdreg $0xFFFFFFFF  }
0xa7: {  	s28 =	simm.s32 $_size_execute0_lowered;
	s2 =	sadd.s32 s2, s4;
	[dreg:$0x0] =	wrdreg $0x0  }
0xa8: {  	s4 =	sshll.u32 s28, $0x1;
	[dreg:$0x2] =	wrdreg s2  }
0xa9: {  	[dreg:$0x3] =	wrdreg s4  }
0xaa: {  	[dreg:$0x4] =	wrdreg $0xC0  }
0xab: {  	_ =	task [dreg:s6], $0x5FFFF  }
0xac: {  	[dreg:$0x1] =	wrdreg $0xFFFFFFFF  }
0xad: {  	[dreg:$0x0] =	wrdreg $0x60  }
0xae: {  	[dreg:$0x2] =	wrdreg s24  }
0xaf: {  	[dreg:$0x3] =	wrdreg $0x9  }
0xb0: {  	_ =	task.clear_ibuf [dreg:s6], $0x4FFFF;
	_ =	strace $0x9000004C  }
0xb1: {  	s29 =	simm.s32 $0x9;
	_ =	strace $0x8000004E  }
0xb2: {  	_ =	swait.ge [sflag:s29], $0x1  }
0xb3: {  	[sflag:s29] =	ssyncadd.s32 $0xFFFFFFFF  }
0xb4: {  	_ =	strace $0x9000004E  }
0xb5: {  	_ =	sfence  }
0xb6: {  	s30 =	sld [smem:$0x0];
	_ =	sdelay $0x2  }
0xb7: {  	s31 =	sshll.u32 s1, $0xD;
	s1 =	sshrl.u32 s1, $0x2  }
0xb8: {  	s3 =	sand.u32 $0x4000, s31;
	s1 =	sadd.s32 s1, s30  }
0xb9: {  	s0 =	sor.u32 s3, s0;
	s1 =	sshll.u32 s1, $0x11  }
0xba: {  	s0 =	sor.u32 s1, s0  }
0xbb: {  	s0 =	sadd.s32 $0x8F2B, s0  }
0xbc: {  	[sflag:s0] =	ssyncadd.remote.s32 $0x1  }
0xbd: {  	_ =	sfence.sel $0xFFFF  }
0xbe: {  	[dreg:$0x0] =	wrdreg $0xFFFFFFFF;
	(pc) =	sbr.abs _section_cstart, $3  }
0xbf: {  	[dreg:$0x1] =	wrdreg $0xFFFFFFFF  }
0xc0: {  	_ =	task.clear_ibuf [dreg:s6], $0x2FFFF;
	_ =	strace $0x9FFFFFFF  }
0xc1: {  	(tm) =	ssettm $0x7FFFFFFF  }
tec
execute0_lowered:
.L_overlay_start_1:
0x0: {  	(tag) =	ssettag $0x1  }
0x1: {  	s1 =	srdreg.scid  }
0x2: {  	s0 =	stileid.u32;
	s5 =	rddreg [dreg:$0x0];
	s2 =	simm.s32 $0x0  }
0x3: {  	s10 =	simm.s32 $0x2780;
	s11 =	simm.s32 $0x3B80;
	s12 =	simm.s32 $0x4F80  }
0x4: {  	s3 =	sand.u32 $0x1, s1;
	s4 =	sshll.u32 s0, $0x1;
	s1 =	rddreg [dreg:$0x1]  }
0x5: {  	s13 =	simm.s32 $0x0;
	[smem:$0x7FF] =	sst s2;
	s4 =	sor.u32 s3, s4  }
0x6: {  	_ =	strace $0x8000004D;
	s8 =	ssub.s32 $0x2, s3;
	s6 =	smul.u32 $0x280, s4  }
0x7: {  	s3 =	sadd.s32 $0xE000, s5;
	s7 =	smul.u32 $0x4F0, s4;
	s9 =	sshrl.u32 s8, $0x1  }
0x8: {  	s4 =	sadd.s32 $0xDA00, s5;
	s8 =	ssub.s32 s8, s9;
	s9 =	simm.s32 $0x1  }
0x9: {  	s6 =	sadd.s32 s6, s5;
	s7 =	sadd.s32 s7, s5;
	s8 =	smax.u32 s8, $0x1  }
0xa: {  	s5 =	sadd.s32 $0x8A00, s6;
	s6 =	sadd.s32 $0x3A00, s6;
	s7 =	sadd.s32 $0xE600, s7  }
.LBB2_1:
0xb: {  	[tilespmem:s2], [sflag:$0x1] =	stream.linear.gather [hbm4b:s3+s2], $0x2780, $0x38;
	[tilespmem:$0x7700] =	vst v63  }
0xc: {  	_ =	swait.ge [sflag:s9], $0x2780  }
0xd: {  	[sflag:s9] =	ssyncset.done $0x0  }
0xe: {  	[sflag:s9] =	ssyncadd.s32 $0xFFFFD880  }
0xf: {  	[tilespmem:s10], [sflag:$0x1] =	stream.linear.gather [hbm4b:s5+s2], $0x1400, $0x38;
	[tilespmem:$0x7700] =	vst v63  }
0x10: {  	_ =	swait.ge [sflag:s9], $0x1400  }
0x11: {  	[sflag:s9] =	ssyncset.done $0x0  }
0x12: {  	[sflag:s9] =	ssyncadd.s32 $0xFFFFEC00  }
0x13: {  	[tilespmem:s11], [sflag:$0x1] =	stream.linear.gather [hbm4b:s6+s2], $0x1400, $0x38;
	[tilespmem:$0x7700] =	vst v63  }
0x14: {  	_ =	swait.ge [sflag:s9], $0x1400  }
0x15: {  	[sflag:s9] =	ssyncset.done $0x0  }
0x16: {  	[sflag:s9] =	ssyncadd.s32 $0xFFFFEC00  }
0x17: {  	[tilespmem:s12], [sflag:$0x1] =	stream.linear.gather [hbm4b:s4+s2], $0x2780, $0x38;
	[tilespmem:$0x7700] =	vst v63  }
0x18: {  	_ =	swait.ge [sflag:s9], $0x2780  }
0x19: {  	[sflag:s9] =	ssyncset.done $0x0  }
0x1a: {  	s14 =	simm.s32 $0x0;
	[sflag:s9] =	ssyncadd.s32 $0xFFFFD880  }
.LBB2_2:
0x1b: {  	s15 =	sshra.s32 s14, $0x2  }
0x1c: {  	v0 =	vld [tilespmem:s15+$0x2780]  }
0x1d: {  	v1 =	vld [tilespmem:s15+$0x3B80];
	_ =	sdelay $0x6  }
0x1e: {  	v0 =	vld.idx.msk [tilespmem:v0+s2+$0x0], $0xffff  }
0x1f: {  	v2 =	vld.idx.msk [tilespmem:v1+s2+$0x0], $0xffff;
	_ =	sdelay $0x4  }
0x20: {  	v0 =	vmul.f32 v2, v0;
	_ =	sdelay $0x1  }
0x21: {  	[tilespmem:v1+s12+$0x0] =	vst.idx.add.f32.msk $0xffff, v0  }
0x22: {  	v0 =	vld [tilespmem:s15+$0x2790]  }
0x23: {  	v1 =	vld [tilespmem:s15+$0x3B90];
	_ =	sdelay $0x6  }
0x24: {  	v0 =	vld.idx.msk [tilespmem:v0+s2+$0x0], $0xffff  }
0x25: {  	v57 =	vld.idx.msk [tilespmem:v1+s2+$0x0], $0xffff;
	_ =	sdelay $0x4  }
0x26: {  	v0 =	vmul.f32 v57, v0;
	_ =	sdelay $0x1  }
0x27: {  	[tilespmem:v1+s12+$0x0] =	vst.idx.add.f32.msk $0xffff, v0  }
0x28: {  	v0 =	vld [tilespmem:s15+$0x27A0]  }
0x29: {  	v1 =	vld [tilespmem:s15+$0x3BA0];
	_ =	sdelay $0x6  }
0x2a: {  	v0 =	vld.idx.msk [tilespmem:v0+s2+$0x0], $0xffff  }
0x2b: {  	v58 =	vld.idx.msk [tilespmem:v1+s2+$0x0], $0xffff;
	_ =	sdelay $0x4  }
0x2c: {  	v0 =	vmul.f32 v58, v0;
	_ =	sdelay $0x1  }
0x2d: {  	[tilespmem:v1+s12+$0x0] =	vst.idx.add.f32.msk $0xffff, v0  }
0x2e: {  	v0 =	vld [tilespmem:s15+$0x27B0]  }
0x2f: {  	v1 =	vld [tilespmem:s15+$0x3BB0];
	_ =	sdelay $0x6  }
0x30: {  	v0 =	vld.idx.msk [tilespmem:v0+s2+$0x0], $0xffff  }
0x31: {  	v59 =	vld.idx.msk [tilespmem:v1+s2+$0x0], $0xffff;
	_ =	sdelay $0x4  }
0x32: {  	v0 =	vmul.f32 v59, v0;
	_ =	sdelay $0x1  }
0x33: {  	[tilespmem:v1+s12+$0x0] =	vst.idx.add.f32.msk $0xffff, v0  }
0x34: {  	v0 =	vld [tilespmem:s15+$0x27C0]  }
0x35: {  	v1 =	vld [tilespmem:s15+$0x3BC0];
	_ =	sdelay $0x6  }
0x36: {  	v0 =	vld.idx.msk [tilespmem:v0+s2+$0x0], $0xffff  }
0x37: {  	v60 =	vld.idx.msk [tilespmem:v1+s2+$0x0], $0xffff;
	_ =	sdelay $0x4  }
0x38: {  	v0 =	vmul.f32 v60, v0;
	_ =	sdelay $0x1  }
0x39: {  	[tilespmem:v1+s12+$0x0] =	vst.idx.add.f32.msk $0xffff, v0  }
0x3a: {  	v0 =	vld [tilespmem:s15+$0x27D0]  }
0x3b: {  	v1 =	vld [tilespmem:s15+$0x3BD0];
	_ =	sdelay $0x6  }
0x3c: {  	v0 =	vld.idx.msk [tilespmem:v0+s2+$0x0], $0xffff  }
0x3d: {  	v61 =	vld.idx.msk [tilespmem:v1+s2+$0x0], $0xffff;
	_ =	sdelay $0x4  }
0x3e: {  	v0 =	vmul.f32 v61, v0;
	_ =	sdelay $0x1  }
0x3f: {  	[tilespmem:v1+s12+$0x0] =	vst.idx.add.f32.msk $0xffff, v0  }
0x40: {  	v0 =	vld [tilespmem:s15+$0x27E0]  }
0x41: {  	v1 =	vld [tilespmem:s15+$0x3BE0];
	_ =	sdelay $0x6  }
0x42: {  	v0 =	vld.idx.msk [tilespmem:v0+s2+$0x0], $0xffff  }
0x43: {  	v62 =	vld.idx.msk [tilespmem:v1+s2+$0x0], $0xffff;
	_ =	sdelay $0x4  }
0x44: {  	v0 =	vmul.f32 v62, v0;
	_ =	sdelay $0x1  }
0x45: {  	[tilespmem:v1+s12+$0x0] =	vst.idx.add.f32.msk $0xffff, v0  }
0x46: {  	v0 =	vld [tilespmem:s15+$0x27F0]  }
0x47: {  	v1 =	vld [tilespmem:s15+$0x3BF0];
	_ =	sdelay $0x6  }
0x48: {  	v0 =	vld.idx.msk [tilespmem:v0+s2+$0x0], $0xffff  }
0x49: {  	v63 =	vld.idx.msk [tilespmem:v1+s2+$0x0], $0xffff;
	_ =	sdelay $0x1  }
0x4a: {  	p0 =	sne.s32 s14, $0x4E00  }
.Ltmp0:
0x4b: {  	_ = 	snop;
	(pc) =	sbr.rel @p0 .LBB2_2-.Ltmp0, $3  }
0x4c: {  	_ = 	snop  }
0x4d: {  	v0 =	vmul.f32 v63, v0;
	_ =	sdelay $0x1  }
0x4e: {  	s14 =	sadd.s32 $0x200, s14;
	[tilespmem:v1+s12+$0x0] =	vst.idx.add.f32.msk $0xffff, v0  }
0x4f: {  	s13 =	sadd.s32 $0x1, s13  }
0x50: {  	p0 =	sne.s32 s13, s8  }
.Ltmp1:
0x51: {  	_ = 	snop;
	(pc) =	sbr.rel @p0 .LBB2_1-.Ltmp1, $4  }
0x52: {  	[hbm4b:s7+s2] =	stream.linear.scatter [tilespmem:s12], [sflag:$0x1], $0x2780, $0x38;
	[tilespmem:$0x7700] =	vst v63  }
0x53: {  	_ =	swait.ge [sflag:s9], $0x2780  }
0x54: {  	[sflag:s9] =	ssyncset.done $0x0  }
0x55: {  	[sflag:s9] =	ssyncadd.s32 $0xFFFFD880  }
0x56: {  	_ =	sfence.sel $0x180000  }
0x57: {  	[bflag:$0x0] =	sbarrier.arrive $0xFFFF  }
0x58: {  	p0 =	sne.s32 s0, $0x0;
	_ =	strace $0x9000004D  }
0x59: {  	s0 =	sadd.s32 @!p0 $0x100000, s1;
	[bflag:$0x2] =	sbarrier.arrive $0xFFFF  }
0x5a: {  	[sflag:s0] =	ssyncadd.tile.s32 @!p0 $0x1;
	_ =	shalt  }
.Lfunc_end2:
_tile_overlayer_lowered:
.L_overlay_start_2:
0x5b: {  	(tag) =	ssettag $0x2  }
0x5c: {  	s0 =	rddreg [dreg:$0x0];
	s2 =	stileid.u32  }
0x5d: {  	s1 =	rddreg [dreg:$0x1];
	p0 =	sne.s32 s2, $0x0  }
0x5e: {  	s3 =	rddreg [dreg:$0x2];
	[bflag:$0x3] =	sbarrier.arrive $0xFFFF;
	s2 =	simm.s32 @!p0 $0x1C01  }
0x5f: {  	[timem:s3], [sflag:s2] =	dma.local @!p0 [hbm:s0], s1  }
0x60: {  	s0 =	simm.s32 @!p0 $0x1  }
0x61: {  	_ =	swait.ge @!p0 [sflag:s0], s1  }
0x62: {  	s1 =	ssub.s32 @!p0 $0x0, s1;
	[sflag:s0] =	ssyncset.done @!p0 $0x0  }
0x63: {  	[sflag:s0] =	ssyncadd.s32 @!p0 s1  }
0x64: {  	[bflag:$0x3] =	sbarrier.arrive $0xFFFF  }
0x65: {  	_ =	shalt  }

// kernel: kernel.24.cloned.1.call-start
scs
__scs_entry_jumppad:
0x0: {  	(pc) =	sbr.rel $0x88, $3  }
0x1: {  	(tag) =	ssettag $0x0;
	lr =	simm.s32 $0x1  }
0x2: {  	[smem:$0x3F91] =	sst lr;
	_ =	strace $0xD0000000  }
0x3: {  	_ = 	snop  }
0x4: {  	_ = 	snop  }
0x5: {  	_ = 	snop  }
0x6: {  	_ = 	snop  }
0x7: {  	_ = 	snop  }
__scs_overlays_trampoline_lowered:
0x8: {  	[smem:$0x3FA0] =	sst s0  }
0x9: {  	[smem:$0x3FA1] =	sst s1  }
0xa: {  	[smem:$0x3FA2] =	sst s2  }
0xb: {  	[smem:$0x3FA3] =	sst s3  }
0xc: {  	[smem:$0x3FA4] =	sst s4  }
0xd: {  	[smem:$0x3FA5] =	sst s5  }
0xe: {  	[smem:$0x3FA6] =	sst s6  }
0xf: {  	[smem:$0x3FA7] =	sst s7  }
0x10: {  	[smem:$0x3FA8] =	sst s8  }
0x11: {  	[smem:$0x3FA9] =	sst s9;
	s0 =	simm.s32 @!p0 $0x0  }
0x12: {  	s1 =	sld [smem:$0x3F8F];
	s0 =	simm.s32 @p0 $0x1  }
0x13: {  	[smem:$0x3FAA] =	sst s0;
	s0 =	simm.s32 @!p1 $0x0  }
0x14: {  	s2 =	sld [smem:$0x3F8E];
	s0 =	simm.s32 @p1 $0x1  }
0x15: {  	[smem:$0x3FAB] =	sst s0;
	s0 =	simm.s32 @!p2 $0x0  }
0x16: {  	s3 =	sld [smem:$0x3FDB];
	s0 =	simm.s32 @p2 $0x1  }
0x17: {  	s4 =	simm.s32 $0x1BF5;
	[smem:$0x3FAD] =	sst s0  }
0x18: {  	s0 =	sld [smem:$0x3F90];
	_ =	swait.ge [sflag:s4], $0x0  }
0x19: {  	s7 =	sld [smem:$0x3F91]  }
0x1a: {  	s8 =	sadd.s32 $0xFFFFE003, lr  }
0x1b: {  	s9 =	sadd.s32 $0xFFFFFEF7, lr;
	s5 =	simm.s32 $0xFFFFFFFF;
	p2 =	slt.u32 s8, $0xFFFFF086  }
0x1c: {  	p1 =	slt.u32 s9, $0xF7A;
	s5 =	simm.s32 @!p2 $0x0  }
0x1d: {  	s5 =	simm.s32 @p1 $0x1;
	p0 =	seq.s32 s7, s2  }
0x1e: {  	s7 =	smul.u32 @!p0 $0xF7A, s2;
	p2 =	seq.s32 @!p0 s5, $0x0  }
0x1f: {  	s9 =	smul.u32 $0xF7A, s1;
	s8 =	simm.s32 @!p0 $0x1BF5;
	p2 =	por !p2, p0  }
0x20: {  	[sflag:s8] =	ssyncset.s32 @!p0 $0xFFFFF086;
	s6 =	sadd.s32 @!p0 s3, s7;
	s7 =	simm.s32 @!p0 $0x108  }
0x21: {  	s3 =	sadd.s32 s3, s9;
	s6 =	sadd.s32 @!p0 $0x88, s6;
	s7 =	simm.s32 @p2 $0x1082  }
0x22: {  	[simem:s7], [sflag:s8] =	dma.local @!p0 [hbm:s6], $0xF7A  }
0x23: {  	s9 =	sor.u32 $0xD0000000, s2;
	s6 =	simm.s32 $0x108;
	_ =	swait.ge @!p0 [sflag:s8], $0x0  }
0x24: {  	s3 =	sadd.s32 $0x88, s3;
	s6 =	simm.s32 @!p1 $0x1082;
	[sflag:s4] =	ssyncset.s32 $0xFFFFF086  }
0x25: {  	[simem:s6], [sflag:s4] =	dma.local [hbm:s3], $0xF7A  }
0x26: {  	[smem:$0x3F91] =	sst s1;
	(tag) =	ssettag s2;
	_ =	strace s9  }
0x27: {  	s1 =	sld [smem:$0x3FA1]  }
0x28: {  	s2 =	sld [smem:$0x3FA2]  }
0x29: {  	s4 =	sld [smem:$0x3FA4]  }
0x2a: {  	p0 =	seq.s32 s5, $0x0;
	s5 =	sld [smem:$0x3FA5]  }
0x2b: {  	s6 =	sld [smem:$0x3FA6]  }
0x2c: {  	s7 =	sld [smem:$0x3FA7]  }
0x2d: {  	s3 =	simm.s32 $0x108;
	s8 =	sld [smem:$0x3FA8]  }
0x2e: {  	s3 =	simm.s32 @!p0 $0x1082;
	s9 =	sld [smem:$0x3FA9]  }
0x2f: {  	lr =	sadd.s32 s0, s3;
	s0 =	sld [smem:$0x3FA0]  }
0x30: {  	s3 =	sld [smem:$0x3FA3]  }
0x31: {  	[smem:$0x3FAC] =	sst s10  }
0x32: {  	s10 =	sld [smem:$0x3FAA];
	_ =	sdelay $0x3  }
0x33: {  	p0 =	seq.s32 s10, $0x1;
	s10 =	sld [smem:$0x3FAC];
	_ =	sdelay $0x3  }
0x34: {  	[smem:$0x3FAC] =	sst s10  }
0x35: {  	s10 =	sld [smem:$0x3FAB];
	_ =	sdelay $0x3  }
0x36: {  	p1 =	seq.s32 s10, $0x1;
	s10 =	sld [smem:$0x3FAC];
	_ =	sdelay $0x3  }
0x37: {  	[smem:$0x3FAC] =	sst s10  }
0x38: {  	s10 =	sld [smem:$0x3FAD]  }
0x39: {  	_ = 	snop;
	(pc) =	sbr.ind lr, $3  }
0x3a: {  	_ = 	snop  }
0x3b: {  	_ = 	snop  }
0x3c: {  	p2 =	seq.s32 s10, $0x1;
	s10 =	sld [smem:$0x3FAC]  }
0x3d: {  	_ =	shalt  }
0x3e: {  	_ =	shalt  }
0x3f: {  	_ =	shalt  }
0x40: {  	_ =	shalt  }
0x41: {  	_ =	shalt  }
0x42: {  	_ =	shalt  }
0x43: {  	_ =	shalt  }
0x44: {  	_ =	shalt  }
0x45: {  	_ =	shalt  }
0x46: {  	_ =	shalt  }
0x47: {  	_ =	shalt  }
0x48: {  	_ =	shalt  }
0x49: {  	_ =	shalt  }
0x4a: {  	_ =	shalt  }
0x4b: {  	_ =	shalt  }
0x4c: {  	_ =	shalt  }
0x4d: {  	_ =	shalt  }
0x4e: {  	_ =	shalt  }
0x4f: {  	_ =	shalt  }
0x50: {  	_ =	shalt  }
0x51: {  	_ =	shalt  }
0x52: {  	_ =	shalt  }
0x53: {  	_ =	shalt  }
0x54: {  	_ =	shalt  }
0x55: {  	_ =	shalt  }
0x56: {  	_ =	shalt  }
0x57: {  	_ =	shalt  }
0x58: {  	_ =	shalt  }
0x59: {  	_ =	shalt  }
0x5a: {  	_ =	shalt  }
0x5b: {  	_ =	shalt  }
0x5c: {  	_ =	shalt  }
0x5d: {  	_ =	shalt  }
0x5e: {  	_ =	shalt  }
0x5f: {  	_ =	shalt  }
0x60: {  	_ =	shalt  }
0x61: {  	_ =	shalt  }
0x62: {  	_ =	shalt  }
0x63: {  	_ =	shalt  }
0x64: {  	_ =	shalt  }
0x65: {  	_ =	shalt  }
0x66: {  	_ =	shalt  }
0x67: {  	_ =	shalt  }
0x68: {  	_ =	shalt  }
0x69: {  	_ =	shalt  }
0x6a: {  	_ =	shalt  }
0x6b: {  	_ =	shalt  }
0x6c: {  	_ =	shalt  }
0x6d: {  	_ =	shalt  }
0x6e: {  	_ =	shalt  }
0x6f: {  	_ =	shalt  }
0x70: {  	_ =	shalt  }
0x71: {  	_ =	shalt  }
0x72: {  	_ =	shalt  }
0x73: {  	_ =	shalt  }
0x74: {  	_ =	shalt  }
0x75: {  	_ =	shalt  }
0x76: {  	_ =	shalt  }
0x77: {  	_ =	shalt  }
0x78: {  	_ =	shalt  }
0x79: {  	_ =	shalt  }
0x7a: {  	_ =	shalt  }
0x7b: {  	_ =	shalt  }
0x7c: {  	_ =	shalt  }
0x7d: {  	_ =	shalt  }
0x7e: {  	_ =	shalt  }
0x7f: {  	_ =	shalt  }
0x80: {  	_ =	shalt  }
0x81: {  	_ =	shalt  }
0x82: {  	_ =	shalt  }
0x83: {  	_ =	shalt  }
0x84: {  	_ =	shalt  }
0x85: {  	_ =	shalt  }
0x86: {  	_ =	shalt  }
0x87: {  	_ =	shalt  }
.Lfunc_end0:
.L_simem_size_0:
called_computation.3_lowered:
.L_overlay_start_0:
0x88: {  	s2 =	sld [smem:$0x3FD9]  }
0x89: {  	s3 =	sld [smem:$0x3FFE];
	_ =	sdelay $0x1  }
0x8a: {  	s1 =	srdreg.scid  }
0x8b: {  	s0 =	sand.u32 $0x1, s1  }
0x8c: {  	s16 =	sshll.u32 s0, $0xA;
	s2 =	sadd.s32 s3, s2  }
0x8d: {  	s2 =	sadd.s32 s2, s16  }
0x8e: {  	[smem:$0x3FB8] =	sst s2  }
0x8f: {  	_ = 	snop  }
0x90: {  	(tm) =	ssettm $0x1  }
0x91: {  	s17 =	sld [smem:$0x3FFB];
	_ =	sdelay $0x3  }
0x92: {  	_ =	strace s17  }
0x93: {  	s2 =	sld [smem:$0x3FFC];
	_ =	sdelay $0x3  }
0x94: {  	_ =	strace s2  }
0x95: {  	s2 =	sld [smem:$0x3FFD];
	_ =	sdelay $0x3  }
0x96: {  	_ =	strace s2  }
0x97: {  	_ =	strace $0x8FFFFFFF  }
0x98: {  	s18 =	sld [smem:$0x3FDB];
	_ =	sdelay $0x1  }
0x99: {  	s19 =	simm.s32 $_scs_section_size  }
0x9a: {  	s4 =	simm.s32 $_size__tile_overlayer_lowered;
	s5 =	simm.s32 $_tile_overlayer_lowered  }
0x9b: {  	s22 =	simm.s32 $0x1BFF;
	s21 =	sshll.u32 s5, $0x1;
	s2 =	sadd.s32 s19, s18  }
0x9c: {  	s6 =	simm.s32 $0x0;
	s20 =	sshll.u32 s4, $0x1;
	s4 =	sadd.s32 s21, s2  }
0x9d: {  	[timem:s6], [sflag:s22] =	dma.local [hbm:s4], s20  }
0x9e: {  	_ =	swait.ge [sflag:s22], s20  }
0x9f: {  	s3 =	ssub.s32 $0x0, s20;
	[sflag:s22] =	ssyncset.done $0x0  }
0xa0: {  	[sflag:s22] =	ssyncadd.s32 s3;
	_ =	sdelay $0x1  }
0xa1: {  	s23 =	simm.s32 $0x1B8B  }
0xa2: {  	_ =	swait.ge [sflag:s23], $0x1  }
0xa3: {  	[sflag:s23] =	ssyncset.done $0x0  }
0xa4: {  	s25 =	simm.s32 $0x1B8E;
	s24 =	sld [smem:$0x3FFE];
	[sflag:s23] =	ssyncadd.s32 $0xFFFFFFFF  }
0xa5: {  	s26 =	simm.s32 $execute0_lowered;
	[smem:$0x3FD2] =	sst s25  }
0xa6: {  	s4 =	sshll.u32 s26, $0x1;
	_ =	strace $0x8000004F;
	[dreg:$0x1] =	wrdreg $0xFFFFFFFF  }
0xa7: {  	s28 =	simm.s32 $_size_execute0_lowered;
	s2 =	sadd.s32 s2, s4;
	[dreg:$0x0] =	wrdreg $0x0  }
0xa8: {  	s4 =	sshll.u32 s28, $0x1;
	[dreg:$0x2] =	wrdreg s2  }
0xa9: {  	[dreg:$0x3] =	wrdreg s4  }
0xaa: {  	[dreg:$0x4] =	wrdreg $0xC0  }
0xab: {  	_ =	task [dreg:s6], $0x5FFFF  }
0xac: {  	[dreg:$0x1] =	wrdreg $0xFFFFFFFF  }
0xad: {  	[dreg:$0x0] =	wrdreg $0x60  }
0xae: {  	[dreg:$0x2] =	wrdreg s24  }
0xaf: {  	[dreg:$0x3] =	wrdreg $0x90000  }
0xb0: {  	[dreg:$0x4] =	wrdreg $0x9  }
0xb1: {  	_ =	task.clear_ibuf [dreg:s6], $0x5FFFF;
	_ =	strace $0x9000004F  }
0xb2: {  	s29 =	simm.s32 $0x9;
	_ =	strace $0x80000051  }
0xb3: {  	_ =	swait.ge [sflag:s29], $0x1  }
0xb4: {  	[sflag:s29] =	ssyncadd.s32 $0xFFFFFFFF  }
0xb5: {  	_ =	strace $0x90000051  }
0xb6: {  	_ =	sfence  }
0xb7: {  	s30 =	sld [smem:$0x0];
	_ =	sdelay $0x2  }
0xb8: {  	s31 =	sshll.u32 s1, $0xD;
	s1 =	sshrl.u32 s1, $0x2  }
0xb9: {  	s3 =	sand.u32 $0x4000, s31;
	s1 =	sadd.s32 s1, s30  }
0xba: {  	s0 =	sor.u32 s3, s0;
	s1 =	sshll.u32 s1, $0x11  }
0xbb: {  	s0 =	sor.u32 s1, s0  }
0xbc: {  	s0 =	sadd.s32 $0x8F2B, s0  }
0xbd: {  	[sflag:s0] =	ssyncadd.remote.s32 $0x1  }
0xbe: {  	_ =	sfence.sel $0xFFFF  }
0xbf: {  	[dreg:$0x0] =	wrdreg $0xFFFFFFFF;
	(pc) =	sbr.abs _section_cstart, $3  }
0xc0: {  	[dreg:$0x1] =	wrdreg $0xFFFFFFFF  }
0xc1: {  	_ =	task.clear_ibuf [dreg:s6], $0x2FFFF;
	_ =	strace $0x9FFFFFFF  }
0xc2: {  	(tm) =	ssettm $0x7FFFFFFF  }
0xc3: {  	_ =	shalt  }
tec
execute0_lowered:
.L_overlay_start_1:
0x0: {  	(tag) =	ssettag $0x1  }
0x1: {  	s5 =	rddreg [dreg:$0x0]  }
0x2: {  	s2 =	rddreg [dreg:$0x1]  }
0x3: {  	s0 =	rddreg [dreg:$0x2]  }
0x4: {  	s3 =	simm.s32 $0x0;
	s1 =	stileid.u32;
	s6 =	srdreg.scid  }
0x5: {  	[smem:$0x7FF] =	sst s3;
	s4 =	smul.u32 $0x500, s1;
	s14 =	sadd.s32 $0x5EA00, s5  }
0x6: {  	s9 =	sand.u32 $0x1, s6;
	s8 =	smul.u32 $0x4F000, s1;
	s15 =	sadd.s32 $0x197200, s5  }
0x7: {  	s12 =	smul.u32 $0x13C00, s1;
	s31 =	sshll.u32 s1, $0x6;
	_ =	strace $0x80000050  }
0x8: {  	s6 =	ssub.s32 $0x2, s9;
	s10 =	smul.u32 $0x9C400, s9;
	s11 =	sshll.u32 s9, $0x2  }
0x9: {  	s13 =	smul.u32 $0x4F0000, s9;
	s19 =	sshllo.u32 s9, $0x2;
	s7 =	sadd.s32 s4, s5  }
0xa: {  	s4 =	sadd.s32 $0x5C200, s5;
	s21 =	sshrl.u32 s6, $0x1;
	s20 =	smul.u32 $0x13C000, s19  }
0xb: {  	s8 =	sshrl.u32 s8, $0x2;
	s17 =	sor.u32 $0x1, s11;
	s28 =	smul.u32 $0x27100, s19  }
0xc: {  	s18 =	sor.u32 $0x2, s11;
	s19 =	sor.u32 $0x1C02, s31;
	s23 =	smul.u32 $0x13C000, s17  }
0xd: {  	s16 =	ssub.s32 s6, s21;
	s5 =	sadd.s32 $0x8A00, s7;
	s17 =	smul.u32 $0x27100, s17  }
0xe: {  	s6 =	sadd.s32 $0x3A00, s7;
	s7 =	sadd.s32 s8, s2;
	s25 =	smul.u32 $0x13C000, s18  }
0xf: {  	s8 =	sadd.s32 s14, s10;
	s22 =	sadd.s32 s12, s13;
	s26 =	smul.u32 $0x27100, s18  }
0x10: {  	s18 =	simm.s32 $0x2800;
	s21 =	simm.s32 $0x5000;
	s10 =	sshrl.u32 s22, $0x3  }
0x11: {  	s29 =	sadd.s32 s12, s20;
	s16 =	smax.u32 s16, $0x1;
	s20 =	simm.s32 $0x80  }
0x12: {  	s22 =	simm.s32 $0x1;
	s24 =	sadd.s32 s12, s23;
	s9 =	sadd.s32 s15, s10  }
0x13: {  	s10 =	sadd.s32 s14, s17;
	s13 =	sadd.s32 s12, s25;
	s12 =	sadd.s32 s14, s26  }
0x14: {  	s30 =	sshrl.u32 s29, $0x3;
	s14 =	sadd.s32 s14, s28;
	s17 =	simm.s32 $0x2  }
0x15: {  	s23 =	simm.s32 $0x0;
	s11 =	sshrl.u32 s24, $0x3;
	s13 =	sshrl.u32 s13, $0x3  }
0x16: {  	s11 =	sadd.s32 s15, s11;
	s13 =	sadd.s32 s15, s13;
	s15 =	sadd.s32 s15, s30  }
.LBB2_1:
0x17: {  	[tilespmem:s3], [sflag:$0x2] =	stream.linear.gather [hbm4b:s5+s3], $0x2800, $0x38;
	[tilespmem:$0x1CC00] =	vst v63  }
0x18: {  	_ =	swait.ge [sflag:s17], $0x2800  }
0x19: {  	[sflag:s17] =	ssyncset.done $0x0  }
0x1a: {  	[sflag:s17] =	ssyncadd.s32 $0xFFFFD800  }
0x1b: {  	[tilespmem:s18], [sflag:$0x2] =	stream.linear.gather [hbm4b:s6+s3], $0x2800, $0x38;
	[tilespmem:$0x1CC00] =	vst v63  }
0x1c: {  	_ =	swait.ge [sflag:s17], $0x2800  }
0x1d: {  	[sflag:s17] =	ssyncset.done $0x0  }
0x1e: {  	s24 =	sshrl.u32 s7, $0x3;
	[sflag:s17] =	ssyncadd.s32 $0xFFFFD800  }
0x1f: {  	[spmem:s24], [sflag:s19] =	dma.local [hbm:s4], $0x2780  }
0x20: {  	_ =	swait.ge [sflag:s17], $0x2780  }
0x21: {  	[sflag:s17] =	ssyncset.done $0x0  }
0x22: {  	[sflag:s17] =	ssyncadd.s32 $0xFFFFD880  }
0x23: {  	s25 =	simm.s32 $0x0;
	[bflag:$0x0] =	sbarrier.arrive $0xFFFF  }
0x24: {  	[tilespmem:s21], [sflag:$0x1] =	stream.indirect.gather [hbm4b:s8+s20], $0x80, s25, s20, $0xb8;
	[tilespmem:$0x1CC00] =	vst v63  }
0x25: {  	_ =	swait.ge [sflag:s22], $0x4000  }
0x26: {  	[sflag:s22] =	ssyncset.done $0x0  }
0x27: {  	s31 =	simm.s32 $0x2800;
	[sflag:s22] =	ssyncadd.s32 $0xFFFFC000  }
0x28: {  	[spmem:s2] =	stream.indirect.scatter.add.f32 [tilespmem:s21], [sflag:$0x2], $0x80, s31, s20, $0xb8;
	[tilespmem:$0x1CC00] =	vst v63  }
0x29: {  	_ =	swait.ge [sflag:s17], $0x4000  }
0x2a: {  	s26 =	simm.s32 $0x400;
	s25 =	simm.s32 $0x200;
	[sflag:s17] =	ssyncset.done $0x0  }
.LBB2_2:
0x2b: {  	s28 =	sshra.s32 s25, $0x2  }
0x2c: {  	[sflag:s17] =	ssyncadd.s32 $0xFFFFC000;
	s25 =	smov.u32 s26;
	s29 =	sadd.s32 $0x200, s26  }
0x2d: {  	[tilespmem:s21], [sflag:$0x1] =	stream.indirect.gather [hbm4b:s8+s20], $0x80, s28, s20, $0xb8;
	[tilespmem:$0x1CC00] =	vst v63  }
0x2e: {  	p0 =	sne.s32 s26, $0x9E00;
	_ =	swait.ge [sflag:s22], $0x4000  }
.Ltmp0:
0x2f: {  	[sflag:s22] =	ssyncset.done $0x0;
	(pc) =	sbr.rel @p0 .LBB2_2-.Ltmp0, $4  }
0x30: {  	s26 =	sadd.s32 $0x2800, s28;
	[sflag:s22] =	ssyncadd.s32 $0xFFFFC000  }
0x31: {  	[spmem:s2] =	stream.indirect.scatter.add.f32 [tilespmem:s21], [sflag:$0x2], $0x80, s26, s20, $0xb8;
	[tilespmem:$0x1CC00] =	vst v63  }
0x32: {  	_ =	swait.ge [sflag:s17], $0x4000  }
0x33: {  	s26 =	smov.u32 s29;
	[sflag:s17] =	ssyncset.done $0x0  }
0x34: {  	s25 =	sshra.s32 s25, $0x2;
	[sflag:s17] =	ssyncadd.s32 $0xFFFFC000  }
0x35: {  	[tilespmem:s21], [sflag:$0x1] =	stream.indirect.gather [hbm4b:s8+s20], $0x80, s25, s20, $0xb8;
	[tilespmem:$0x1CC00] =	vst v63  }
0x36: {  	_ =	swait.ge [sflag:s22], $0x4000  }
0x37: {  	[sflag:s22] =	ssyncset.done $0x0  }
0x38: {  	s25 =	sadd.s32 $0x2800, s25;
	[sflag:s22] =	ssyncadd.s32 $0xFFFFC000  }
0x39: {  	[spmem:s2] =	stream.indirect.scatter.add.f32 [tilespmem:s21], [sflag:$0x2], $0x80, s25, s20, $0xb8;
	[tilespmem:$0x1CC00] =	vst v63  }
0x3a: {  	_ =	swait.ge [sflag:s17], $0x4000  }
0x3b: {  	[sflag:s17] =	ssyncset.done $0x0  }
0x3c: {  	[sflag:s17] =	ssyncadd.s32 $0xFFFFC000  }
0x3d: {  	[bflag:$0x0] =	sbarrier.arrive $0xFFFF  }
0x3e: {  	[hbm:s9], [sflag:s19] =	dma.local [spmem:s24], $0x2780  }
0x3f: {  	_ =	swait.ge [sflag:s17], $0x2780  }
0x40: {  	[sflag:s17] =	ssyncset.done $0x0  }
0x41: {  	[sflag:s17] =	ssyncadd.s32 $0xFFFFD880  }
0x42: {  	[bflag:$0x0] =	sbarrier.arrive $0xFFFF  }
0x43: {  	[spmem:s24], [sflag:s19] =	dma.local [hbm:s4], $0x2780  }
0x44: {  	_ =	swait.ge [sflag:s17], $0x2780  }
0x45: {  	[sflag:s17] =	ssyncset.done $0x0  }
0x46: {  	[sflag:s17] =	ssyncadd.s32 $0xFFFFD880  }
0x47: {  	s30 =	simm.s32 $0x0;
	[bflag:$0x0] =	sbarrier.arrive $0xFFFF  }
0x48: {  	[tilespmem:s21], [sflag:$0x1] =	stream.indirect.gather [hbm4b:s10+s20], $0x80, s30, s20, $0xb8;
	[tilespmem:$0x1CC00] =	vst v63  }
0x49: {  	_ =	swait.ge [sflag:s22], $0x4000  }
0x4a: {  	[sflag:s22] =	ssyncset.done $0x0  }
0x4b: {  	s31 =	simm.s32 $0x2800;
	[sflag:s22] =	ssyncadd.s32 $0xFFFFC000  }
0x4c: {  	[spmem:s2] =	stream.indirect.scatter.add.f32 [tilespmem:s21], [sflag:$0x2], $0x80, s31, s20, $0xb8;
	[tilespmem:$0x1CC00] =	vst v63  }
0x4d: {  	_ =	swait.ge [sflag:s17], $0x4000  }
0x4e: {  	s26 =	simm.s32 $0x400;
	s25 =	simm.s32 $0x200;
	[sflag:s17] =	ssyncset.done $0x0  }
.LBB2_4:
0x4f: {  	s28 =	sshra.s32 s25, $0x2  }
0x50: {  	[sflag:s17] =	ssyncadd.s32 $0xFFFFC000;
	s25 =	smov.u32 s26;
	s29 =	sadd.s32 $0x200, s26  }
0x51: {  	[tilespmem:s21], [sflag:$0x1] =	stream.indirect.gather [hbm4b:s10+s20], $0x80, s28, s20, $0xb8;
	[tilespmem:$0x1CC00] =	vst v63  }
0x52: {  	p0 =	sne.s32 s26, $0x9E00;
	_ =	swait.ge [sflag:s22], $0x4000  }
.Ltmp1:
0x53: {  	[sflag:s22] =	ssyncset.done $0x0;
	(pc) =	sbr.rel @p0 .LBB2_4-.Ltmp1, $4  }
0x54: {  	s26 =	sadd.s32 $0x2800, s28;
	[sflag:s22] =	ssyncadd.s32 $0xFFFFC000  }
0x55: {  	[spmem:s2] =	stream.indirect.scatter.add.f32 [tilespmem:s21], [sflag:$0x2], $0x80, s26, s20, $0xb8;
	[tilespmem:$0x1CC00] =	vst v63  }
0x56: {  	_ =	swait.ge [sflag:s17], $0x4000  }
0x57: {  	s26 =	smov.u32 s29;
	[sflag:s17] =	ssyncset.done $0x0  }
0x58: {  	s25 =	sshra.s32 s25, $0x2;
	[sflag:s17] =	ssyncadd.s32 $0xFFFFC000  }
0x59: {  	[tilespmem:s21], [sflag:$0x1] =	stream.indirect.gather [hbm4b:s10+s20], $0x80, s25, s20, $0xb8;
	[tilespmem:$0x1CC00] =	vst v63  }
0x5a: {  	_ =	swait.ge [sflag:s22], $0x4000  }
0x5b: {  	[sflag:s22] =	ssyncset.done $0x0  }
0x5c: {  	s25 =	sadd.s32 $0x2800, s25;
	[sflag:s22] =	ssyncadd.s32 $0xFFFFC000  }
0x5d: {  	[spmem:s2] =	stream.indirect.scatter.add.f32 [tilespmem:s21], [sflag:$0x2], $0x80, s25, s20, $0xb8;
	[tilespmem:$0x1CC00] =	vst v63  }
0x5e: {  	_ =	swait.ge [sflag:s17], $0x4000  }
0x5f: {  	[sflag:s17] =	ssyncset.done $0x0  }
0x60: {  	[sflag:s17] =	ssyncadd.s32 $0xFFFFC000  }
0x61: {  	[bflag:$0x0] =	sbarrier.arrive $0xFFFF  }
0x62: {  	[hbm:s11], [sflag:s19] =	dma.local [spmem:s24], $0x2780  }
0x63: {  	_ =	swait.ge [sflag:s17], $0x2780  }
0x64: {  	[sflag:s17] =	ssyncset.done $0x0  }
0x65: {  	[sflag:s17] =	ssyncadd.s32 $0xFFFFD880  }
0x66: {  	[bflag:$0x0] =	sbarrier.arrive $0xFFFF  }
0x67: {  	[spmem:s24], [sflag:s19] =	dma.local [hbm:s4], $0x2780  }
0x68: {  	_ =	swait.ge [sflag:s17], $0x2780  }
0x69: {  	[sflag:s17] =	ssyncset.done $0x0  }
0x6a: {  	[sflag:s17] =	ssyncadd.s32 $0xFFFFD880  }
0x6b: {  	s30 =	simm.s32 $0x0;
	[bflag:$0x0] =	sbarrier.arrive $0xFFFF  }
0x6c: {  	[tilespmem:s21], [sflag:$0x1] =	stream.indirect.gather [hbm4b:s12+s20], $0x80, s30, s20, $0xb8;
	[tilespmem:$0x1CC00] =	vst v63  }
0x6d: {  	_ =	swait.ge [sflag:s22], $0x4000  }
0x6e: {  	[sflag:s22] =	ssyncset.done $0x0  }
0x6f: {  	s31 =	simm.s32 $0x2800;
	[sflag:s22] =	ssyncadd.s32 $0xFFFFC000  }
0x70: {  	[spmem:s2] =	stream.indirect.scatter.add.f32 [tilespmem:s21], [sflag:$0x2], $0x80, s31, s20, $0xb8;
	[tilespmem:$0x1CC00] =	vst v63  }
0x71: {  	_ =	swait.ge [sflag:s17], $0x4000  }
0x72: {  	s26 =	simm.s32 $0x400;
	s25 =	simm.s32 $0x200;
	[sflag:s17] =	ssyncset.done $0x0  }
.LBB2_6:
0x73: {  	s28 =	sshra.s32 s25, $0x2  }
0x74: {  	[sflag:s17] =	ssyncadd.s32 $0xFFFFC000;
	s25 =	smov.u32 s26;
	s29 =	sadd.s32 $0x200, s26  }
0x75: {  	[tilespmem:s21], [sflag:$0x1] =	stream.indirect.gather [hbm4b:s12+s20], $0x80, s28, s20, $0xb8;
	[tilespmem:$0x1CC00] =	vst v63  }
0x76: {  	p0 =	sne.s32 s26, $0x9E00;
	_ =	swait.ge [sflag:s22], $0x4000  }
.Ltmp2:
0x77: {  	[sflag:s22] =	ssyncset.done $0x0;
	(pc) =	sbr.rel @p0 .LBB2_6-.Ltmp2, $4  }
0x78: {  	s26 =	sadd.s32 $0x2800, s28;
	[sflag:s22] =	ssyncadd.s32 $0xFFFFC000  }
0x79: {  	[spmem:s2] =	stream.indirect.scatter.add.f32 [tilespmem:s21], [sflag:$0x2], $0x80, s26, s20, $0xb8;
	[tilespmem:$0x1CC00] =	vst v63  }
0x7a: {  	_ =	swait.ge [sflag:s17], $0x4000  }
0x7b: {  	s26 =	smov.u32 s29;
	[sflag:s17] =	ssyncset.done $0x0  }
0x7c: {  	s25 =	sshra.s32 s25, $0x2;
	[sflag:s17] =	ssyncadd.s32 $0xFFFFC000  }
0x7d: {  	[tilespmem:s21], [sflag:$0x1] =	stream.indirect.gather [hbm4b:s12+s20], $0x80, s25, s20, $0xb8;
	[tilespmem:$0x1CC00] =	vst v63  }
0x7e: {  	_ =	swait.ge [sflag:s22], $0x4000  }
0x7f: {  	[sflag:s22] =	ssyncset.done $0x0  }
0x80: {  	s25 =	sadd.s32 $0x2800, s25;
	[sflag:s22] =	ssyncadd.s32 $0xFFFFC000  }
0x81: {  	[spmem:s2] =	stream.indirect.scatter.add.f32 [tilespmem:s21], [sflag:$0x2], $0x80, s25, s20, $0xb8;
	[tilespmem:$0x1CC00] =	vst v63  }
0x82: {  	_ =	swait.ge [sflag:s17], $0x4000  }
0x83: {  	[sflag:s17] =	ssyncset.done $0x0  }
0x84: {  	[sflag:s17] =	ssyncadd.s32 $0xFFFFC000  }
0x85: {  	[bflag:$0x0] =	sbarrier.arrive $0xFFFF  }
0x86: {  	[hbm:s13], [sflag:s19] =	dma.local [spmem:s24], $0x2780  }
0x87: {  	_ =	swait.ge [sflag:s17], $0x2780  }
0x88: {  	[sflag:s17] =	ssyncset.done $0x0  }
0x89: {  	[sflag:s17] =	ssyncadd.s32 $0xFFFFD880  }
0x8a: {  	[bflag:$0x0] =	sbarrier.arrive $0xFFFF  }
0x8b: {  	[spmem:s24], [sflag:s19] =	dma.local [hbm:s4], $0x2780  }
0x8c: {  	_ =	swait.ge [sflag:s17], $0x2780  }
0x8d: {  	[sflag:s17] =	ssyncset.done $0x0  }
0x8e: {  	[sflag:s17] =	ssyncadd.s32 $0xFFFFD880  }
0x8f: {  	s30 =	simm.s32 $0x0;
	[bflag:$0x0] =	sbarrier.arrive $0xFFFF  }
0x90: {  	[tilespmem:s21], [sflag:$0x1] =	stream.indirect.gather [hbm4b:s14+s20], $0x80, s30, s20, $0xb8;
	[tilespmem:$0x1CC00] =	vst v63  }
0x91: {  	_ =	swait.ge [sflag:s22], $0x4000  }
0x92: {  	[sflag:s22] =	ssyncset.done $0x0  }
0x93: {  	s31 =	simm.s32 $0x2800;
	[sflag:s22] =	ssyncadd.s32 $0xFFFFC000  }
0x94: {  	[spmem:s2] =	stream.indirect.scatter.add.f32 [tilespmem:s21], [sflag:$0x2], $0x80, s31, s20, $0xb8;
	[tilespmem:$0x1CC00] =	vst v63  }
0x95: {  	_ =	swait.ge [sflag:s17], $0x4000  }
0x96: {  	s26 =	simm.s32 $0x400;
	s25 =	simm.s32 $0x200;
	[sflag:s17] =	ssyncset.done $0x0  }
.LBB2_8:
0x97: {  	s28 =	sshra.s32 s25, $0x2  }
0x98: {  	[sflag:s17] =	ssyncadd.s32 $0xFFFFC000;
	s25 =	smov.u32 s26;
	s29 =	sadd.s32 $0x200, s26  }
0x99: {  	[tilespmem:s21], [sflag:$0x1] =	stream.indirect.gather [hbm4b:s14+s20], $0x80, s28, s20, $0xb8;
	[tilespmem:$0x1CC00] =	vst v63  }
0x9a: {  	p0 =	sne.s32 s26, $0x9E00;
	_ =	swait.ge [sflag:s22], $0x4000  }
.Ltmp3:
0x9b: {  	[sflag:s22] =	ssyncset.done $0x0;
	(pc) =	sbr.rel @p0 .LBB2_8-.Ltmp3, $4  }
0x9c: {  	s26 =	sadd.s32 $0x2800, s28;
	[sflag:s22] =	ssyncadd.s32 $0xFFFFC000  }
0x9d: {  	[spmem:s2] =	stream.indirect.scatter.add.f32 [tilespmem:s21], [sflag:$0x2], $0x80, s26, s20, $0xb8;
	[tilespmem:$0x1CC00] =	vst v63  }
0x9e: {  	_ =	swait.ge [sflag:s17], $0x4000  }
0x9f: {  	s26 =	smov.u32 s29;
	[sflag:s17] =	ssyncset.done $0x0  }
0xa0: {  	s25 =	sshra.s32 s25, $0x2;
	[sflag:s17] =	ssyncadd.s32 $0xFFFFC000  }
0xa1: {  	[tilespmem:s21], [sflag:$0x1] =	stream.indirect.gather [hbm4b:s14+s20], $0x80, s25, s20, $0xb8;
	[tilespmem:$0x1CC00] =	vst v63  }
0xa2: {  	_ =	swait.ge [sflag:s22], $0x4000  }
0xa3: {  	[sflag:s22] =	ssyncset.done $0x0  }
0xa4: {  	s25 =	sadd.s32 $0x2800, s25;
	[sflag:s22] =	ssyncadd.s32 $0xFFFFC000  }
0xa5: {  	[spmem:s2] =	stream.indirect.scatter.add.f32 [tilespmem:s21], [sflag:$0x2], $0x80, s25, s20, $0xb8;
	[tilespmem:$0x1CC00] =	vst v63  }
0xa6: {  	_ =	swait.ge [sflag:s17], $0x4000  }
0xa7: {  	[sflag:s17] =	ssyncset.done $0x0  }
0xa8: {  	s23 =	sadd.s32 $0x1, s23;
	[sflag:s17] =	ssyncadd.s32 $0xFFFFC000  }
0xa9: {  	p0 =	sne.s32 s23, s16;
	[bflag:$0x0] =	sbarrier.arrive $0xFFFF  }
0xaa: {  	[hbm:s15], [sflag:s19] =	dma.local [spmem:s24], $0x2780  }
.Ltmp4:
0xab: {  	_ =	swait.ge [sflag:s17], $0x2780;
	(pc) =	sbr.rel @p0 .LBB2_1-.Ltmp4, $3  }
0xac: {  	[sflag:s17] =	ssyncset.done $0x0  }
0xad: {  	[sflag:s17] =	ssyncadd.s32 $0xFFFFD880  }
0xae: {  	[bflag:$0x0] =	sbarrier.arrive $0xFFFF;
	_ =	sdelay $0x1  }
0xaf: {  	_ =	sfence.sel $0x180000  }
0xb0: {  	[bflag:$0x0] =	sbarrier.arrive $0xFFFF  }
0xb1: {  	p0 =	sne.s32 s1, $0x0;
	_ =	strace $0x90000050  }
0xb2: {  	s0 =	sadd.s32 @!p0 $0x100000, s0;
	[bflag:$0x2] =	sbarrier.arrive $0xFFFF  }
0xb3: {  	[sflag:s0] =	ssyncadd.tile.s32 @!p0 $0x1;
	_ =	shalt  }
.Lfunc_end2:
_tile_overlayer_lowered:
.L_overlay_start_2:
0xb4: {  	(tag) =	ssettag $0x2  }
0xb5: {  	s0 =	rddreg [dreg:$0x0];
	s2 =	stileid.u32  }
0xb6: {  	s1 =	rddreg [dreg:$0x1];
	p0 =	sne.s32 s2, $0x0  }
0xb7: {  	s3 =	rddreg [dreg:$0x2];
	[bflag:$0x3] =	sbarrier.arrive $0xFFFF;
	s2 =	simm.s32 @!p0 $0x1C02  }
0xb8: {  	[timem:s3], [sflag:s2] =	dma.local @!p0 [hbm:s0], s1  }
0xb9: {  	s0 =	simm.s32 @!p0 $0x2  }
0xba: {  	_ =	swait.ge @!p0 [sflag:s0], s1  }
0xbb: {  	s1 =	ssub.s32 @!p0 $0x0, s1;
	[sflag:s0] =	ssyncset.done @!p0 $0x0  }
0xbc: {  	[sflag:s0] =	ssyncadd.s32 @!p0 s1  }
0xbd: {  	[bflag:$0x3] =	sbarrier.arrive $0xFFFF  }
0xbe: {  	_ =	shalt  }

</sc_bundles>
